<compile_context>
chip_gen: v7x
topology: tpu7x:2x2x1
jax: 0.10.2.dev20260603
libtpu: 0.0.44.dev20260713+nightly
codegen_flags: <defaults>
</compile_context>

<pallas_src>
import functools

import jax
import jax.numpy as jnp
from jax import lax
from jax.experimental import pallas as pl
from jax.experimental.pallas import tpu as pltpu
from jax.experimental.pallas import tpu_sc as plsc

NC = 2
NS = 16
NW = NC * NS
EB = 128
LW = 128
BLK = 1024


def _ceil_to(v, m):
    return (v + m - 1) // m * m



@functools.lru_cache(maxsize=None)
def _deg_sc(np_, k):
    rt = np_ // NS
    mesh = plsc.VectorSubcoreMesh(core_axis_name="c", subcore_axis_name="s")

    @functools.partial(
        pl.kernel,
        out_type=jax.ShapeDtypeStruct((NC * np_, LW), jnp.float32),
        mesh=mesh,
        scratch_types=[
            pltpu.VMEM((EB,), jnp.int32),
            pltpu.VMEM((EB, LW), jnp.float32),
            pltpu.VMEM_SHARED((np_, LW), jnp.float32),
        ],
    )
    def deg_kernel(dst_hbm, ones_hbm, zeros_hbm, out_hbm, dst_v, ones_v, acc_sh):
        c = lax.axis_index("c")
        s = lax.axis_index("s")
        wid = c * NS + s
        r0 = s * rt
        pltpu.sync_copy(zeros_hbm.at[pl.ds(r0, rt)], acc_sh.at[pl.ds(r0, rt)])
        pltpu.sync_copy(ones_hbm, ones_v)
        plsc.subcore_barrier()

        def step(j, carry):
            pltpu.sync_copy(dst_hbm.at[wid * k + j], dst_v)
            pltpu.sync_copy(ones_v, acc_sh.at[dst_v], add=True)
            return carry

        lax.fori_loop(0, k, step, 0)
        plsc.subcore_barrier()
        pltpu.sync_copy(acc_sh.at[pl.ds(r0, rt)], out_hbm.at[pl.ds(c * np_ + r0, rt)])

    return deg_kernel


@functools.lru_cache(maxsize=None)
def _agg_sc(np_, k):
    rt = np_ // NS
    mesh = plsc.VectorSubcoreMesh(core_axis_name="c", subcore_axis_name="s")

    @functools.partial(
        pl.kernel,
        out_type=jax.ShapeDtypeStruct((NC * np_, LW), jnp.float32),
        mesh=mesh,
        scratch_types=[
            pltpu.VMEM((EB,), jnp.int32),
            pltpu.VMEM((EB,), jnp.int32),
            pltpu.VMEM((EB,), jnp.int32),
            pltpu.VMEM((EB,), jnp.int32),
            pltpu.VMEM((EB, LW), jnp.float32),
            pltpu.VMEM((EB, LW), jnp.float32),
            pltpu.VMEM_SHARED((np_, LW), jnp.float32),
            pltpu.SemaphoreType.DMA,
            pltpu.SemaphoreType.DMA,
            pltpu.SemaphoreType.DMA,
            pltpu.SemaphoreType.DMA,
        ],
    )
    def agg_kernel(src_hbm, dst_hbm, y_hbm, zeros_hbm, out_hbm,
                   src_v0, dst_v0, src_v1, dst_v1, rows_v0, rows_v1, acc_sh,
                   sem_g0, sem_g1, sem_s0, sem_s1):
        c = lax.axis_index("c")
        s = lax.axis_index("s")
        wid = c * NS + s
        r0 = s * rt
        bufs = ((src_v0, dst_v0, rows_v0, sem_g0, sem_s0),
                (src_v1, dst_v1, rows_v1, sem_g1, sem_s1))
        pltpu.sync_copy(zeros_hbm.at[pl.ds(r0, rt)], acc_sh.at[pl.ds(r0, rt)])
        plsc.subcore_barrier()

        for b, (sv, dv, rv, sg, ss) in enumerate(bufs):
            pltpu.sync_copy(src_hbm.at[wid * k + b], sv)
            pltpu.sync_copy(dst_hbm.at[wid * k + b], dv)
            pltpu.async_copy(y_hbm.at[sv], rv, sg)

        def step(i, carry):
            for b, (sv, dv, rv, sg, ss) in enumerate(bufs):
                j = 2 * i + b
                pltpu.make_async_copy(y_hbm.at[sv], rv, sg).wait()
                pltpu.async_copy(rv, acc_sh.at[dv], ss, add=True)

                @pl.when(j + 2 < k)
                def _():
                    pltpu.make_async_copy(rv, acc_sh.at[dv], ss).wait()
                    pltpu.sync_copy(src_hbm.at[wid * k + j + 2], sv)
                    pltpu.sync_copy(dst_hbm.at[wid * k + j + 2], dv)
                    pltpu.async_copy(y_hbm.at[sv], rv, sg)

            return carry

        lax.fori_loop(0, k // 2, step, 0)
        for b, (sv, dv, rv, sg, ss) in enumerate(bufs):
            pltpu.make_async_copy(rv, acc_sh.at[dv], ss).wait()
        plsc.subcore_barrier()
        pltpu.sync_copy(acc_sh.at[pl.ds(r0, rt)], out_hbm.at[pl.ds(c * np_ + r0, rt)])

    return agg_kernel


def _deg_call(dst, ones, zeros):
    np_ = zeros.shape[0]
    k = dst.shape[0] // NW
    return _deg_sc(np_, k)(dst, ones, zeros)


def _agg_call(src, dst, y, zeros):
    np_ = zeros.shape[0]
    k = src.shape[0] // NW
    return _agg_sc(np_, k)(src, dst, y, zeros)



def _pre_tc(xp, w_in, b_in, wc0, deg0, deg1):
    np_, f_in = xp.shape

    def body(x_ref, win_ref, bin_ref, wc_ref, d0_ref, d1_ref,
             h_ref, y_ref, dis_ref):
        h0 = jnp.dot(x_ref[...], win_ref[...],
                     preferred_element_type=jnp.float32) + bin_ref[...]
        dis = lax.rsqrt(d0_ref[...] + d1_ref[...] + 1.0)
        h_ref[...] = h0
        dis_ref[...] = dis
        y_ref[...] = jnp.dot(h0, wc_ref[...],
                             preferred_element_type=jnp.float32) * dis

    return pl.pallas_call(
        body,
        grid=(np_ // BLK,),
        in_specs=[
            pl.BlockSpec((BLK, f_in), lambda i: (i, 0)),
            pl.BlockSpec((f_in, LW), lambda i: (0, 0)),
            pl.BlockSpec((1, LW), lambda i: (0, 0)),
            pl.BlockSpec((LW, LW), lambda i: (0, 0)),
            pl.BlockSpec((BLK, LW), lambda i: (i, 0)),
            pl.BlockSpec((BLK, LW), lambda i: (i, 0)),
        ],
        out_specs=[
            pl.BlockSpec((BLK, LW), lambda i: (i, 0)),
            pl.BlockSpec((BLK, LW), lambda i: (i, 0)),
            pl.BlockSpec((BLK, LW), lambda i: (i, 0)),
        ],
        out_shape=[
            jax.ShapeDtypeStruct((np_, LW), jnp.float32),
            jax.ShapeDtypeStruct((np_, LW), jnp.float32),
            jax.ShapeDtypeStruct((np_, LW), jnp.float32),
        ],
    )(xp, w_in, b_in, wc0, deg0, deg1)


def _mid_tc(hs, y, agg0, agg1, dis, b_cur, w_next):
    np_ = hs.shape[0]

    def body(h_ref, y_ref, a0_ref, a1_ref, dis_ref, b_ref, w_ref,
             ho_ref, yo_ref):
        upd = jax.nn.relu(dis_ref[...] * (a0_ref[...] + a1_ref[...] + y_ref[...])
                          + b_ref[...])
        hn = h_ref[...] + upd
        ho_ref[...] = hn
        yo_ref[...] = jnp.dot(hn, w_ref[...],
                              preferred_element_type=jnp.float32) * dis_ref[...]

    return pl.pallas_call(
        body,
        grid=(np_ // BLK,),
        in_specs=[
            pl.BlockSpec((BLK, LW), lambda i: (i, 0)),
            pl.BlockSpec((BLK, LW), lambda i: (i, 0)),
            pl.BlockSpec((BLK, LW), lambda i: (i, 0)),
            pl.BlockSpec((BLK, LW), lambda i: (i, 0)),
            pl.BlockSpec((BLK, LW), lambda i: (i, 0)),
            pl.BlockSpec((1, LW), lambda i: (0, 0)),
            pl.BlockSpec((LW, LW), lambda i: (0, 0)),
        ],
        out_specs=[
            pl.BlockSpec((BLK, LW), lambda i: (i, 0)),
            pl.BlockSpec((BLK, LW), lambda i: (i, 0)),
        ],
        out_shape=[
            jax.ShapeDtypeStruct((np_, LW), jnp.float32),
            jax.ShapeDtypeStruct((np_, LW), jnp.float32),
        ],
    )(hs, y, agg0, agg1, dis, b_cur, w_next)


def _last_tc(hs, y, agg0, agg1, dis, b_cur, w_out, b_out):
    np_ = hs.shape[0]
    c_out = w_out.shape[1]

    def body(h_ref, y_ref, a0_ref, a1_ref, dis_ref, b_ref, w_ref, bo_ref,
             o_ref):
        upd = jax.nn.relu(dis_ref[...] * (a0_ref[...] + a1_ref[...] + y_ref[...])
                          + b_ref[...])
        hn = h_ref[...] + upd
        o_ref[...] = jnp.dot(hn, w_ref[...],
                             preferred_element_type=jnp.float32) + bo_ref[...]

    return pl.pallas_call(
        body,
        grid=(np_ // BLK,),
        in_specs=[
            pl.BlockSpec((BLK, LW), lambda i: (i, 0)),
            pl.BlockSpec((BLK, LW), lambda i: (i, 0)),
            pl.BlockSpec((BLK, LW), lambda i: (i, 0)),
            pl.BlockSpec((BLK, LW), lambda i: (i, 0)),
            pl.BlockSpec((BLK, LW), lambda i: (i, 0)),
            pl.BlockSpec((1, LW), lambda i: (0, 0)),
            pl.BlockSpec((LW, c_out), lambda i: (0, 0)),
            pl.BlockSpec((1, c_out), lambda i: (0, 0)),
        ],
        out_specs=[pl.BlockSpec((BLK, c_out), lambda i: (i, 0))],
        out_shape=[jax.ShapeDtypeStruct((np_, c_out), jnp.float32)],
    )(hs, y, agg0, agg1, dis, b_cur, w_out, b_out)



def _pad2(a, rows, cols):
    out = jnp.zeros((rows, cols), a.dtype)
    return out.at[:a.shape[0], :a.shape[1]].set(a)


def kernel(x, edge_index, W_in, b_in, Wc0, bc0, Wc1, bc1, Wc2, bc2, Wc3, bc3,
           W_out, b_out):
    n, f_in = x.shape
    e = edge_index.shape[1]
    np_ = _ceil_to(n + 1, BLK)
    k = -(-e // (NW * EB))
    k += k % 2
    ep = k * NW * EB

    pad_idx = jnp.full((ep - e,), n, dtype=edge_index.dtype)
    src = jnp.concatenate([edge_index[0], pad_idx]).reshape(NW * k, EB)
    dst = jnp.concatenate([edge_index[1], pad_idx]).reshape(NW * k, EB)
    xp = _pad2(x, np_, f_in)
    ones = jnp.ones((EB, LW), jnp.float32)
    zeros = jnp.zeros((np_, LW), jnp.float32)

    w_in_p = _pad2(W_in, f_in, LW)
    b_in_p = _pad2(b_in.reshape(1, -1), 1, LW)
    wcs = [_pad2(w, LW, LW) for w in (Wc0, Wc1, Wc2, Wc3)]
    bcs = [_pad2(b.reshape(1, -1), 1, LW) for b in (bc0, bc1, bc2, bc3)]
    w_out_p = _pad2(W_out, LW, W_out.shape[1])
    b_out_p = b_out.reshape(1, -1)

    deg = _deg_call(dst, ones, zeros)
    hs, y, dis = _pre_tc(xp, w_in_p, b_in_p, wcs[0], deg[:np_], deg[np_:])
    for li in range(3):
        agg = _agg_call(src, dst, y, zeros)
        hs, y = _mid_tc(hs, y, agg[:np_], agg[np_:], dis, bcs[li], wcs[li + 1])
    agg = _agg_call(src, dst, y, zeros)
    out, = _last_tc(hs, y, agg[:np_], agg[np_:], dis, bcs[3], w_out_p, b_out_p)
    return out[:n]

# --- scband reference (transcript-rebuilt; emitter-appended) ---
"""Pipeline reference for scband-gcn-64433099375267 (READ-ONLY COPY).

The authoritative reference and input builder live on the scoring server;
editing this copy changes nothing except your own understanding.
"""

import jax, jax.numpy as jnp
import numpy as np

N = 10000
E = 320000
F_IN = 128
H = 64
C = 40


def setup_inputs(seed: int = 0) -> dict:
    key = jax.random.key(seed)
    ks = jax.random.split(key, 16)
    inp = {}
    inp['x'] = jax.random.normal(ks[0], (N, F_IN), dtype=jnp.float32)
    inp['edge_index'] = jax.random.randint(ks[1], (2, E), 0, N, dtype=jnp.int64 if jax.config.jax_enable_x64 else jnp.int32).astype(jnp.int32)
    # learned parameters
    inp['W_in'] = jax.random.normal(ks[2], (F_IN, H), dtype=jnp.float32) * (1.0 / np.sqrt(F_IN))
    inp['b_in'] = jnp.zeros((H,), dtype=jnp.float32)
    for i in range(4):
        inp[f'Wc{i}'] = jax.random.normal(ks[3 + i], (H, H), dtype=jnp.float32) * (1.0 / np.sqrt(H))
        inp[f'bc{i}'] = jnp.zeros((H,), dtype=jnp.float32)
    inp['W_out'] = jax.random.normal(ks[8], (H, C), dtype=jnp.float32) * (1.0 / np.sqrt(H))
    inp['b_out'] = jnp.zeros((C,), dtype=jnp.float32)
    return inp


def gcn_conv(x, edge_index, W, b):
    # PyG GCNConv: add self-loops, symmetric normalization, linear, scatter-add, bias
    n = x.shape[0]
    loop = jnp.arange(n, dtype=edge_index.dtype)
    src = jnp.concatenate([edge_index[0], loop])
    dst = jnp.concatenate([edge_index[1], loop])
    deg = jnp.zeros((n,), dtype=x.dtype).at[dst].add(1.0)
    deg_inv_sqrt = jnp.where(deg > 0, deg ** -0.5, 0.0)
    norm = deg_inv_sqrt[src] * deg_inv_sqrt[dst]
    xw = x @ W
    msgs = xw[src] * norm[:, None]
    out = jnp.zeros((n, W.shape[1]), dtype=x.dtype).at[dst].add(msgs)
    return out + b


def reference(x, edge_index, W_in, b_in, Wc0, bc0, Wc1, bc1, Wc2, bc2, Wc3, bc3, W_out, b_out):
    h = x @ W_in + b_in
    for W, b in ((Wc0, bc0), (Wc1, bc1), (Wc2, bc2), (Wc3, bc3)):
        h = h + jax.nn.relu(gcn_conv(h, edge_index, W, b))
    return h @ W_out + b_out

if __name__ == "__main__":
    import jax
    _d = setup_inputs()
    print(jax.jit(kernel)(*tuple(_d.values())))

</pallas_src>

<mosaic_0001>
#map = affine_map<(d0, d1) -> (0, 0)>
module attributes {stable_mosaic.version = 14 : i64} {
  func.func @deg_kernel(%arg0: i32, %arg1: i32, %arg2: memref<2560x128xi32, #tpu.memory_space<hbm>>, %arg3: memref<128x128xf32, #tpu.memory_space<hbm>>, %arg4: memref<10240x128xf32, #tpu.memory_space<hbm>>, %arg5: memref<20480x128xf32, #tpu.memory_space<hbm>>, %arg6: memref<128xi32, #tpu.memory_space<vmem>>, %arg7: memref<128x128xf32, #tpu.memory_space<vmem>>, %arg8: memref<10240x128xf32, #tpu.memory_space<vmem_shared>>) attributes {dimension_semantics = [#tpu.dimension_semantics<core_parallel>, #tpu.dimension_semantics<subcore_parallel>], iteration_bounds = array<i64: 2, 16>, scalar_prefetch = 0 : i64, scratch_operands = 3 : i64, tpu.core_type = #tpu.core_type<sc_vector_subcore>, window_params = [{transform_indices = #map}, {transform_indices = #map}, {transform_indices = #map}, {transform_indices = #map}]} {
    %mul3A = arith.constant 16 : i32
    %mul3A_0 = arith.muli %arg0, %mul3A : i32
    %add3A = arith.addi %mul3A_0, %arg1 : i32
    %mul3A_1 = arith.constant 640 : i32
    %mul3A_2 = arith.muli %arg1, %mul3A_1 : i32
    "tpu.region"() ({
      %run_scoped3A = tpu.sem_alloc : memref<!tpu.dma_semaphore, #tpu.memory_space<semaphore_mem>>
      %dma_start3A = arith.constant 0 : i32
      %dma_start3A_12 = tpu.memref_slice %arg8[%mul3A_2, %dma_start3A] : memref<10240x128xf32, #tpu.memory_space<vmem_shared>> -> memref<640x128xf32, #tpu.memory_space<vmem_shared>>
      %dma_start3A_13 = arith.constant 0 : i32
      %dma_start3A_14 = tpu.memref_slice %arg4[%mul3A_2, %dma_start3A_13] : memref<10240x128xf32, #tpu.memory_space<hbm>> -> memref<640x128xf32, #tpu.memory_space<hbm>>
      tpu.enqueue_dma source(%dma_start3A_14 : memref<640x128xf32, #tpu.memory_space<hbm>>) target(%dma_start3A_12 : memref<640x128xf32, #tpu.memory_space<vmem_shared>>) target_semaphore(%run_scoped3A : memref<!tpu.dma_semaphore, #tpu.memory_space<semaphore_mem>>)
      %dma_wait3A = arith.constant 0 : i32
      %dma_wait3A_15 = tpu.memref_slice %arg8[%mul3A_2, %dma_wait3A] : memref<10240x128xf32, #tpu.memory_space<vmem_shared>> -> memref<640x128xf32, #tpu.memory_space<vmem_shared>>
      %dma_wait3A_16 = arith.constant 0 : i32
      %dma_wait3A_17 = tpu.memref_slice %arg4[%mul3A_2, %dma_wait3A_16] : memref<10240x128xf32, #tpu.memory_space<hbm>> -> memref<640x128xf32, #tpu.memory_space<hbm>>
      tpu.wait_dma2 semaphore(%run_scoped3A : memref<!tpu.dma_semaphore, #tpu.memory_space<semaphore_mem>>) src(%dma_wait3A_17 : memref<640x128xf32, #tpu.memory_space<hbm>>) dst(%dma_wait3A_15 : memref<640x128xf32, #tpu.memory_space<vmem_shared>>)
      tpu.yield
    }) : () -> ()
    "tpu.region"() ({
      %run_scoped3A = tpu.sem_alloc : memref<!tpu.dma_semaphore, #tpu.memory_space<semaphore_mem>>
      tpu.enqueue_dma source(%arg3 : memref<128x128xf32, #tpu.memory_space<hbm>>) target(%arg7 : memref<128x128xf32, #tpu.memory_space<vmem>>) target_semaphore(%run_scoped3A : memref<!tpu.dma_semaphore, #tpu.memory_space<semaphore_mem>>)
      tpu.wait_dma2 semaphore(%run_scoped3A : memref<!tpu.dma_semaphore, #tpu.memory_space<semaphore_mem>>) src(%arg3 : memref<128x128xf32, #tpu.memory_space<hbm>>) dst(%arg7 : memref<128x128xf32, #tpu.memory_space<vmem>>)
      tpu.yield
    }) : () -> ()
    %barrier3A = arith.constant 0 : index
    tpu.barrier barrier_id(%barrier3A)
    %scan3A = arith.constant 0 : i32
    %scan3A_3 = arith.constant 0 : i32
    %scan3A_4 = arith.constant 80 : i32
    %scan3A_5 = arith.addi %scan3A_3, %scan3A_4 : i32
    %scan3A_6 = arith.constant 1 : i32
    scf.for %scan3A_12 = %scan3A_3 to %scan3A_5 step %scan3A_6  : i32 {
      %mul3A_13 = arith.constant 80 : i32
      %mul3A_14 = arith.muli %add3A, %mul3A_13 : i32
      %add3A_15 = arith.addi %mul3A_14, %scan3A_12 : i32
      "tpu.region"() ({
        %run_scoped3A = tpu.sem_alloc : memref<!tpu.dma_semaphore, #tpu.memory_space<semaphore_mem>>
        %dma_start3A = arith.constant 0 : i32
        %dma_start3A_16 = tpu.memref_slice %arg2[%add3A_15, %dma_start3A] : memref<2560x128xi32, #tpu.memory_space<hbm>> -> memref<1x128xi32, #tpu.memory_space<hbm>>
        %dma_start3A_17 = tpu.memref_squeeze %dma_start3A_16 : memref<1x128xi32, #tpu.memory_space<hbm>> -> memref<128xi32, #tpu.memory_space<hbm>>
        %dma_start3A_18 = arith.constant 0 : i32
        %dma_start3A_19 = tpu.memref_slice %arg2[%add3A_15, %dma_start3A_18] : memref<2560x128xi32, #tpu.memory_space<hbm>> -> memref<1x128xi32, #tpu.memory_space<hbm>>
        %dma_start3A_20 = tpu.memref_squeeze %dma_start3A_19 : memref<1x128xi32, #tpu.memory_space<hbm>> -> memref<128xi32, #tpu.memory_space<hbm>>
        tpu.enqueue_dma source(%dma_start3A_20 : memref<128xi32, #tpu.memory_space<hbm>>) target(%arg6 : memref<128xi32, #tpu.memory_space<vmem>>) target_semaphore(%run_scoped3A : memref<!tpu.dma_semaphore, #tpu.memory_space<semaphore_mem>>)
        %dma_wait3A = arith.constant 0 : i32
        %dma_wait3A_21 = tpu.memref_slice %arg2[%add3A_15, %dma_wait3A] : memref<2560x128xi32, #tpu.memory_space<hbm>> -> memref<1x128xi32, #tpu.memory_space<hbm>>
        %dma_wait3A_22 = tpu.memref_squeeze %dma_wait3A_21 : memref<1x128xi32, #tpu.memory_space<hbm>> -> memref<128xi32, #tpu.memory_space<hbm>>
        %dma_wait3A_23 = arith.constant 0 : i32
        %dma_wait3A_24 = tpu.memref_slice %arg2[%add3A_15, %dma_wait3A_23] : memref<2560x128xi32, #tpu.memory_space<hbm>> -> memref<1x128xi32, #tpu.memory_space<hbm>>
        %dma_wait3A_25 = tpu.memref_squeeze %dma_wait3A_24 : memref<1x128xi32, #tpu.memory_space<hbm>> -> memref<128xi32, #tpu.memory_space<hbm>>
        tpu.wait_dma2 semaphore(%run_scoped3A : memref<!tpu.dma_semaphore, #tpu.memory_space<semaphore_mem>>) src(%dma_wait3A_25 : memref<128xi32, #tpu.memory_space<hbm>>) dst(%arg6 : memref<128xi32, #tpu.memory_space<vmem>>)
        tpu.yield
      }) : () -> ()
      "tpu.region"() ({
        %run_scoped3A = tpu.sem_alloc : memref<!tpu.dma_semaphore, #tpu.memory_space<semaphore_mem>>
        %dma_start3A = arith.constant 0 : i32
        %dma_start3A_16 = arith.constant 0 : i32
        %dma_start3A_17 = tpu.memref_slice %arg8[%dma_start3A, %dma_start3A_16] : memref<10240x128xf32, #tpu.memory_space<vmem_shared>> -> memref<10240x128xf32, #tpu.memory_space<vmem_shared>>
        tpu.enqueue_indirect_dma source(%arg7 : memref<128x128xf32, #tpu.memory_space<vmem>>) target(%dma_start3A_17 : memref<10240x128xf32, #tpu.memory_space<vmem_shared>>) offsets(%arg6 : memref<128xi32, #tpu.memory_space<vmem>>) semaphore(%run_scoped3A : memref<!tpu.dma_semaphore, #tpu.memory_space<semaphore_mem>>) {add = true}
        %dma_wait3A = arith.constant 0 : i32
        %dma_wait3A_18 = arith.constant 0 : i32
        %dma_wait3A_19 = tpu.memref_slice %arg8[%dma_wait3A, %dma_wait3A_18] : memref<10240x128xf32, #tpu.memory_space<vmem_shared>> -> memref<10240x128xf32, #tpu.memory_space<vmem_shared>>
        tpu.wait_indirect_dma semaphore(%run_scoped3A : memref<!tpu.dma_semaphore, #tpu.memory_space<semaphore_mem>>) src(%arg7 : memref<128x128xf32, #tpu.memory_space<vmem>>) dst(%dma_wait3A_19 : memref<10240x128xf32, #tpu.memory_space<vmem_shared>>)
        tpu.yield
      }) : () -> ()
    }
    %scan3A_7 = arith.constant 80 : i32
    %barrier3A_8 = arith.constant 0 : index
    tpu.barrier barrier_id(%barrier3A_8)
    %mul3A_9 = arith.constant 10240 : i32
    %mul3A_10 = arith.muli %arg0, %mul3A_9 : i32
    %add3A_11 = arith.addi %mul3A_10, %mul3A_2 : i32
    "tpu.region"() ({
      %run_scoped3A = tpu.sem_alloc : memref<!tpu.dma_semaphore, #tpu.memory_space<semaphore_mem>>
      %dma_start3A = arith.constant 0 : i32
      %dma_start3A_12 = tpu.memref_slice %arg5[%add3A_11, %dma_start3A] : memref<20480x128xf32, #tpu.memory_space<hbm>> -> memref<640x128xf32, #tpu.memory_space<hbm>>
      %dma_start3A_13 = arith.constant 0 : i32
      %dma_start3A_14 = tpu.memref_slice %arg8[%mul3A_2, %dma_start3A_13] : memref<10240x128xf32, #tpu.memory_space<vmem_shared>> -> memref<640x128xf32, #tpu.memory_space<vmem_shared>>
      tpu.enqueue_dma source(%dma_start3A_14 : memref<640x128xf32, #tpu.memory_space<vmem_shared>>) target(%dma_start3A_12 : memref<640x128xf32, #tpu.memory_space<hbm>>) target_semaphore(%run_scoped3A : memref<!tpu.dma_semaphore, #tpu.memory_space<semaphore_mem>>)
      %dma_wait3A = arith.constant 0 : i32
      %dma_wait3A_15 = tpu.memref_slice %arg5[%add3A_11, %dma_wait3A] : memref<20480x128xf32, #tpu.memory_space<hbm>> -> memref<640x128xf32, #tpu.memory_space<hbm>>
      %dma_wait3A_16 = arith.constant 0 : i32
      %dma_wait3A_17 = tpu.memref_slice %arg8[%mul3A_2, %dma_wait3A_16] : memref<10240x128xf32, #tpu.memory_space<vmem_shared>> -> memref<640x128xf32, #tpu.memory_space<vmem_shared>>
      tpu.wait_dma2 semaphore(%run_scoped3A : memref<!tpu.dma_semaphore, #tpu.memory_space<semaphore_mem>>) src(%dma_wait3A_17 : memref<640x128xf32, #tpu.memory_space<vmem_shared>>) dst(%dma_wait3A_15 : memref<640x128xf32, #tpu.memory_space<hbm>>)
      tpu.yield
    }) : () -> ()
    return
  }
}

#map = affine_map<(d0, d1) -> (0, 0)>
module attributes {stable_mosaic.version = 14 : i64} {
  func.func @agg_kernel(%arg0: i32, %arg1: i32, %arg2: memref<2560x128xi32, #tpu.memory_space<hbm>>, %arg3: memref<2560x128xi32, #tpu.memory_space<hbm>>, %arg4: memref<10240x128xf32, #tpu.memory_space<hbm>>, %arg5: memref<10240x128xf32, #tpu.memory_space<hbm>>, %arg6: memref<20480x128xf32, #tpu.memory_space<hbm>>, %arg7: memref<128xi32, #tpu.memory_space<vmem>>, %arg8: memref<128xi32, #tpu.memory_space<vmem>>, %arg9: memref<128xi32, #tpu.memory_space<vmem>>, %arg10: memref<128xi32, #tpu.memory_space<vmem>>, %arg11: memref<128x128xf32, #tpu.memory_space<vmem>>, %arg12: memref<128x128xf32, #tpu.memory_space<vmem>>, %arg13: memref<10240x128xf32, #tpu.memory_space<vmem_shared>>, %arg14: memref<!tpu.dma_semaphore, #tpu.memory_space<semaphore_mem>>, %arg15: memref<!tpu.dma_semaphore, #tpu.memory_space<semaphore_mem>>, %arg16: memref<!tpu.dma_semaphore, #tpu.memory_space<semaphore_mem>>, %arg17: memref<!tpu.dma_semaphore, #tpu.memory_space<semaphore_mem>>) attributes {dimension_semantics = [#tpu.dimension_semantics<core_parallel>, #tpu.dimension_semantics<subcore_parallel>], iteration_bounds = array<i64: 2, 16>, scalar_prefetch = 0 : i64, scratch_operands = 11 : i64, tpu.core_type = #tpu.core_type<sc_vector_subcore>, window_params = [{transform_indices = #map}, {transform_indices = #map}, {transform_indices = #map}, {transform_indices = #map}, {transform_indices = #map}]} {
    %mul3A = arith.constant 16 : i32
    %mul3A_0 = arith.muli %arg0, %mul3A : i32
    %add3A = arith.addi %mul3A_0, %arg1 : i32
    %mul3A_1 = arith.constant 640 : i32
    %mul3A_2 = arith.muli %arg1, %mul3A_1 : i32
    "tpu.region"() ({
      %run_scoped3A = tpu.sem_alloc : memref<!tpu.dma_semaphore, #tpu.memory_space<semaphore_mem>>
      %dma_start3A_38 = arith.constant 0 : i32
      %dma_start3A_39 = tpu.memref_slice %arg13[%mul3A_2, %dma_start3A_38] : memref<10240x128xf32, #tpu.memory_space<vmem_shared>> -> memref<640x128xf32, #tpu.memory_space<vmem_shared>>
      %dma_start3A_40 = arith.constant 0 : i32
      %dma_start3A_41 = tpu.memref_slice %arg5[%mul3A_2, %dma_start3A_40] : memref<10240x128xf32, #tpu.memory_space<hbm>> -> memref<640x128xf32, #tpu.memory_space<hbm>>
      tpu.enqueue_dma source(%dma_start3A_41 : memref<640x128xf32, #tpu.memory_space<hbm>>) target(%dma_start3A_39 : memref<640x128xf32, #tpu.memory_space<vmem_shared>>) target_semaphore(%run_scoped3A : memref<!tpu.dma_semaphore, #tpu.memory_space<semaphore_mem>>)
      %dma_wait3A_42 = arith.constant 0 : i32
      %dma_wait3A_43 = tpu.memref_slice %arg13[%mul3A_2, %dma_wait3A_42] : memref<10240x128xf32, #tpu.memory_space<vmem_shared>> -> memref<640x128xf32, #tpu.memory_space<vmem_shared>>
      %dma_wait3A_44 = arith.constant 0 : i32
      %dma_wait3A_45 = tpu.memref_slice %arg5[%mul3A_2, %dma_wait3A_44] : memref<10240x128xf32, #tpu.memory_space<hbm>> -> memref<640x128xf32, #tpu.memory_space<hbm>>
      tpu.wait_dma2 semaphore(%run_scoped3A : memref<!tpu.dma_semaphore, #tpu.memory_space<semaphore_mem>>) src(%dma_wait3A_45 : memref<640x128xf32, #tpu.memory_space<hbm>>) dst(%dma_wait3A_43 : memref<640x128xf32, #tpu.memory_space<vmem_shared>>)
      tpu.yield
    }) : () -> ()
    %barrier3A = arith.constant 0 : index
    tpu.barrier barrier_id(%barrier3A)
    %mul3A_3 = arith.constant 80 : i32
    %mul3A_4 = arith.muli %add3A, %mul3A_3 : i32
    %add3A_5 = arith.constant 0 : i32
    %add3A_6 = arith.addi %mul3A_4, %add3A_5 : i32
    "tpu.region"() ({
      %run_scoped3A = tpu.sem_alloc : memref<!tpu.dma_semaphore, #tpu.memory_space<semaphore_mem>>
      %dma_start3A_38 = arith.constant 0 : i32
      %dma_start3A_39 = tpu.memref_slice %arg2[%add3A_6, %dma_start3A_38] : memref<2560x128xi32, #tpu.memory_space<hbm>> -> memref<1x128xi32, #tpu.memory_space<hbm>>
      %dma_start3A_40 = tpu.memref_squeeze %dma_start3A_39 : memref<1x128xi32, #tpu.memory_space<hbm>> -> memref<128xi32, #tpu.memory_space<hbm>>
      %dma_start3A_41 = arith.constant 0 : i32
      %dma_start3A_42 = tpu.memref_slice %arg2[%add3A_6, %dma_start3A_41] : memref<2560x128xi32, #tpu.memory_space<hbm>> -> memref<1x128xi32, #tpu.memory_space<hbm>>
      %dma_start3A_43 = tpu.memref_squeeze %dma_start3A_42 : memref<1x128xi32, #tpu.memory_space<hbm>> -> memref<128xi32, #tpu.memory_space<hbm>>
      tpu.enqueue_dma source(%dma_start3A_43 : memref<128xi32, #tpu.memory_space<hbm>>) target(%arg7 : memref<128xi32, #tpu.memory_space<vmem>>) target_semaphore(%run_scoped3A : memref<!tpu.dma_semaphore, #tpu.memory_space<semaphore_mem>>)
      %dma_wait3A_44 = arith.constant 0 : i32
      %dma_wait3A_45 = tpu.memref_slice %arg2[%add3A_6, %dma_wait3A_44] : memref<2560x128xi32, #tpu.memory_space<hbm>> -> memref<1x128xi32, #tpu.memory_space<hbm>>
      %dma_wait3A_46 = tpu.memref_squeeze %dma_wait3A_45 : memref<1x128xi32, #tpu.memory_space<hbm>> -> memref<128xi32, #tpu.memory_space<hbm>>
      %dma_wait3A_47 = arith.constant 0 : i32
      %dma_wait3A_48 = tpu.memref_slice %arg2[%add3A_6, %dma_wait3A_47] : memref<2560x128xi32, #tpu.memory_space<hbm>> -> memref<1x128xi32, #tpu.memory_space<hbm>>
      %dma_wait3A_49 = tpu.memref_squeeze %dma_wait3A_48 : memref<1x128xi32, #tpu.memory_space<hbm>> -> memref<128xi32, #tpu.memory_space<hbm>>
      tpu.wait_dma2 semaphore(%run_scoped3A : memref<!tpu.dma_semaphore, #tpu.memory_space<semaphore_mem>>) src(%dma_wait3A_49 : memref<128xi32, #tpu.memory_space<hbm>>) dst(%arg7 : memref<128xi32, #tpu.memory_space<vmem>>)
      tpu.yield
    }) : () -> ()
    %mul3A_7 = arith.constant 80 : i32
    %mul3A_8 = arith.muli %add3A, %mul3A_7 : i32
    %add3A_9 = arith.constant 0 : i32
    %add3A_10 = arith.addi %mul3A_8, %add3A_9 : i32
    "tpu.region"() ({
      %run_scoped3A = tpu.sem_alloc : memref<!tpu.dma_semaphore, #tpu.memory_space<semaphore_mem>>
      %dma_start3A_38 = arith.constant 0 : i32
      %dma_start3A_39 = tpu.memref_slice %arg3[%add3A_10, %dma_start3A_38] : memref<2560x128xi32, #tpu.memory_space<hbm>> -> memref<1x128xi32, #tpu.memory_space<hbm>>
      %dma_start3A_40 = tpu.memref_squeeze %dma_start3A_39 : memref<1x128xi32, #tpu.memory_space<hbm>> -> memref<128xi32, #tpu.memory_space<hbm>>
      %dma_start3A_41 = arith.constant 0 : i32
      %dma_start3A_42 = tpu.memref_slice %arg3[%add3A_10, %dma_start3A_41] : memref<2560x128xi32, #tpu.memory_space<hbm>> -> memref<1x128xi32, #tpu.memory_space<hbm>>
      %dma_start3A_43 = tpu.memref_squeeze %dma_start3A_42 : memref<1x128xi32, #tpu.memory_space<hbm>> -> memref<128xi32, #tpu.memory_space<hbm>>
      tpu.enqueue_dma source(%dma_start3A_43 : memref<128xi32, #tpu.memory_space<hbm>>) target(%arg8 : memref<128xi32, #tpu.memory_space<vmem>>) target_semaphore(%run_scoped3A : memref<!tpu.dma_semaphore, #tpu.memory_space<semaphore_mem>>)
      %dma_wait3A_44 = arith.constant 0 : i32
      %dma_wait3A_45 = tpu.memref_slice %arg3[%add3A_10, %dma_wait3A_44] : memref<2560x128xi32, #tpu.memory_space<hbm>> -> memref<1x128xi32, #tpu.memory_space<hbm>>
      %dma_wait3A_46 = tpu.memref_squeeze %dma_wait3A_45 : memref<1x128xi32, #tpu.memory_space<hbm>> -> memref<128xi32, #tpu.memory_space<hbm>>
      %dma_wait3A_47 = arith.constant 0 : i32
      %dma_wait3A_48 = tpu.memref_slice %arg3[%add3A_10, %dma_wait3A_47] : memref<2560x128xi32, #tpu.memory_space<hbm>> -> memref<1x128xi32, #tpu.memory_space<hbm>>
      %dma_wait3A_49 = tpu.memref_squeeze %dma_wait3A_48 : memref<1x128xi32, #tpu.memory_space<hbm>> -> memref<128xi32, #tpu.memory_space<hbm>>
      tpu.wait_dma2 semaphore(%run_scoped3A : memref<!tpu.dma_semaphore, #tpu.memory_space<semaphore_mem>>) src(%dma_wait3A_49 : memref<128xi32, #tpu.memory_space<hbm>>) dst(%arg8 : memref<128xi32, #tpu.memory_space<vmem>>)
      tpu.yield
    }) : () -> ()
    %dma_start3A = arith.constant 0 : i32
    %dma_start3A_11 = arith.constant 0 : i32
    %dma_start3A_12 = tpu.memref_slice %arg4[%dma_start3A, %dma_start3A_11] : memref<10240x128xf32, #tpu.memory_space<hbm>> -> memref<10240x128xf32, #tpu.memory_space<hbm>>
    tpu.enqueue_indirect_dma source(%dma_start3A_12 : memref<10240x128xf32, #tpu.memory_space<hbm>>) target(%arg11 : memref<128x128xf32, #tpu.memory_space<vmem>>) offsets(%arg7 : memref<128xi32, #tpu.memory_space<vmem>>) semaphore(%arg14 : memref<!tpu.dma_semaphore, #tpu.memory_space<semaphore_mem>>)
    %mul3A_13 = arith.constant 80 : i32
    %mul3A_14 = arith.muli %add3A, %mul3A_13 : i32
    %add3A_15 = arith.constant 1 : i32
    %add3A_16 = arith.addi %mul3A_14, %add3A_15 : i32
    "tpu.region"() ({
      %run_scoped3A = tpu.sem_alloc : memref<!tpu.dma_semaphore, #tpu.memory_space<semaphore_mem>>
      %dma_start3A_38 = arith.constant 0 : i32
      %dma_start3A_39 = tpu.memref_slice %arg2[%add3A_16, %dma_start3A_38] : memref<2560x128xi32, #tpu.memory_space<hbm>> -> memref<1x128xi32, #tpu.memory_space<hbm>>
      %dma_start3A_40 = tpu.memref_squeeze %dma_start3A_39 : memref<1x128xi32, #tpu.memory_space<hbm>> -> memref<128xi32, #tpu.memory_space<hbm>>
      %dma_start3A_41 = arith.constant 0 : i32
      %dma_start3A_42 = tpu.memref_slice %arg2[%add3A_16, %dma_start3A_41] : memref<2560x128xi32, #tpu.memory_space<hbm>> -> memref<1x128xi32, #tpu.memory_space<hbm>>
      %dma_start3A_43 = tpu.memref_squeeze %dma_start3A_42 : memref<1x128xi32, #tpu.memory_space<hbm>> -> memref<128xi32, #tpu.memory_space<hbm>>
      tpu.enqueue_dma source(%dma_start3A_43 : memref<128xi32, #tpu.memory_space<hbm>>) target(%arg9 : memref<128xi32, #tpu.memory_space<vmem>>) target_semaphore(%run_scoped3A : memref<!tpu.dma_semaphore, #tpu.memory_space<semaphore_mem>>)
      %dma_wait3A_44 = arith.constant 0 : i32
      %dma_wait3A_45 = tpu.memref_slice %arg2[%add3A_16, %dma_wait3A_44] : memref<2560x128xi32, #tpu.memory_space<hbm>> -> memref<1x128xi32, #tpu.memory_space<hbm>>
      %dma_wait3A_46 = tpu.memref_squeeze %dma_wait3A_45 : memref<1x128xi32, #tpu.memory_space<hbm>> -> memref<128xi32, #tpu.memory_space<hbm>>
      %dma_wait3A_47 = arith.constant 0 : i32
      %dma_wait3A_48 = tpu.memref_slice %arg2[%add3A_16, %dma_wait3A_47] : memref<2560x128xi32, #tpu.memory_space<hbm>> -> memref<1x128xi32, #tpu.memory_space<hbm>>
      %dma_wait3A_49 = tpu.memref_squeeze %dma_wait3A_48 : memref<1x128xi32, #tpu.memory_space<hbm>> -> memref<128xi32, #tpu.memory_space<hbm>>
      tpu.wait_dma2 semaphore(%run_scoped3A : memref<!tpu.dma_semaphore, #tpu.memory_space<semaphore_mem>>) src(%dma_wait3A_49 : memref<128xi32, #tpu.memory_space<hbm>>) dst(%arg9 : memref<128xi32, #tpu.memory_space<vmem>>)
      tpu.yield
    }) : () -> ()
    %mul3A_17 = arith.constant 80 : i32
    %mul3A_18 = arith.muli %add3A, %mul3A_17 : i32
    %add3A_19 = arith.constant 1 : i32
    %add3A_20 = arith.addi %mul3A_18, %add3A_19 : i32
    "tpu.region"() ({
      %run_scoped3A = tpu.sem_alloc : memref<!tpu.dma_semaphore, #tpu.memory_space<semaphore_mem>>
      %dma_start3A_38 = arith.constant 0 : i32
      %dma_start3A_39 = tpu.memref_slice %arg3[%add3A_20, %dma_start3A_38] : memref<2560x128xi32, #tpu.memory_space<hbm>> -> memref<1x128xi32, #tpu.memory_space<hbm>>
      %dma_start3A_40 = tpu.memref_squeeze %dma_start3A_39 : memref<1x128xi32, #tpu.memory_space<hbm>> -> memref<128xi32, #tpu.memory_space<hbm>>
      %dma_start3A_41 = arith.constant 0 : i32
      %dma_start3A_42 = tpu.memref_slice %arg3[%add3A_20, %dma_start3A_41] : memref<2560x128xi32, #tpu.memory_space<hbm>> -> memref<1x128xi32, #tpu.memory_space<hbm>>
      %dma_start3A_43 = tpu.memref_squeeze %dma_start3A_42 : memref<1x128xi32, #tpu.memory_space<hbm>> -> memref<128xi32, #tpu.memory_space<hbm>>
      tpu.enqueue_dma source(%dma_start3A_43 : memref<128xi32, #tpu.memory_space<hbm>>) target(%arg10 : memref<128xi32, #tpu.memory_space<vmem>>) target_semaphore(%run_scoped3A : memref<!tpu.dma_semaphore, #tpu.memory_space<semaphore_mem>>)
      %dma_wait3A_44 = arith.constant 0 : i32
      %dma_wait3A_45 = tpu.memref_slice %arg3[%add3A_20, %dma_wait3A_44] : memref<2560x128xi32, #tpu.memory_space<hbm>> -> memref<1x128xi32, #tpu.memory_space<hbm>>
      %dma_wait3A_46 = tpu.memref_squeeze %dma_wait3A_45 : memref<1x128xi32, #tpu.memory_space<hbm>> -> memref<128xi32, #tpu.memory_space<hbm>>
      %dma_wait3A_47 = arith.constant 0 : i32
      %dma_wait3A_48 = tpu.memref_slice %arg3[%add3A_20, %dma_wait3A_47] : memref<2560x128xi32, #tpu.memory_space<hbm>> -> memref<1x128xi32, #tpu.memory_space<hbm>>
      %dma_wait3A_49 = tpu.memref_squeeze %dma_wait3A_48 : memref<1x128xi32, #tpu.memory_space<hbm>> -> memref<128xi32, #tpu.memory_space<hbm>>
      tpu.wait_dma2 semaphore(%run_scoped3A : memref<!tpu.dma_semaphore, #tpu.memory_space<semaphore_mem>>) src(%dma_wait3A_49 : memref<128xi32, #tpu.memory_space<hbm>>) dst(%arg10 : memref<128xi32, #tpu.memory_space<vmem>>)
      tpu.yield
    }) : () -> ()
    %dma_start3A_21 = arith.constant 0 : i32
    %dma_start3A_22 = arith.constant 0 : i32
    %dma_start3A_23 = tpu.memref_slice %arg4[%dma_start3A_21, %dma_start3A_22] : memref<10240x128xf32, #tpu.memory_space<hbm>> -> memref<10240x128xf32, #tpu.memory_space<hbm>>
    tpu.enqueue_indirect_dma source(%dma_start3A_23 : memref<10240x128xf32, #tpu.memory_space<hbm>>) target(%arg12 : memref<128x128xf32, #tpu.memory_space<vmem>>) offsets(%arg9 : memref<128xi32, #tpu.memory_space<vmem>>) semaphore(%arg15 : memref<!tpu.dma_semaphore, #tpu.memory_space<semaphore_mem>>)
    %scan3A = arith.constant 0 : i32
    %scan3A_24 = arith.constant 0 : i32
    %scan3A_25 = arith.constant 40 : i32
    %scan3A_26 = arith.addi %scan3A_24, %scan3A_25 : i32
    %scan3A_27 = arith.constant 1 : i32
    scf.for %scan3A_38 = %scan3A_24 to %scan3A_26 step %scan3A_27  : i32 {
      %mul3A_39 = arith.constant 2 : i32
      %mul3A_40 = arith.muli %mul3A_39, %scan3A_38 : i32
      %add3A_41 = arith.constant 0 : i32
      %add3A_42 = arith.addi %mul3A_40, %add3A_41 : i32
      %dma_wait3A_43 = arith.constant 0 : i32
      %dma_wait3A_44 = arith.constant 0 : i32
      %dma_wait3A_45 = tpu.memref_slice %arg4[%dma_wait3A_43, %dma_wait3A_44] : memref<10240x128xf32, #tpu.memory_space<hbm>> -> memref<10240x128xf32, #tpu.memory_space<hbm>>
      tpu.wait_indirect_dma semaphore(%arg14 : memref<!tpu.dma_semaphore, #tpu.memory_space<semaphore_mem>>) src(%dma_wait3A_45 : memref<10240x128xf32, #tpu.memory_space<hbm>>) dst(%arg11 : memref<128x128xf32, #tpu.memory_space<vmem>>)
      %dma_start3A_46 = arith.constant 0 : i32
      %dma_start3A_47 = arith.constant 0 : i32
      %dma_start3A_48 = tpu.memref_slice %arg13[%dma_start3A_46, %dma_start3A_47] : memref<10240x128xf32, #tpu.memory_space<vmem_shared>> -> memref<10240x128xf32, #tpu.memory_space<vmem_shared>>
      tpu.enqueue_indirect_dma source(%arg11 : memref<128x128xf32, #tpu.memory_space<vmem>>) target(%dma_start3A_48 : memref<10240x128xf32, #tpu.memory_space<vmem_shared>>) offsets(%arg8 : memref<128xi32, #tpu.memory_space<vmem>>) semaphore(%arg16 : memref<!tpu.dma_semaphore, #tpu.memory_space<semaphore_mem>>) {add = true}
      %add3A_49 = arith.constant 2 : i32
      %add3A_50 = arith.addi %add3A_42, %add3A_49 : i32
      %lt3A = arith.constant 80 : i32
      %lt3A_51 = arith.cmpi slt, %add3A_50, %lt3A : i32
      %convert_element_type3A = arith.extui %lt3A_51 : i1 to i32
      %cond3A = arith.constant 0 : i32
      %cond3A_52 = arith.cmpi ne, %convert_element_type3A, %cond3A : i32
      scf.if %cond3A_52 {
        %dma_wait3A_70 = arith.constant 0 : i32
        %dma_wait3A_71 = arith.constant 0 : i32
        %dma_wait3A_72 = tpu.memref_slice %arg13[%dma_wait3A_70, %dma_wait3A_71] : memref<10240x128xf32, #tpu.memory_space<vmem_shared>> -> memref<10240x128xf32, #tpu.memory_space<vmem_shared>>
        tpu.wait_indirect_dma semaphore(%arg16 : memref<!tpu.dma_semaphore, #tpu.memory_space<semaphore_mem>>) src(%arg11 : memref<128x128xf32, #tpu.memory_space<vmem>>) dst(%dma_wait3A_72 : memref<10240x128xf32, #tpu.memory_space<vmem_shared>>)
        %mul3A_73 = arith.constant 80 : i32
        %mul3A_74 = arith.muli %add3A, %mul3A_73 : i32
        %add3A_75 = arith.addi %mul3A_74, %add3A_42 : i32
        %add3A_76 = arith.constant 2 : i32
        %add3A_77 = arith.addi %add3A_75, %add3A_76 : i32
        "tpu.region"() ({
          %run_scoped3A = tpu.sem_alloc : memref<!tpu.dma_semaphore, #tpu.memory_space<semaphore_mem>>
          %dma_start3A_86 = arith.constant 0 : i32
          %dma_start3A_87 = tpu.memref_slice %arg2[%add3A_77, %dma_start3A_86] : memref<2560x128xi32, #tpu.memory_space<hbm>> -> memref<1x128xi32, #tpu.memory_space<hbm>>
          %dma_start3A_88 = tpu.memref_squeeze %dma_start3A_87 : memref<1x128xi32, #tpu.memory_space<hbm>> -> memref<128xi32, #tpu.memory_space<hbm>>
          %dma_start3A_89 = arith.constant 0 : i32
          %dma_start3A_90 = tpu.memref_slice %arg2[%add3A_77, %dma_start3A_89] : memref<2560x128xi32, #tpu.memory_space<hbm>> -> memref<1x128xi32, #tpu.memory_space<hbm>>
          %dma_start3A_91 = tpu.memref_squeeze %dma_start3A_90 : memref<1x128xi32, #tpu.memory_space<hbm>> -> memref<128xi32, #tpu.memory_space<hbm>>
          tpu.enqueue_dma source(%dma_start3A_91 : memref<128xi32, #tpu.memory_space<hbm>>) target(%arg7 : memref<128xi32, #tpu.memory_space<vmem>>) target_semaphore(%run_scoped3A : memref<!tpu.dma_semaphore, #tpu.memory_space<semaphore_mem>>)
          %dma_wait3A_92 = arith.constant 0 : i32
          %dma_wait3A_93 = tpu.memref_slice %arg2[%add3A_77, %dma_wait3A_92] : memref<2560x128xi32, #tpu.memory_space<hbm>> -> memref<1x128xi32, #tpu.memory_space<hbm>>
          %dma_wait3A_94 = tpu.memref_squeeze %dma_wait3A_93 : memref<1x128xi32, #tpu.memory_space<hbm>> -> memref<128xi32, #tpu.memory_space<hbm>>
          %dma_wait3A_95 = arith.constant 0 : i32
          %dma_wait3A_96 = tpu.memref_slice %arg2[%add3A_77, %dma_wait3A_95] : memref<2560x128xi32, #tpu.memory_space<hbm>> -> memref<1x128xi32, #tpu.memory_space<hbm>>
          %dma_wait3A_97 = tpu.memref_squeeze %dma_wait3A_96 : memref<1x128xi32, #tpu.memory_space<hbm>> -> memref<128xi32, #tpu.memory_space<hbm>>
          tpu.wait_dma2 semaphore(%run_scoped3A : memref<!tpu.dma_semaphore, #tpu.memory_space<semaphore_mem>>) src(%dma_wait3A_97 : memref<128xi32, #tpu.memory_space<hbm>>) dst(%arg7 : memref<128xi32, #tpu.memory_space<vmem>>)
          tpu.yield
        }) : () -> ()
        %mul3A_78 = arith.constant 80 : i32
        %mul3A_79 = arith.muli %add3A, %mul3A_78 : i32
        %add3A_80 = arith.addi %mul3A_79, %add3A_42 : i32
        %add3A_81 = arith.constant 2 : i32
        %add3A_82 = arith.addi %add3A_80, %add3A_81 : i32
        "tpu.region"() ({
          %run_scoped3A = tpu.sem_alloc : memref<!tpu.dma_semaphore, #tpu.memory_space<semaphore_mem>>
          %dma_start3A_86 = arith.constant 0 : i32
          %dma_start3A_87 = tpu.memref_slice %arg3[%add3A_82, %dma_start3A_86] : memref<2560x128xi32, #tpu.memory_space<hbm>> -> memref<1x128xi32, #tpu.memory_space<hbm>>
          %dma_start3A_88 = tpu.memref_squeeze %dma_start3A_87 : memref<1x128xi32, #tpu.memory_space<hbm>> -> memref<128xi32, #tpu.memory_space<hbm>>
          %dma_start3A_89 = arith.constant 0 : i32
          %dma_start3A_90 = tpu.memref_slice %arg3[%add3A_82, %dma_start3A_89] : memref<2560x128xi32, #tpu.memory_space<hbm>> -> memref<1x128xi32, #tpu.memory_space<hbm>>
          %dma_start3A_91 = tpu.memref_squeeze %dma_start3A_90 : memref<1x128xi32, #tpu.memory_space<hbm>> -> memref<128xi32, #tpu.memory_space<hbm>>
          tpu.enqueue_dma source(%dma_start3A_91 : memref<128xi32, #tpu.memory_space<hbm>>) target(%arg8 : memref<128xi32, #tpu.memory_space<vmem>>) target_semaphore(%run_scoped3A : memref<!tpu.dma_semaphore, #tpu.memory_space<semaphore_mem>>)
          %dma_wait3A_92 = arith.constant 0 : i32
          %dma_wait3A_93 = tpu.memref_slice %arg3[%add3A_82, %dma_wait3A_92] : memref<2560x128xi32, #tpu.memory_space<hbm>> -> memref<1x128xi32, #tpu.memory_space<hbm>>
          %dma_wait3A_94 = tpu.memref_squeeze %dma_wait3A_93 : memref<1x128xi32, #tpu.memory_space<hbm>> -> memref<128xi32, #tpu.memory_space<hbm>>
          %dma_wait3A_95 = arith.constant 0 : i32
          %dma_wait3A_96 = tpu.memref_slice %arg3[%add3A_82, %dma_wait3A_95] : memref<2560x128xi32, #tpu.memory_space<hbm>> -> memref<1x128xi32, #tpu.memory_space<hbm>>
          %dma_wait3A_97 = tpu.memref_squeeze %dma_wait3A_96 : memref<1x128xi32, #tpu.memory_space<hbm>> -> memref<128xi32, #tpu.memory_space<hbm>>
          tpu.wait_dma2 semaphore(%run_scoped3A : memref<!tpu.dma_semaphore, #tpu.memory_space<semaphore_mem>>) src(%dma_wait3A_97 : memref<128xi32, #tpu.memory_space<hbm>>) dst(%arg8 : memref<128xi32, #tpu.memory_space<vmem>>)
          tpu.yield
        }) : () -> ()
        %dma_start3A_83 = arith.constant 0 : i32
        %dma_start3A_84 = arith.constant 0 : i32
        %dma_start3A_85 = tpu.memref_slice %arg4[%dma_start3A_83, %dma_start3A_84] : memref<10240x128xf32, #tpu.memory_space<hbm>> -> memref<10240x128xf32, #tpu.memory_space<hbm>>
        tpu.enqueue_indirect_dma source(%dma_start3A_85 : memref<10240x128xf32, #tpu.memory_space<hbm>>) target(%arg11 : memref<128x128xf32, #tpu.memory_space<vmem>>) offsets(%arg7 : memref<128xi32, #tpu.memory_space<vmem>>) semaphore(%arg14 : memref<!tpu.dma_semaphore, #tpu.memory_space<semaphore_mem>>)
      } else {
      }
      %mul3A_53 = arith.constant 2 : i32
      %mul3A_54 = arith.muli %mul3A_53, %scan3A_38 : i32
      %add3A_55 = arith.constant 1 : i32
      %add3A_56 = arith.addi %mul3A_54, %add3A_55 : i32
      %dma_wait3A_57 = arith.constant 0 : i32
      %dma_wait3A_58 = arith.constant 0 : i32
      %dma_wait3A_59 = tpu.memref_slice %arg4[%dma_wait3A_57, %dma_wait3A_58] : memref<10240x128xf32, #tpu.memory_space<hbm>> -> memref<10240x128xf32, #tpu.memory_space<hbm>>
      tpu.wait_indirect_dma semaphore(%arg15 : memref<!tpu.dma_semaphore, #tpu.memory_space<semaphore_mem>>) src(%dma_wait3A_59 : memref<10240x128xf32, #tpu.memory_space<hbm>>) dst(%arg12 : memref<128x128xf32, #tpu.memory_space<vmem>>)
      %dma_start3A_60 = arith.constant 0 : i32
      %dma_start3A_61 = arith.constant 0 : i32
      %dma_start3A_62 = tpu.memref_slice %arg13[%dma_start3A_60, %dma_start3A_61] : memref<10240x128xf32, #tpu.memory_space<vmem_shared>> -> memref<10240x128xf32, #tpu.memory_space<vmem_shared>>
      tpu.enqueue_indirect_dma source(%arg12 : memref<128x128xf32, #tpu.memory_space<vmem>>) target(%dma_start3A_62 : memref<10240x128xf32, #tpu.memory_space<vmem_shared>>) offsets(%arg10 : memref<128xi32, #tpu.memory_space<vmem>>) semaphore(%arg17 : memref<!tpu.dma_semaphore, #tpu.memory_space<semaphore_mem>>) {add = true}
      %add3A_63 = arith.constant 2 : i32
      %add3A_64 = arith.addi %add3A_56, %add3A_63 : i32
      %lt3A_65 = arith.constant 80 : i32
      %lt3A_66 = arith.cmpi slt, %add3A_64, %lt3A_65 : i32
      %convert_element_type3A_67 = arith.extui %lt3A_66 : i1 to i32
      %cond3A_68 = arith.constant 0 : i32
      %cond3A_69 = arith.cmpi ne, %convert_element_type3A_67, %cond3A_68 : i32
      scf.if %cond3A_69 {
        %dma_wait3A_70 = arith.constant 0 : i32
        %dma_wait3A_71 = arith.constant 0 : i32
        %dma_wait3A_72 = tpu.memref_slice %arg13[%dma_wait3A_70, %dma_wait3A_71] : memref<10240x128xf32, #tpu.memory_space<vmem_shared>> -> memref<10240x128xf32, #tpu.memory_space<vmem_shared>>
        tpu.wait_indirect_dma semaphore(%arg17 : memref<!tpu.dma_semaphore, #tpu.memory_space<semaphore_mem>>) src(%arg12 : memref<128x128xf32, #tpu.memory_space<vmem>>) dst(%dma_wait3A_72 : memref<10240x128xf32, #tpu.memory_space<vmem_shared>>)
        %mul3A_73 = arith.constant 80 : i32
        %mul3A_74 = arith.muli %add3A, %mul3A_73 : i32
        %add3A_75 = arith.addi %mul3A_74, %add3A_56 : i32
        %add3A_76 = arith.constant 2 : i32
        %add3A_77 = arith.addi %add3A_75, %add3A_76 : i32
        "tpu.region"() ({
          %run_scoped3A = tpu.sem_alloc : memref<!tpu.dma_semaphore, #tpu.memory_space<semaphore_mem>>
          %dma_start3A_86 = arith.constant 0 : i32
          %dma_start3A_87 = tpu.memref_slice %arg2[%add3A_77, %dma_start3A_86] : memref<2560x128xi32, #tpu.memory_space<hbm>> -> memref<1x128xi32, #tpu.memory_space<hbm>>
          %dma_start3A_88 = tpu.memref_squeeze %dma_start3A_87 : memref<1x128xi32, #tpu.memory_space<hbm>> -> memref<128xi32, #tpu.memory_space<hbm>>
          %dma_start3A_89 = arith.constant 0 : i32
          %dma_start3A_90 = tpu.memref_slice %arg2[%add3A_77, %dma_start3A_89] : memref<2560x128xi32, #tpu.memory_space<hbm>> -> memref<1x128xi32, #tpu.memory_space<hbm>>
          %dma_start3A_91 = tpu.memref_squeeze %dma_start3A_90 : memref<1x128xi32, #tpu.memory_space<hbm>> -> memref<128xi32, #tpu.memory_space<hbm>>
          tpu.enqueue_dma source(%dma_start3A_91 : memref<128xi32, #tpu.memory_space<hbm>>) target(%arg9 : memref<128xi32, #tpu.memory_space<vmem>>) target_semaphore(%run_scoped3A : memref<!tpu.dma_semaphore, #tpu.memory_space<semaphore_mem>>)
          %dma_wait3A_92 = arith.constant 0 : i32
          %dma_wait3A_93 = tpu.memref_slice %arg2[%add3A_77, %dma_wait3A_92] : memref<2560x128xi32, #tpu.memory_space<hbm>> -> memref<1x128xi32, #tpu.memory_space<hbm>>
          %dma_wait3A_94 = tpu.memref_squeeze %dma_wait3A_93 : memref<1x128xi32, #tpu.memory_space<hbm>> -> memref<128xi32, #tpu.memory_space<hbm>>
          %dma_wait3A_95 = arith.constant 0 : i32
          %dma_wait3A_96 = tpu.memref_slice %arg2[%add3A_77, %dma_wait3A_95] : memref<2560x128xi32, #tpu.memory_space<hbm>> -> memref<1x128xi32, #tpu.memory_space<hbm>>
          %dma_wait3A_97 = tpu.memref_squeeze %dma_wait3A_96 : memref<1x128xi32, #tpu.memory_space<hbm>> -> memref<128xi32, #tpu.memory_space<hbm>>
          tpu.wait_dma2 semaphore(%run_scoped3A : memref<!tpu.dma_semaphore, #tpu.memory_space<semaphore_mem>>) src(%dma_wait3A_97 : memref<128xi32, #tpu.memory_space<hbm>>) dst(%arg9 : memref<128xi32, #tpu.memory_space<vmem>>)
          tpu.yield
        }) : () -> ()
        %mul3A_78 = arith.constant 80 : i32
        %mul3A_79 = arith.muli %add3A, %mul3A_78 : i32
        %add3A_80 = arith.addi %mul3A_79, %add3A_56 : i32
        %add3A_81 = arith.constant 2 : i32
        %add3A_82 = arith.addi %add3A_80, %add3A_81 : i32
        "tpu.region"() ({
          %run_scoped3A = tpu.sem_alloc : memref<!tpu.dma_semaphore, #tpu.memory_space<semaphore_mem>>
          %dma_start3A_86 = arith.constant 0 : i32
          %dma_start3A_87 = tpu.memref_slice %arg3[%add3A_82, %dma_start3A_86] : memref<2560x128xi32, #tpu.memory_space<hbm>> -> memref<1x128xi32, #tpu.memory_space<hbm>>
          %dma_start3A_88 = tpu.memref_squeeze %dma_start3A_87 : memref<1x128xi32, #tpu.memory_space<hbm>> -> memref<128xi32, #tpu.memory_space<hbm>>
          %dma_start3A_89 = arith.constant 0 : i32
          %dma_start3A_90 = tpu.memref_slice %arg3[%add3A_82, %dma_start3A_89] : memref<2560x128xi32, #tpu.memory_space<hbm>> -> memref<1x128xi32, #tpu.memory_space<hbm>>
          %dma_start3A_91 = tpu.memref_squeeze %dma_start3A_90 : memref<1x128xi32, #tpu.memory_space<hbm>> -> memref<128xi32, #tpu.memory_space<hbm>>
          tpu.enqueue_dma source(%dma_start3A_91 : memref<128xi32, #tpu.memory_space<hbm>>) target(%arg10 : memref<128xi32, #tpu.memory_space<vmem>>) target_semaphore(%run_scoped3A : memref<!tpu.dma_semaphore, #tpu.memory_space<semaphore_mem>>)
          %dma_wait3A_92 = arith.constant 0 : i32
          %dma_wait3A_93 = tpu.memref_slice %arg3[%add3A_82, %dma_wait3A_92] : memref<2560x128xi32, #tpu.memory_space<hbm>> -> memref<1x128xi32, #tpu.memory_space<hbm>>
          %dma_wait3A_94 = tpu.memref_squeeze %dma_wait3A_93 : memref<1x128xi32, #tpu.memory_space<hbm>> -> memref<128xi32, #tpu.memory_space<hbm>>
          %dma_wait3A_95 = arith.constant 0 : i32
          %dma_wait3A_96 = tpu.memref_slice %arg3[%add3A_82, %dma_wait3A_95] : memref<2560x128xi32, #tpu.memory_space<hbm>> -> memref<1x128xi32, #tpu.memory_space<hbm>>
          %dma_wait3A_97 = tpu.memref_squeeze %dma_wait3A_96 : memref<1x128xi32, #tpu.memory_space<hbm>> -> memref<128xi32, #tpu.memory_space<hbm>>
          tpu.wait_dma2 semaphore(%run_scoped3A : memref<!tpu.dma_semaphore, #tpu.memory_space<semaphore_mem>>) src(%dma_wait3A_97 : memref<128xi32, #tpu.memory_space<hbm>>) dst(%arg10 : memref<128xi32, #tpu.memory_space<vmem>>)
          tpu.yield
        }) : () -> ()
        %dma_start3A_83 = arith.constant 0 : i32
        %dma_start3A_84 = arith.constant 0 : i32
        %dma_start3A_85 = tpu.memref_slice %arg4[%dma_start3A_83, %dma_start3A_84] : memref<10240x128xf32, #tpu.memory_space<hbm>> -> memref<10240x128xf32, #tpu.memory_space<hbm>>
        tpu.enqueue_indirect_dma source(%dma_start3A_85 : memref<10240x128xf32, #tpu.memory_space<hbm>>) target(%arg12 : memref<128x128xf32, #tpu.memory_space<vmem>>) offsets(%arg9 : memref<128xi32, #tpu.memory_space<vmem>>) semaphore(%arg15 : memref<!tpu.dma_semaphore, #tpu.memory_space<semaphore_mem>>)
      } else {
      }
    }
    %scan3A_28 = arith.constant 40 : i32
    %dma_wait3A = arith.constant 0 : i32
    %dma_wait3A_29 = arith.constant 0 : i32
    %dma_wait3A_30 = tpu.memref_slice %arg13[%dma_wait3A, %dma_wait3A_29] : memref<10240x128xf32, #tpu.memory_space<vmem_shared>> -> memref<10240x128xf32, #tpu.memory_space<vmem_shared>>
    tpu.wait_indirect_dma semaphore(%arg16 : memref<!tpu.dma_semaphore, #tpu.memory_space<semaphore_mem>>) src(%arg11 : memref<128x128xf32, #tpu.memory_space<vmem>>) dst(%dma_wait3A_30 : memref<10240x128xf32, #tpu.memory_space<vmem_shared>>)
    %dma_wait3A_31 = arith.constant 0 : i32
    %dma_wait3A_32 = arith.constant 0 : i32
    %dma_wait3A_33 = tpu.memref_slice %arg13[%dma_wait3A_31, %dma_wait3A_32] : memref<10240x128xf32, #tpu.memory_space<vmem_shared>> -> memref<10240x128xf32, #tpu.memory_space<vmem_shared>>
    tpu.wait_indirect_dma semaphore(%arg17 : memref<!tpu.dma_semaphore, #tpu.memory_space<semaphore_mem>>) src(%arg12 : memref<128x128xf32, #tpu.memory_space<vmem>>) dst(%dma_wait3A_33 : memref<10240x128xf32, #tpu.memory_space<vmem_shared>>)
    %barrier3A_34 = arith.constant 0 : index
    tpu.barrier barrier_id(%barrier3A_34)
    %mul3A_35 = arith.constant 10240 : i32
    %mul3A_36 = arith.muli %arg0, %mul3A_35 : i32
    %add3A_37 = arith.addi %mul3A_36, %mul3A_2 : i32
    "tpu.region"() ({
      %run_scoped3A = tpu.sem_alloc : memref<!tpu.dma_semaphore, #tpu.memory_space<semaphore_mem>>
      %dma_start3A_38 = arith.constant 0 : i32
      %dma_start3A_39 = tpu.memref_slice %arg6[%add3A_37, %dma_start3A_38] : memref<20480x128xf32, #tpu.memory_space<hbm>> -> memref<640x128xf32, #tpu.memory_space<hbm>>
      %dma_start3A_40 = arith.constant 0 : i32
      %dma_start3A_41 = tpu.memref_slice %arg13[%mul3A_2, %dma_start3A_40] : memref<10240x128xf32, #tpu.memory_space<vmem_shared>> -> memref<640x128xf32, #tpu.memory_space<vmem_shared>>
      tpu.enqueue_dma source(%dma_start3A_41 : memref<640x128xf32, #tpu.memory_space<vmem_shared>>) target(%dma_start3A_39 : memref<640x128xf32, #tpu.memory_space<hbm>>) target_semaphore(%run_scoped3A : memref<!tpu.dma_semaphore, #tpu.memory_space<semaphore_mem>>)
      %dma_wait3A_42 = arith.constant 0 : i32
      %dma_wait3A_43 = tpu.memref_slice %arg6[%add3A_37, %dma_wait3A_42] : memref<20480x128xf32, #tpu.memory_space<hbm>> -> memref<640x128xf32, #tpu.memory_space<hbm>>
      %dma_wait3A_44 = arith.constant 0 : i32
      %dma_wait3A_45 = tpu.memref_slice %arg13[%mul3A_2, %dma_wait3A_44] : memref<10240x128xf32, #tpu.memory_space<vmem_shared>> -> memref<640x128xf32, #tpu.memory_space<vmem_shared>>
      tpu.wait_dma2 semaphore(%run_scoped3A : memref<!tpu.dma_semaphore, #tpu.memory_space<semaphore_mem>>) src(%dma_wait3A_45 : memref<640x128xf32, #tpu.memory_space<vmem_shared>>) dst(%dma_wait3A_43 : memref<640x128xf32, #tpu.memory_space<hbm>>)
      tpu.yield
    }) : () -> ()
    return
  }
}

#map = affine_map<(d0, d1) -> (0, 0)>
module attributes {stable_mosaic.version = 14 : i64} {
  func.func @agg_kernel(%arg0: i32, %arg1: i32, %arg2: memref<2560x128xi32, #tpu.memory_space<hbm>>, %arg3: memref<2560x128xi32, #tpu.memory_space<hbm>>, %arg4: memref<10240x128xf32, #tpu.memory_space<hbm>>, %arg5: memref<10240x128xf32, #tpu.memory_space<hbm>>, %arg6: memref<20480x128xf32, #tpu.memory_space<hbm>>, %arg7: memref<128xi32, #tpu.memory_space<vmem>>, %arg8: memref<128xi32, #tpu.memory_space<vmem>>, %arg9: memref<128xi32, #tpu.memory_space<vmem>>, %arg10: memref<128xi32, #tpu.memory_space<vmem>>, %arg11: memref<128x128xf32, #tpu.memory_space<vmem>>, %arg12: memref<128x128xf32, #tpu.memory_space<vmem>>, %arg13: memref<10240x128xf32, #tpu.memory_space<vmem_shared>>, %arg14: memref<!tpu.dma_semaphore, #tpu.memory_space<semaphore_mem>>, %arg15: memref<!tpu.dma_semaphore, #tpu.memory_space<semaphore_mem>>, %arg16: memref<!tpu.dma_semaphore, #tpu.memory_space<semaphore_mem>>, %arg17: memref<!tpu.dma_semaphore, #tpu.memory_space<semaphore_mem>>) attributes {dimension_semantics = [#tpu.dimension_semantics<core_parallel>, #tpu.dimension_semantics<subcore_parallel>], iteration_bounds = array<i64: 2, 16>, scalar_prefetch = 0 : i64, scratch_operands = 11 : i64, tpu.core_type = #tpu.core_type<sc_vector_subcore>, window_params = [{transform_indices = #map}, {transform_indices = #map}, {transform_indices = #map}, {transform_indices = #map}, {transform_indices = #map}]} {
    %mul3A = arith.constant 16 : i32
    %mul3A_0 = arith.muli %arg0, %mul3A : i32
    %add3A = arith.addi %mul3A_0, %arg1 : i32
    %mul3A_1 = arith.constant 640 : i32
    %mul3A_2 = arith.muli %arg1, %mul3A_1 : i32
    "tpu.region"() ({
      %run_scoped3A = tpu.sem_alloc : memref<!tpu.dma_semaphore, #tpu.memory_space<semaphore_mem>>
      %dma_start3A_38 = arith.constant 0 : i32
      %dma_start3A_39 = tpu.memref_slice %arg13[%mul3A_2, %dma_start3A_38] : memref<10240x128xf32, #tpu.memory_space<vmem_shared>> -> memref<640x128xf32, #tpu.memory_space<vmem_shared>>
      %dma_start3A_40 = arith.constant 0 : i32
      %dma_start3A_41 = tpu.memref_slice %arg5[%mul3A_2, %dma_start3A_40] : memref<10240x128xf32, #tpu.memory_space<hbm>> -> memref<640x128xf32, #tpu.memory_space<hbm>>
      tpu.enqueue_dma source(%dma_start3A_41 : memref<640x128xf32, #tpu.memory_space<hbm>>) target(%dma_start3A_39 : memref<640x128xf32, #tpu.memory_space<vmem_shared>>) target_semaphore(%run_scoped3A : memref<!tpu.dma_semaphore, #tpu.memory_space<semaphore_mem>>)
      %dma_wait3A_42 = arith.constant 0 : i32
      %dma_wait3A_43 = tpu.memref_slice %arg13[%mul3A_2, %dma_wait3A_42] : memref<10240x128xf32, #tpu.memory_space<vmem_shared>> -> memref<640x128xf32, #tpu.memory_space<vmem_shared>>
      %dma_wait3A_44 = arith.constant 0 : i32
      %dma_wait3A_45 = tpu.memref_slice %arg5[%mul3A_2, %dma_wait3A_44] : memref<10240x128xf32, #tpu.memory_space<hbm>> -> memref<640x128xf32, #tpu.memory_space<hbm>>
      tpu.wait_dma2 semaphore(%run_scoped3A : memref<!tpu.dma_semaphore, #tpu.memory_space<semaphore_mem>>) src(%dma_wait3A_45 : memref<640x128xf32, #tpu.memory_space<hbm>>) dst(%dma_wait3A_43 : memref<640x128xf32, #tpu.memory_space<vmem_shared>>)
      tpu.yield
    }) : () -> ()
    %barrier3A = arith.constant 0 : index
    tpu.barrier barrier_id(%barrier3A)
    %mul3A_3 = arith.constant 80 : i32
    %mul3A_4 = arith.muli %add3A, %mul3A_3 : i32
    %add3A_5 = arith.constant 0 : i32
    %add3A_6 = arith.addi %mul3A_4, %add3A_5 : i32
    "tpu.region"() ({
      %run_scoped3A = tpu.sem_alloc : memref<!tpu.dma_semaphore, #tpu.memory_space<semaphore_mem>>
      %dma_start3A_38 = arith.constant 0 : i32
      %dma_start3A_39 = tpu.memref_slice %arg2[%add3A_6, %dma_start3A_38] : memref<2560x128xi32, #tpu.memory_space<hbm>> -> memref<1x128xi32, #tpu.memory_space<hbm>>
      %dma_start3A_40 = tpu.memref_squeeze %dma_start3A_39 : memref<1x128xi32, #tpu.memory_space<hbm>> -> memref<128xi32, #tpu.memory_space<hbm>>
      %dma_start3A_41 = arith.constant 0 : i32
      %dma_start3A_42 = tpu.memref_slice %arg2[%add3A_6, %dma_start3A_41] : memref<2560x128xi32, #tpu.memory_space<hbm>> -> memref<1x128xi32, #tpu.memory_space<hbm>>
      %dma_start3A_43 = tpu.memref_squeeze %dma_start3A_42 : memref<1x128xi32, #tpu.memory_space<hbm>> -> memref<128xi32, #tpu.memory_space<hbm>>
      tpu.enqueue_dma source(%dma_start3A_43 : memref<128xi32, #tpu.memory_space<hbm>>) target(%arg7 : memref<128xi32, #tpu.memory_space<vmem>>) target_semaphore(%run_scoped3A : memref<!tpu.dma_semaphore, #tpu.memory_space<semaphore_mem>>)
      %dma_wait3A_44 = arith.constant 0 : i32
      %dma_wait3A_45 = tpu.memref_slice %arg2[%add3A_6, %dma_wait3A_44] : memref<2560x128xi32, #tpu.memory_space<hbm>> -> memref<1x128xi32, #tpu.memory_space<hbm>>
      %dma_wait3A_46 = tpu.memref_squeeze %dma_wait3A_45 : memref<1x128xi32, #tpu.memory_space<hbm>> -> memref<128xi32, #tpu.memory_space<hbm>>
      %dma_wait3A_47 = arith.constant 0 : i32
      %dma_wait3A_48 = tpu.memref_slice %arg2[%add3A_6, %dma_wait3A_47] : memref<2560x128xi32, #tpu.memory_space<hbm>> -> memref<1x128xi32, #tpu.memory_space<hbm>>
      %dma_wait3A_49 = tpu.memref_squeeze %dma_wait3A_48 : memref<1x128xi32, #tpu.memory_space<hbm>> -> memref<128xi32, #tpu.memory_space<hbm>>
      tpu.wait_dma2 semaphore(%run_scoped3A : memref<!tpu.dma_semaphore, #tpu.memory_space<semaphore_mem>>) src(%dma_wait3A_49 : memref<128xi32, #tpu.memory_space<hbm>>) dst(%arg7 : memref<128xi32, #tpu.memory_space<vmem>>)
      tpu.yield
    }) : () -> ()
    %mul3A_7 = arith.constant 80 : i32
    %mul3A_8 = arith.muli %add3A, %mul3A_7 : i32
    %add3A_9 = arith.constant 0 : i32
    %add3A_10 = arith.addi %mul3A_8, %add3A_9 : i32
    "tpu.region"() ({
      %run_scoped3A = tpu.sem_alloc : memref<!tpu.dma_semaphore, #tpu.memory_space<semaphore_mem>>
      %dma_start3A_38 = arith.constant 0 : i32
      %dma_start3A_39 = tpu.memref_slice %arg3[%add3A_10, %dma_start3A_38] : memref<2560x128xi32, #tpu.memory_space<hbm>> -> memref<1x128xi32, #tpu.memory_space<hbm>>
      %dma_start3A_40 = tpu.memref_squeeze %dma_start3A_39 : memref<1x128xi32, #tpu.memory_space<hbm>> -> memref<128xi32, #tpu.memory_space<hbm>>
      %dma_start3A_41 = arith.constant 0 : i32
      %dma_start3A_42 = tpu.memref_slice %arg3[%add3A_10, %dma_start3A_41] : memref<2560x128xi32, #tpu.memory_space<hbm>> -> memref<1x128xi32, #tpu.memory_space<hbm>>
      %dma_start3A_43 = tpu.memref_squeeze %dma_start3A_42 : memref<1x128xi32, #tpu.memory_space<hbm>> -> memref<128xi32, #tpu.memory_space<hbm>>
      tpu.enqueue_dma source(%dma_start3A_43 : memref<128xi32, #tpu.memory_space<hbm>>) target(%arg8 : memref<128xi32, #tpu.memory_space<vmem>>) target_semaphore(%run_scoped3A : memref<!tpu.dma_semaphore, #tpu.memory_space<semaphore_mem>>)
      %dma_wait3A_44 = arith.constant 0 : i32
      %dma_wait3A_45 = tpu.memref_slice %arg3[%add3A_10, %dma_wait3A_44] : memref<2560x128xi32, #tpu.memory_space<hbm>> -> memref<1x128xi32, #tpu.memory_space<hbm>>
      %dma_wait3A_46 = tpu.memref_squeeze %dma_wait3A_45 : memref<1x128xi32, #tpu.memory_space<hbm>> -> memref<128xi32, #tpu.memory_space<hbm>>
      %dma_wait3A_47 = arith.constant 0 : i32
      %dma_wait3A_48 = tpu.memref_slice %arg3[%add3A_10, %dma_wait3A_47] : memref<2560x128xi32, #tpu.memory_space<hbm>> -> memref<1x128xi32, #tpu.memory_space<hbm>>
      %dma_wait3A_49 = tpu.memref_squeeze %dma_wait3A_48 : memref<1x128xi32, #tpu.memory_space<hbm>> -> memref<128xi32, #tpu.memory_space<hbm>>
      tpu.wait_dma2 semaphore(%run_scoped3A : memref<!tpu.dma_semaphore, #tpu.memory_space<semaphore_mem>>) src(%dma_wait3A_49 : memref<128xi32, #tpu.memory_space<hbm>>) dst(%arg8 : memref<128xi32, #tpu.memory_space<vmem>>)
      tpu.yield
    }) : () -> ()
    %dma_start3A = arith.constant 0 : i32
    %dma_start3A_11 = arith.constant 0 : i32
    %dma_start3A_12 = tpu.memref_slice %arg4[%dma_start3A, %dma_start3A_11] : memref<10240x128xf32, #tpu.memory_space<hbm>> -> memref<10240x128xf32, #tpu.memory_space<hbm>>
    tpu.enqueue_indirect_dma source(%dma_start3A_12 : memref<10240x128xf32, #tpu.memory_space<hbm>>) target(%arg11 : memref<128x128xf32, #tpu.memory_space<vmem>>) offsets(%arg7 : memref<128xi32, #tpu.memory_space<vmem>>) semaphore(%arg14 : memref<!tpu.dma_semaphore, #tpu.memory_space<semaphore_mem>>)
    %mul3A_13 = arith.constant 80 : i32
    %mul3A_14 = arith.muli %add3A, %mul3A_13 : i32
    %add3A_15 = arith.constant 1 : i32
    %add3A_16 = arith.addi %mul3A_14, %add3A_15 : i32
    "tpu.region"() ({
      %run_scoped3A = tpu.sem_alloc : memref<!tpu.dma_semaphore, #tpu.memory_space<semaphore_mem>>
      %dma_start3A_38 = arith.constant 0 : i32
      %dma_start3A_39 = tpu.memref_slice %arg2[%add3A_16, %dma_start3A_38] : memref<2560x128xi32, #tpu.memory_space<hbm>> -> memref<1x128xi32, #tpu.memory_space<hbm>>
      %dma_start3A_40 = tpu.memref_squeeze %dma_start3A_39 : memref<1x128xi32, #tpu.memory_space<hbm>> -> memref<128xi32, #tpu.memory_space<hbm>>
      %dma_start3A_41 = arith.constant 0 : i32
      %dma_start3A_42 = tpu.memref_slice %arg2[%add3A_16, %dma_start3A_41] : memref<2560x128xi32, #tpu.memory_space<hbm>> -> memref<1x128xi32, #tpu.memory_space<hbm>>
      %dma_start3A_43 = tpu.memref_squeeze %dma_start3A_42 : memref<1x128xi32, #tpu.memory_space<hbm>> -> memref<128xi32, #tpu.memory_space<hbm>>
      tpu.enqueue_dma source(%dma_start3A_43 : memref<128xi32, #tpu.memory_space<hbm>>) target(%arg9 : memref<128xi32, #tpu.memory_space<vmem>>) target_semaphore(%run_scoped3A : memref<!tpu.dma_semaphore, #tpu.memory_space<semaphore_mem>>)
      %dma_wait3A_44 = arith.constant 0 : i32
      %dma_wait3A_45 = tpu.memref_slice %arg2[%add3A_16, %dma_wait3A_44] : memref<2560x128xi32, #tpu.memory_space<hbm>> -> memref<1x128xi32, #tpu.memory_space<hbm>>
      %dma_wait3A_46 = tpu.memref_squeeze %dma_wait3A_45 : memref<1x128xi32, #tpu.memory_space<hbm>> -> memref<128xi32, #tpu.memory_space<hbm>>
      %dma_wait3A_47 = arith.constant 0 : i32
      %dma_wait3A_48 = tpu.memref_slice %arg2[%add3A_16, %dma_wait3A_47] : memref<2560x128xi32, #tpu.memory_space<hbm>> -> memref<1x128xi32, #tpu.memory_space<hbm>>
      %dma_wait3A_49 = tpu.memref_squeeze %dma_wait3A_48 : memref<1x128xi32, #tpu.memory_space<hbm>> -> memref<128xi32, #tpu.memory_space<hbm>>
      tpu.wait_dma2 semaphore(%run_scoped3A : memref<!tpu.dma_semaphore, #tpu.memory_space<semaphore_mem>>) src(%dma_wait3A_49 : memref<128xi32, #tpu.memory_space<hbm>>) dst(%arg9 : memref<128xi32, #tpu.memory_space<vmem>>)
      tpu.yield
    }) : () -> ()
    %mul3A_17 = arith.constant 80 : i32
    %mul3A_18 = arith.muli %add3A, %mul3A_17 : i32
    %add3A_19 = arith.constant 1 : i32
    %add3A_20 = arith.addi %mul3A_18, %add3A_19 : i32
    "tpu.region"() ({
      %run_scoped3A = tpu.sem_alloc : memref<!tpu.dma_semaphore, #tpu.memory_space<semaphore_mem>>
      %dma_start3A_38 = arith.constant 0 : i32
      %dma_start3A_39 = tpu.memref_slice %arg3[%add3A_20, %dma_start3A_38] : memref<2560x128xi32, #tpu.memory_space<hbm>> -> memref<1x128xi32, #tpu.memory_space<hbm>>
      %dma_start3A_40 = tpu.memref_squeeze %dma_start3A_39 : memref<1x128xi32, #tpu.memory_space<hbm>> -> memref<128xi32, #tpu.memory_space<hbm>>
      %dma_start3A_41 = arith.constant 0 : i32
      %dma_start3A_42 = tpu.memref_slice %arg3[%add3A_20, %dma_start3A_41] : memref<2560x128xi32, #tpu.memory_space<hbm>> -> memref<1x128xi32, #tpu.memory_space<hbm>>
      %dma_start3A_43 = tpu.memref_squeeze %dma_start3A_42 : memref<1x128xi32, #tpu.memory_space<hbm>> -> memref<128xi32, #tpu.memory_space<hbm>>
      tpu.enqueue_dma source(%dma_start3A_43 : memref<128xi32, #tpu.memory_space<hbm>>) target(%arg10 : memref<128xi32, #tpu.memory_space<vmem>>) target_semaphore(%run_scoped3A : memref<!tpu.dma_semaphore, #tpu.memory_space<semaphore_mem>>)
      %dma_wait3A_44 = arith.constant 0 : i32
      %dma_wait3A_45 = tpu.memref_slice %arg3[%add3A_20, %dma_wait3A_44] : memref<2560x128xi32, #tpu.memory_space<hbm>> -> memref<1x128xi32, #tpu.memory_space<hbm>>
      %dma_wait3A_46 = tpu.memref_squeeze %dma_wait3A_45 : memref<1x128xi32, #tpu.memory_space<hbm>> -> memref<128xi32, #tpu.memory_space<hbm>>
      %dma_wait3A_47 = arith.constant 0 : i32
      %dma_wait3A_48 = tpu.memref_slice %arg3[%add3A_20, %dma_wait3A_47] : memref<2560x128xi32, #tpu.memory_space<hbm>> -> memref<1x128xi32, #tpu.memory_space<hbm>>
      %dma_wait3A_49 = tpu.memref_squeeze %dma_wait3A_48 : memref<1x128xi32, #tpu.memory_space<hbm>> -> memref<128xi32, #tpu.memory_space<hbm>>
      tpu.wait_dma2 semaphore(%run_scoped3A : memref<!tpu.dma_semaphore, #tpu.memory_space<semaphore_mem>>) src(%dma_wait3A_49 : memref<128xi32, #tpu.memory_space<hbm>>) dst(%arg10 : memref<128xi32, #tpu.memory_space<vmem>>)
      tpu.yield
    }) : () -> ()
    %dma_start3A_21 = arith.constant 0 : i32
    %dma_start3A_22 = arith.constant 0 : i32
    %dma_start3A_23 = tpu.memref_slice %arg4[%dma_start3A_21, %dma_start3A_22] : memref<10240x128xf32, #tpu.memory_space<hbm>> -> memref<10240x128xf32, #tpu.memory_space<hbm>>
    tpu.enqueue_indirect_dma source(%dma_start3A_23 : memref<10240x128xf32, #tpu.memory_space<hbm>>) target(%arg12 : memref<128x128xf32, #tpu.memory_space<vmem>>) offsets(%arg9 : memref<128xi32, #tpu.memory_space<vmem>>) semaphore(%arg15 : memref<!tpu.dma_semaphore, #tpu.memory_space<semaphore_mem>>)
    %scan3A = arith.constant 0 : i32
    %scan3A_24 = arith.constant 0 : i32
    %scan3A_25 = arith.constant 40 : i32
    %scan3A_26 = arith.addi %scan3A_24, %scan3A_25 : i32
    %scan3A_27 = arith.constant 1 : i32
    scf.for %scan3A_38 = %scan3A_24 to %scan3A_26 step %scan3A_27  : i32 {
      %mul3A_39 = arith.constant 2 : i32
      %mul3A_40 = arith.muli %mul3A_39, %scan3A_38 : i32
      %add3A_41 = arith.constant 0 : i32
      %add3A_42 = arith.addi %mul3A_40, %add3A_41 : i32
      %dma_wait3A_43 = arith.constant 0 : i32
      %dma_wait3A_44 = arith.constant 0 : i32
      %dma_wait3A_45 = tpu.memref_slice %arg4[%dma_wait3A_43, %dma_wait3A_44] : memref<10240x128xf32, #tpu.memory_space<hbm>> -> memref<10240x128xf32, #tpu.memory_space<hbm>>
      tpu.wait_indirect_dma semaphore(%arg14 : memref<!tpu.dma_semaphore, #tpu.memory_space<semaphore_mem>>) src(%dma_wait3A_45 : memref<10240x128xf32, #tpu.memory_space<hbm>>) dst(%arg11 : memref<128x128xf32, #tpu.memory_space<vmem>>)
      %dma_start3A_46 = arith.constant 0 : i32
      %dma_start3A_47 = arith.constant 0 : i32
      %dma_start3A_48 = tpu.memref_slice %arg13[%dma_start3A_46, %dma_start3A_47] : memref<10240x128xf32, #tpu.memory_space<vmem_shared>> -> memref<10240x128xf32, #tpu.memory_space<vmem_shared>>
      tpu.enqueue_indirect_dma source(%arg11 : memref<128x128xf32, #tpu.memory_space<vmem>>) target(%dma_start3A_48 : memref<10240x128xf32, #tpu.memory_space<vmem_shared>>) offsets(%arg8 : memref<128xi32, #tpu.memory_space<vmem>>) semaphore(%arg16 : memref<!tpu.dma_semaphore, #tpu.memory_space<semaphore_mem>>) {add = true}
      %add3A_49 = arith.constant 2 : i32
      %add3A_50 = arith.addi %add3A_42, %add3A_49 : i32
      %lt3A = arith.constant 80 : i32
      %lt3A_51 = arith.cmpi slt, %add3A_50, %lt3A : i32
      %convert_element_type3A = arith.extui %lt3A_51 : i1 to i32
      %cond3A = arith.constant 0 : i32
      %cond3A_52 = arith.cmpi ne, %convert_element_type3A, %cond3A : i32
      scf.if %cond3A_52 {
        %dma_wait3A_70 = arith.constant 0 : i32
        %dma_wait3A_71 = arith.constant 0 : i32
        %dma_wait3A_72 = tpu.memref_slice %arg13[%dma_wait3A_70, %dma_wait3A_71] : memref<10240x128xf32, #tpu.memory_space<vmem_shared>> -> memref<10240x128xf32, #tpu.memory_space<vmem_shared>>
        tpu.wait_indirect_dma semaphore(%arg16 : memref<!tpu.dma_semaphore, #tpu.memory_space<semaphore_mem>>) src(%arg11 : memref<128x128xf32, #tpu.memory_space<vmem>>) dst(%dma_wait3A_72 : memref<10240x128xf32, #tpu.memory_space<vmem_shared>>)
        %mul3A_73 = arith.constant 80 : i32
        %mul3A_74 = arith.muli %add3A, %mul3A_73 : i32
        %add3A_75 = arith.addi %mul3A_74, %add3A_42 : i32
        %add3A_76 = arith.constant 2 : i32
        %add3A_77 = arith.addi %add3A_75, %add3A_76 : i32
        "tpu.region"() ({
          %run_scoped3A = tpu.sem_alloc : memref<!tpu.dma_semaphore, #tpu.memory_space<semaphore_mem>>
          %dma_start3A_86 = arith.constant 0 : i32
          %dma_start3A_87 = tpu.memref_slice %arg2[%add3A_77, %dma_start3A_86] : memref<2560x128xi32, #tpu.memory_space<hbm>> -> memref<1x128xi32, #tpu.memory_space<hbm>>
          %dma_start3A_88 = tpu.memref_squeeze %dma_start3A_87 : memref<1x128xi32, #tpu.memory_space<hbm>> -> memref<128xi32, #tpu.memory_space<hbm>>
          %dma_start3A_89 = arith.constant 0 : i32
          %dma_start3A_90 = tpu.memref_slice %arg2[%add3A_77, %dma_start3A_89] : memref<2560x128xi32, #tpu.memory_space<hbm>> -> memref<1x128xi32, #tpu.memory_space<hbm>>
          %dma_start3A_91 = tpu.memref_squeeze %dma_start3A_90 : memref<1x128xi32, #tpu.memory_space<hbm>> -> memref<128xi32, #tpu.memory_space<hbm>>
          tpu.enqueue_dma source(%dma_start3A_91 : memref<128xi32, #tpu.memory_space<hbm>>) target(%arg7 : memref<128xi32, #tpu.memory_space<vmem>>) target_semaphore(%run_scoped3A : memref<!tpu.dma_semaphore, #tpu.memory_space<semaphore_mem>>)
          %dma_wait3A_92 = arith.constant 0 : i32
          %dma_wait3A_93 = tpu.memref_slice %arg2[%add3A_77, %dma_wait3A_92] : memref<2560x128xi32, #tpu.memory_space<hbm>> -> memref<1x128xi32, #tpu.memory_space<hbm>>
          %dma_wait3A_94 = tpu.memref_squeeze %dma_wait3A_93 : memref<1x128xi32, #tpu.memory_space<hbm>> -> memref<128xi32, #tpu.memory_space<hbm>>
          %dma_wait3A_95 = arith.constant 0 : i32
          %dma_wait3A_96 = tpu.memref_slice %arg2[%add3A_77, %dma_wait3A_95] : memref<2560x128xi32, #tpu.memory_space<hbm>> -> memref<1x128xi32, #tpu.memory_space<hbm>>
          %dma_wait3A_97 = tpu.memref_squeeze %dma_wait3A_96 : memref<1x128xi32, #tpu.memory_space<hbm>> -> memref<128xi32, #tpu.memory_space<hbm>>
          tpu.wait_dma2 semaphore(%run_scoped3A : memref<!tpu.dma_semaphore, #tpu.memory_space<semaphore_mem>>) src(%dma_wait3A_97 : memref<128xi32, #tpu.memory_space<hbm>>) dst(%arg7 : memref<128xi32, #tpu.memory_space<vmem>>)
          tpu.yield
        }) : () -> ()
        %mul3A_78 = arith.constant 80 : i32
        %mul3A_79 = arith.muli %add3A, %mul3A_78 : i32
        %add3A_80 = arith.addi %mul3A_79, %add3A_42 : i32
        %add3A_81 = arith.constant 2 : i32
        %add3A_82 = arith.addi %add3A_80, %add3A_81 : i32
        "tpu.region"() ({
          %run_scoped3A = tpu.sem_alloc : memref<!tpu.dma_semaphore, #tpu.memory_space<semaphore_mem>>
          %dma_start3A_86 = arith.constant 0 : i32
          %dma_start3A_87 = tpu.memref_slice %arg3[%add3A_82, %dma_start3A_86] : memref<2560x128xi32, #tpu.memory_space<hbm>> -> memref<1x128xi32, #tpu.memory_space<hbm>>
          %dma_start3A_88 = tpu.memref_squeeze %dma_start3A_87 : memref<1x128xi32, #tpu.memory_space<hbm>> -> memref<128xi32, #tpu.memory_space<hbm>>
          %dma_start3A_89 = arith.constant 0 : i32
          %dma_start3A_90 = tpu.memref_slice %arg3[%add3A_82, %dma_start3A_89] : memref<2560x128xi32, #tpu.memory_space<hbm>> -> memref<1x128xi32, #tpu.memory_space<hbm>>
          %dma_start3A_91 = tpu.memref_squeeze %dma_start3A_90 : memref<1x128xi32, #tpu.memory_space<hbm>> -> memref<128xi32, #tpu.memory_space<hbm>>
          tpu.enqueue_dma source(%dma_start3A_91 : memref<128xi32, #tpu.memory_space<hbm>>) target(%arg8 : memref<128xi32, #tpu.memory_space<vmem>>) target_semaphore(%run_scoped3A : memref<!tpu.dma_semaphore, #tpu.memory_space<semaphore_mem>>)
          %dma_wait3A_92 = arith.constant 0 : i32
          %dma_wait3A_93 = tpu.memref_slice %arg3[%add3A_82, %dma_wait3A_92] : memref<2560x128xi32, #tpu.memory_space<hbm>> -> memref<1x128xi32, #tpu.memory_space<hbm>>
          %dma_wait3A_94 = tpu.memref_squeeze %dma_wait3A_93 : memref<1x128xi32, #tpu.memory_space<hbm>> -> memref<128xi32, #tpu.memory_space<hbm>>
          %dma_wait3A_95 = arith.constant 0 : i32
          %dma_wait3A_96 = tpu.memref_slice %arg3[%add3A_82, %dma_wait3A_95] : memref<2560x128xi32, #tpu.memory_space<hbm>> -> memref<1x128xi32, #tpu.memory_space<hbm>>
          %dma_wait3A_97 = tpu.memref_squeeze %dma_wait3A_96 : memref<1x128xi32, #tpu.memory_space<hbm>> -> memref<128xi32, #tpu.memory_space<hbm>>
          tpu.wait_dma2 semaphore(%run_scoped3A : memref<!tpu.dma_semaphore, #tpu.memory_space<semaphore_mem>>) src(%dma_wait3A_97 : memref<128xi32, #tpu.memory_space<hbm>>) dst(%arg8 : memref<128xi32, #tpu.memory_space<vmem>>)
          tpu.yield
        }) : () -> ()
        %dma_start3A_83 = arith.constant 0 : i32
        %dma_start3A_84 = arith.constant 0 : i32
        %dma_start3A_85 = tpu.memref_slice %arg4[%dma_start3A_83, %dma_start3A_84] : memref<10240x128xf32, #tpu.memory_space<hbm>> -> memref<10240x128xf32, #tpu.memory_space<hbm>>
        tpu.enqueue_indirect_dma source(%dma_start3A_85 : memref<10240x128xf32, #tpu.memory_space<hbm>>) target(%arg11 : memref<128x128xf32, #tpu.memory_space<vmem>>) offsets(%arg7 : memref<128xi32, #tpu.memory_space<vmem>>) semaphore(%arg14 : memref<!tpu.dma_semaphore, #tpu.memory_space<semaphore_mem>>)
      } else {
      }
      %mul3A_53 = arith.constant 2 : i32
      %mul3A_54 = arith.muli %mul3A_53, %scan3A_38 : i32
      %add3A_55 = arith.constant 1 : i32
      %add3A_56 = arith.addi %mul3A_54, %add3A_55 : i32
      %dma_wait3A_57 = arith.constant 0 : i32
      %dma_wait3A_58 = arith.constant 0 : i32
      %dma_wait3A_59 = tpu.memref_slice %arg4[%dma_wait3A_57, %dma_wait3A_58] : memref<10240x128xf32, #tpu.memory_space<hbm>> -> memref<10240x128xf32, #tpu.memory_space<hbm>>
      tpu.wait_indirect_dma semaphore(%arg15 : memref<!tpu.dma_semaphore, #tpu.memory_space<semaphore_mem>>) src(%dma_wait3A_59 : memref<10240x128xf32, #tpu.memory_space<hbm>>) dst(%arg12 : memref<128x128xf32, #tpu.memory_space<vmem>>)
      %dma_start3A_60 = arith.constant 0 : i32
      %dma_start3A_61 = arith.constant 0 : i32
      %dma_start3A_62 = tpu.memref_slice %arg13[%dma_start3A_60, %dma_start3A_61] : memref<10240x128xf32, #tpu.memory_space<vmem_shared>> -> memref<10240x128xf32, #tpu.memory_space<vmem_shared>>
      tpu.enqueue_indirect_dma source(%arg12 : memref<128x128xf32, #tpu.memory_space<vmem>>) target(%dma_start3A_62 : memref<10240x128xf32, #tpu.memory_space<vmem_shared>>) offsets(%arg10 : memref<128xi32, #tpu.memory_space<vmem>>) semaphore(%arg17 : memref<!tpu.dma_semaphore, #tpu.memory_space<semaphore_mem>>) {add = true}
      %add3A_63 = arith.constant 2 : i32
      %add3A_64 = arith.addi %add3A_56, %add3A_63 : i32
      %lt3A_65 = arith.constant 80 : i32
      %lt3A_66 = arith.cmpi slt, %add3A_64, %lt3A_65 : i32
      %convert_element_type3A_67 = arith.extui %lt3A_66 : i1 to i32
      %cond3A_68 = arith.constant 0 : i32
      %cond3A_69 = arith.cmpi ne, %convert_element_type3A_67, %cond3A_68 : i32
      scf.if %cond3A_69 {
        %dma_wait3A_70 = arith.constant 0 : i32
        %dma_wait3A_71 = arith.constant 0 : i32
        %dma_wait3A_72 = tpu.memref_slice %arg13[%dma_wait3A_70, %dma_wait3A_71] : memref<10240x128xf32, #tpu.memory_space<vmem_shared>> -> memref<10240x128xf32, #tpu.memory_space<vmem_shared>>
        tpu.wait_indirect_dma semaphore(%arg17 : memref<!tpu.dma_semaphore, #tpu.memory_space<semaphore_mem>>) src(%arg12 : memref<128x128xf32, #tpu.memory_space<vmem>>) dst(%dma_wait3A_72 : memref<10240x128xf32, #tpu.memory_space<vmem_shared>>)
        %mul3A_73 = arith.constant 80 : i32
        %mul3A_74 = arith.muli %add3A, %mul3A_73 : i32
        %add3A_75 = arith.addi %mul3A_74, %add3A_56 : i32
        %add3A_76 = arith.constant 2 : i32
        %add3A_77 = arith.addi %add3A_75, %add3A_76 : i32
        "tpu.region"() ({
          %run_scoped3A = tpu.sem_alloc : memref<!tpu.dma_semaphore, #tpu.memory_space<semaphore_mem>>
          %dma_start3A_86 = arith.constant 0 : i32
          %dma_start3A_87 = tpu.memref_slice %arg2[%add3A_77, %dma_start3A_86] : memref<2560x128xi32, #tpu.memory_space<hbm>> -> memref<1x128xi32, #tpu.memory_space<hbm>>
          %dma_start3A_88 = tpu.memref_squeeze %dma_start3A_87 : memref<1x128xi32, #tpu.memory_space<hbm>> -> memref<128xi32, #tpu.memory_space<hbm>>
          %dma_start3A_89 = arith.constant 0 : i32
          %dma_start3A_90 = tpu.memref_slice %arg2[%add3A_77, %dma_start3A_89] : memref<2560x128xi32, #tpu.memory_space<hbm>> -> memref<1x128xi32, #tpu.memory_space<hbm>>
          %dma_start3A_91 = tpu.memref_squeeze %dma_start3A_90 : memref<1x128xi32, #tpu.memory_space<hbm>> -> memref<128xi32, #tpu.memory_space<hbm>>
          tpu.enqueue_dma source(%dma_start3A_91 : memref<128xi32, #tpu.memory_space<hbm>>) target(%arg9 : memref<128xi32, #tpu.memory_space<vmem>>) target_semaphore(%run_scoped3A : memref<!tpu.dma_semaphore, #tpu.memory_space<semaphore_mem>>)
          %dma_wait3A_92 = arith.constant 0 : i32
          %dma_wait3A_93 = tpu.memref_slice %arg2[%add3A_77, %dma_wait3A_92] : memref<2560x128xi32, #tpu.memory_space<hbm>> -> memref<1x128xi32, #tpu.memory_space<hbm>>
          %dma_wait3A_94 = tpu.memref_squeeze %dma_wait3A_93 : memref<1x128xi32, #tpu.memory_space<hbm>> -> memref<128xi32, #tpu.memory_space<hbm>>
          %dma_wait3A_95 = arith.constant 0 : i32
          %dma_wait3A_96 = tpu.memref_slice %arg2[%add3A_77, %dma_wait3A_95] : memref<2560x128xi32, #tpu.memory_space<hbm>> -> memref<1x128xi32, #tpu.memory_space<hbm>>
          %dma_wait3A_97 = tpu.memref_squeeze %dma_wait3A_96 : memref<1x128xi32, #tpu.memory_space<hbm>> -> memref<128xi32, #tpu.memory_space<hbm>>
          tpu.wait_dma2 semaphore(%run_scoped3A : memref<!tpu.dma_semaphore, #tpu.memory_space<semaphore_mem>>) src(%dma_wait3A_97 : memref<128xi32, #tpu.memory_space<hbm>>) dst(%arg9 : memref<128xi32, #tpu.memory_space<vmem>>)
          tpu.yield
        }) : () -> ()
        %mul3A_78 = arith.constant 80 : i32
        %mul3A_79 = arith.muli %add3A, %mul3A_78 : i32
        %add3A_80 = arith.addi %mul3A_79, %add3A_56 : i32
        %add3A_81 = arith.constant 2 : i32
        %add3A_82 = arith.addi %add3A_80, %add3A_81 : i32
        "tpu.region"() ({
          %run_scoped3A = tpu.sem_alloc : memref<!tpu.dma_semaphore, #tpu.memory_space<semaphore_mem>>
          %dma_start3A_86 = arith.constant 0 : i32
          %dma_start3A_87 = tpu.memref_slice %arg3[%add3A_82, %dma_start3A_86] : memref<2560x128xi32, #tpu.memory_space<hbm>> -> memref<1x128xi32, #tpu.memory_space<hbm>>
          %dma_start3A_88 = tpu.memref_squeeze %dma_start3A_87 : memref<1x128xi32, #tpu.memory_space<hbm>> -> memref<128xi32, #tpu.memory_space<hbm>>
          %dma_start3A_89 = arith.constant 0 : i32
          %dma_start3A_90 = tpu.memref_slice %arg3[%add3A_82, %dma_start3A_89] : memref<2560x128xi32, #tpu.memory_space<hbm>> -> memref<1x128xi32, #tpu.memory_space<hbm>>
          %dma_start3A_91 = tpu.memref_squeeze %dma_start3A_90 : memref<1x128xi32, #tpu.memory_space<hbm>> -> memref<128xi32, #tpu.memory_space<hbm>>
          tpu.enqueue_dma source(%dma_start3A_91 : memref<128xi32, #tpu.memory_space<hbm>>) target(%arg10 : memref<128xi32, #tpu.memory_space<vmem>>) target_semaphore(%run_scoped3A : memref<!tpu.dma_semaphore, #tpu.memory_space<semaphore_mem>>)
          %dma_wait3A_92 = arith.constant 0 : i32
          %dma_wait3A_93 = tpu.memref_slice %arg3[%add3A_82, %dma_wait3A_92] : memref<2560x128xi32, #tpu.memory_space<hbm>> -> memref<1x128xi32, #tpu.memory_space<hbm>>
          %dma_wait3A_94 = tpu.memref_squeeze %dma_wait3A_93 : memref<1x128xi32, #tpu.memory_space<hbm>> -> memref<128xi32, #tpu.memory_space<hbm>>
          %dma_wait3A_95 = arith.constant 0 : i32
          %dma_wait3A_96 = tpu.memref_slice %arg3[%add3A_82, %dma_wait3A_95] : memref<2560x128xi32, #tpu.memory_space<hbm>> -> memref<1x128xi32, #tpu.memory_space<hbm>>
          %dma_wait3A_97 = tpu.memref_squeeze %dma_wait3A_96 : memref<1x128xi32, #tpu.memory_space<hbm>> -> memref<128xi32, #tpu.memory_space<hbm>>
          tpu.wait_dma2 semaphore(%run_scoped3A : memref<!tpu.dma_semaphore, #tpu.memory_space<semaphore_mem>>) src(%dma_wait3A_97 : memref<128xi32, #tpu.memory_space<hbm>>) dst(%arg10 : memref<128xi32, #tpu.memory_space<vmem>>)
          tpu.yield
        }) : () -> ()
        %dma_start3A_83 = arith.constant 0 : i32
        %dma_start3A_84 = arith.constant 0 : i32
        %dma_start3A_85 = tpu.memref_slice %arg4[%dma_start3A_83, %dma_start3A_84] : memref<10240x128xf32, #tpu.memory_space<hbm>> -> memref<10240x128xf32, #tpu.memory_space<hbm>>
        tpu.enqueue_indirect_dma source(%dma_start3A_85 : memref<10240x128xf32, #tpu.memory_space<hbm>>) target(%arg12 : memref<128x128xf32, #tpu.memory_space<vmem>>) offsets(%arg9 : memref<128xi32, #tpu.memory_space<vmem>>) semaphore(%arg15 : memref<!tpu.dma_semaphore, #tpu.memory_space<semaphore_mem>>)
      } else {
      }
    }
    %scan3A_28 = arith.constant 40 : i32
    %dma_wait3A = arith.constant 0 : i32
    %dma_wait3A_29 = arith.constant 0 : i32
    %dma_wait3A_30 = tpu.memref_slice %arg13[%dma_wait3A, %dma_wait3A_29] : memref<10240x128xf32, #tpu.memory_space<vmem_shared>> -> memref<10240x128xf32, #tpu.memory_space<vmem_shared>>
    tpu.wait_indirect_dma semaphore(%arg16 : memref<!tpu.dma_semaphore, #tpu.memory_space<semaphore_mem>>) src(%arg11 : memref<128x128xf32, #tpu.memory_space<vmem>>) dst(%dma_wait3A_30 : memref<10240x128xf32, #tpu.memory_space<vmem_shared>>)
    %dma_wait3A_31 = arith.constant 0 : i32
    %dma_wait3A_32 = arith.constant 0 : i32
    %dma_wait3A_33 = tpu.memref_slice %arg13[%dma_wait3A_31, %dma_wait3A_32] : memref<10240x128xf32, #tpu.memory_space<vmem_shared>> -> memref<10240x128xf32, #tpu.memory_space<vmem_shared>>
    tpu.wait_indirect_dma semaphore(%arg17 : memref<!tpu.dma_semaphore, #tpu.memory_space<semaphore_mem>>) src(%arg12 : memref<128x128xf32, #tpu.memory_space<vmem>>) dst(%dma_wait3A_33 : memref<10240x128xf32, #tpu.memory_space<vmem_shared>>)
    %barrier3A_34 = arith.constant 0 : index
    tpu.barrier barrier_id(%barrier3A_34)
    %mul3A_35 = arith.constant 10240 : i32
    %mul3A_36 = arith.muli %arg0, %mul3A_35 : i32
    %add3A_37 = arith.addi %mul3A_36, %mul3A_2 : i32
    "tpu.region"() ({
      %run_scoped3A = tpu.sem_alloc : memref<!tpu.dma_semaphore, #tpu.memory_space<semaphore_mem>>
      %dma_start3A_38 = arith.constant 0 : i32
      %dma_start3A_39 = tpu.memref_slice %arg6[%add3A_37, %dma_start3A_38] : memref<20480x128xf32, #tpu.memory_space<hbm>> -> memref<640x128xf32, #tpu.memory_space<hbm>>
      %dma_start3A_40 = arith.constant 0 : i32
      %dma_start3A_41 = tpu.memref_slice %arg13[%mul3A_2, %dma_start3A_40] : memref<10240x128xf32, #tpu.memory_space<vmem_shared>> -> memref<640x128xf32, #tpu.memory_space<vmem_shared>>
      tpu.enqueue_dma source(%dma_start3A_41 : memref<640x128xf32, #tpu.memory_space<vmem_shared>>) target(%dma_start3A_39 : memref<640x128xf32, #tpu.memory_space<hbm>>) target_semaphore(%run_scoped3A : memref<!tpu.dma_semaphore, #tpu.memory_space<semaphore_mem>>)
      %dma_wait3A_42 = arith.constant 0 : i32
      %dma_wait3A_43 = tpu.memref_slice %arg6[%add3A_37, %dma_wait3A_42] : memref<20480x128xf32, #tpu.memory_space<hbm>> -> memref<640x128xf32, #tpu.memory_space<hbm>>
      %dma_wait3A_44 = arith.constant 0 : i32
      %dma_wait3A_45 = tpu.memref_slice %arg13[%mul3A_2, %dma_wait3A_44] : memref<10240x128xf32, #tpu.memory_space<vmem_shared>> -> memref<640x128xf32, #tpu.memory_space<vmem_shared>>
      tpu.wait_dma2 semaphore(%run_scoped3A : memref<!tpu.dma_semaphore, #tpu.memory_space<semaphore_mem>>) src(%dma_wait3A_45 : memref<640x128xf32, #tpu.memory_space<vmem_shared>>) dst(%dma_wait3A_43 : memref<640x128xf32, #tpu.memory_space<hbm>>)
      tpu.yield
    }) : () -> ()
    return
  }
}

#map = affine_map<(d0, d1) -> (0, 0)>
module attributes {stable_mosaic.version = 14 : i64} {
  func.func @agg_kernel(%arg0: i32, %arg1: i32, %arg2: memref<2560x128xi32, #tpu.memory_space<hbm>>, %arg3: memref<2560x128xi32, #tpu.memory_space<hbm>>, %arg4: memref<10240x128xf32, #tpu.memory_space<hbm>>, %arg5: memref<10240x128xf32, #tpu.memory_space<hbm>>, %arg6: memref<20480x128xf32, #tpu.memory_space<hbm>>, %arg7: memref<128xi32, #tpu.memory_space<vmem>>, %arg8: memref<128xi32, #tpu.memory_space<vmem>>, %arg9: memref<128xi32, #tpu.memory_space<vmem>>, %arg10: memref<128xi32, #tpu.memory_space<vmem>>, %arg11: memref<128x128xf32, #tpu.memory_space<vmem>>, %arg12: memref<128x128xf32, #tpu.memory_space<vmem>>, %arg13: memref<10240x128xf32, #tpu.memory_space<vmem_shared>>, %arg14: memref<!tpu.dma_semaphore, #tpu.memory_space<semaphore_mem>>, %arg15: memref<!tpu.dma_semaphore, #tpu.memory_space<semaphore_mem>>, %arg16: memref<!tpu.dma_semaphore, #tpu.memory_space<semaphore_mem>>, %arg17: memref<!tpu.dma_semaphore, #tpu.memory_space<semaphore_mem>>) attributes {dimension_semantics = [#tpu.dimension_semantics<core_parallel>, #tpu.dimension_semantics<subcore_parallel>], iteration_bounds = array<i64: 2, 16>, scalar_prefetch = 0 : i64, scratch_operands = 11 : i64, tpu.core_type = #tpu.core_type<sc_vector_subcore>, window_params = [{transform_indices = #map}, {transform_indices = #map}, {transform_indices = #map}, {transform_indices = #map}, {transform_indices = #map}]} {
    %mul3A = arith.constant 16 : i32
    %mul3A_0 = arith.muli %arg0, %mul3A : i32
    %add3A = arith.addi %mul3A_0, %arg1 : i32
    %mul3A_1 = arith.constant 640 : i32
    %mul3A_2 = arith.muli %arg1, %mul3A_1 : i32
    "tpu.region"() ({
      %run_scoped3A = tpu.sem_alloc : memref<!tpu.dma_semaphore, #tpu.memory_space<semaphore_mem>>
      %dma_start3A_38 = arith.constant 0 : i32
      %dma_start3A_39 = tpu.memref_slice %arg13[%mul3A_2, %dma_start3A_38] : memref<10240x128xf32, #tpu.memory_space<vmem_shared>> -> memref<640x128xf32, #tpu.memory_space<vmem_shared>>
      %dma_start3A_40 = arith.constant 0 : i32
      %dma_start3A_41 = tpu.memref_slice %arg5[%mul3A_2, %dma_start3A_40] : memref<10240x128xf32, #tpu.memory_space<hbm>> -> memref<640x128xf32, #tpu.memory_space<hbm>>
      tpu.enqueue_dma source(%dma_start3A_41 : memref<640x128xf32, #tpu.memory_space<hbm>>) target(%dma_start3A_39 : memref<640x128xf32, #tpu.memory_space<vmem_shared>>) target_semaphore(%run_scoped3A : memref<!tpu.dma_semaphore, #tpu.memory_space<semaphore_mem>>)
      %dma_wait3A_42 = arith.constant 0 : i32
      %dma_wait3A_43 = tpu.memref_slice %arg13[%mul3A_2, %dma_wait3A_42] : memref<10240x128xf32, #tpu.memory_space<vmem_shared>> -> memref<640x128xf32, #tpu.memory_space<vmem_shared>>
      %dma_wait3A_44 = arith.constant 0 : i32
      %dma_wait3A_45 = tpu.memref_slice %arg5[%mul3A_2, %dma_wait3A_44] : memref<10240x128xf32, #tpu.memory_space<hbm>> -> memref<640x128xf32, #tpu.memory_space<hbm>>
      tpu.wait_dma2 semaphore(%run_scoped3A : memref<!tpu.dma_semaphore, #tpu.memory_space<semaphore_mem>>) src(%dma_wait3A_45 : memref<640x128xf32, #tpu.memory_space<hbm>>) dst(%dma_wait3A_43 : memref<640x128xf32, #tpu.memory_space<vmem_shared>>)
      tpu.yield
    }) : () -> ()
    %barrier3A = arith.constant 0 : index
    tpu.barrier barrier_id(%barrier3A)
    %mul3A_3 = arith.constant 80 : i32
    %mul3A_4 = arith.muli %add3A, %mul3A_3 : i32
    %add3A_5 = arith.constant 0 : i32
    %add3A_6 = arith.addi %mul3A_4, %add3A_5 : i32
    "tpu.region"() ({
      %run_scoped3A = tpu.sem_alloc : memref<!tpu.dma_semaphore, #tpu.memory_space<semaphore_mem>>
      %dma_start3A_38 = arith.constant 0 : i32
      %dma_start3A_39 = tpu.memref_slice %arg2[%add3A_6, %dma_start3A_38] : memref<2560x128xi32, #tpu.memory_space<hbm>> -> memref<1x128xi32, #tpu.memory_space<hbm>>
      %dma_start3A_40 = tpu.memref_squeeze %dma_start3A_39 : memref<1x128xi32, #tpu.memory_space<hbm>> -> memref<128xi32, #tpu.memory_space<hbm>>
      %dma_start3A_41 = arith.constant 0 : i32
      %dma_start3A_42 = tpu.memref_slice %arg2[%add3A_6, %dma_start3A_41] : memref<2560x128xi32, #tpu.memory_space<hbm>> -> memref<1x128xi32, #tpu.memory_space<hbm>>
      %dma_start3A_43 = tpu.memref_squeeze %dma_start3A_42 : memref<1x128xi32, #tpu.memory_space<hbm>> -> memref<128xi32, #tpu.memory_space<hbm>>
      tpu.enqueue_dma source(%dma_start3A_43 : memref<128xi32, #tpu.memory_space<hbm>>) target(%arg7 : memref<128xi32, #tpu.memory_space<vmem>>) target_semaphore(%run_scoped3A : memref<!tpu.dma_semaphore, #tpu.memory_space<semaphore_mem>>)
      %dma_wait3A_44 = arith.constant 0 : i32
      %dma_wait3A_45 = tpu.memref_slice %arg2[%add3A_6, %dma_wait3A_44] : memref<2560x128xi32, #tpu.memory_space<hbm>> -> memref<1x128xi32, #tpu.memory_space<hbm>>
      %dma_wait3A_46 = tpu.memref_squeeze %dma_wait3A_45 : memref<1x128xi32, #tpu.memory_space<hbm>> -> memref<128xi32, #tpu.memory_space<hbm>>
      %dma_wait3A_47 = arith.constant 0 : i32
      %dma_wait3A_48 = tpu.memref_slice %arg2[%add3A_6, %dma_wait3A_47] : memref<2560x128xi32, #tpu.memory_space<hbm>> -> memref<1x128xi32, #tpu.memory_space<hbm>>
      %dma_wait3A_49 = tpu.memref_squeeze %dma_wait3A_48 : memref<1x128xi32, #tpu.memory_space<hbm>> -> memref<128xi32, #tpu.memory_space<hbm>>
      tpu.wait_dma2 semaphore(%run_scoped3A : memref<!tpu.dma_semaphore, #tpu.memory_space<semaphore_mem>>) src(%dma_wait3A_49 : memref<128xi32, #tpu.memory_space<hbm>>) dst(%arg7 : memref<128xi32, #tpu.memory_space<vmem>>)
      tpu.yield
    }) : () -> ()
    %mul3A_7 = arith.constant 80 : i32
    %mul3A_8 = arith.muli %add3A, %mul3A_7 : i32
    %add3A_9 = arith.constant 0 : i32
    %add3A_10 = arith.addi %mul3A_8, %add3A_9 : i32
    "tpu.region"() ({
      %run_scoped3A = tpu.sem_alloc : memref<!tpu.dma_semaphore, #tpu.memory_space<semaphore_mem>>
      %dma_start3A_38 = arith.constant 0 : i32
      %dma_start3A_39 = tpu.memref_slice %arg3[%add3A_10, %dma_start3A_38] : memref<2560x128xi32, #tpu.memory_space<hbm>> -> memref<1x128xi32, #tpu.memory_space<hbm>>
      %dma_start3A_40 = tpu.memref_squeeze %dma_start3A_39 : memref<1x128xi32, #tpu.memory_space<hbm>> -> memref<128xi32, #tpu.memory_space<hbm>>
      %dma_start3A_41 = arith.constant 0 : i32
      %dma_start3A_42 = tpu.memref_slice %arg3[%add3A_10, %dma_start3A_41] : memref<2560x128xi32, #tpu.memory_space<hbm>> -> memref<1x128xi32, #tpu.memory_space<hbm>>
      %dma_start3A_43 = tpu.memref_squeeze %dma_start3A_42 : memref<1x128xi32, #tpu.memory_space<hbm>> -> memref<128xi32, #tpu.memory_space<hbm>>
      tpu.enqueue_dma source(%dma_start3A_43 : memref<128xi32, #tpu.memory_space<hbm>>) target(%arg8 : memref<128xi32, #tpu.memory_space<vmem>>) target_semaphore(%run_scoped3A : memref<!tpu.dma_semaphore, #tpu.memory_space<semaphore_mem>>)
      %dma_wait3A_44 = arith.constant 0 : i32
      %dma_wait3A_45 = tpu.memref_slice %arg3[%add3A_10, %dma_wait3A_44] : memref<2560x128xi32, #tpu.memory_space<hbm>> -> memref<1x128xi32, #tpu.memory_space<hbm>>
      %dma_wait3A_46 = tpu.memref_squeeze %dma_wait3A_45 : memref<1x128xi32, #tpu.memory_space<hbm>> -> memref<128xi32, #tpu.memory_space<hbm>>
      %dma_wait3A_47 = arith.constant 0 : i32
      %dma_wait3A_48 = tpu.memref_slice %arg3[%add3A_10, %dma_wait3A_47] : memref<2560x128xi32, #tpu.memory_space<hbm>> -> memref<1x128xi32, #tpu.memory_space<hbm>>
      %dma_wait3A_49 = tpu.memref_squeeze %dma_wait3A_48 : memref<1x128xi32, #tpu.memory_space<hbm>> -> memref<128xi32, #tpu.memory_space<hbm>>
      tpu.wait_dma2 semaphore(%run_scoped3A : memref<!tpu.dma_semaphore, #tpu.memory_space<semaphore_mem>>) src(%dma_wait3A_49 : memref<128xi32, #tpu.memory_space<hbm>>) dst(%arg8 : memref<128xi32, #tpu.memory_space<vmem>>)
      tpu.yield
    }) : () -> ()
    %dma_start3A = arith.constant 0 : i32
    %dma_start3A_11 = arith.constant 0 : i32
    %dma_start3A_12 = tpu.memref_slice %arg4[%dma_start3A, %dma_start3A_11] : memref<10240x128xf32, #tpu.memory_space<hbm>> -> memref<10240x128xf32, #tpu.memory_space<hbm>>
    tpu.enqueue_indirect_dma source(%dma_start3A_12 : memref<10240x128xf32, #tpu.memory_space<hbm>>) target(%arg11 : memref<128x128xf32, #tpu.memory_space<vmem>>) offsets(%arg7 : memref<128xi32, #tpu.memory_space<vmem>>) semaphore(%arg14 : memref<!tpu.dma_semaphore, #tpu.memory_space<semaphore_mem>>)
    %mul3A_13 = arith.constant 80 : i32
    %mul3A_14 = arith.muli %add3A, %mul3A_13 : i32
    %add3A_15 = arith.constant 1 : i32
    %add3A_16 = arith.addi %mul3A_14, %add3A_15 : i32
    "tpu.region"() ({
      %run_scoped3A = tpu.sem_alloc : memref<!tpu.dma_semaphore, #tpu.memory_space<semaphore_mem>>
      %dma_start3A_38 = arith.constant 0 : i32
      %dma_start3A_39 = tpu.memref_slice %arg2[%add3A_16, %dma_start3A_38] : memref<2560x128xi32, #tpu.memory_space<hbm>> -> memref<1x128xi32, #tpu.memory_space<hbm>>
      %dma_start3A_40 = tpu.memref_squeeze %dma_start3A_39 : memref<1x128xi32, #tpu.memory_space<hbm>> -> memref<128xi32, #tpu.memory_space<hbm>>
      %dma_start3A_41 = arith.constant 0 : i32
      %dma_start3A_42 = tpu.memref_slice %arg2[%add3A_16, %dma_start3A_41] : memref<2560x128xi32, #tpu.memory_space<hbm>> -> memref<1x128xi32, #tpu.memory_space<hbm>>
      %dma_start3A_43 = tpu.memref_squeeze %dma_start3A_42 : memref<1x128xi32, #tpu.memory_space<hbm>> -> memref<128xi32, #tpu.memory_space<hbm>>
      tpu.enqueue_dma source(%dma_start3A_43 : memref<128xi32, #tpu.memory_space<hbm>>) target(%arg9 : memref<128xi32, #tpu.memory_space<vmem>>) target_semaphore(%run_scoped3A : memref<!tpu.dma_semaphore, #tpu.memory_space<semaphore_mem>>)
      %dma_wait3A_44 = arith.constant 0 : i32
      %dma_wait3A_45 = tpu.memref_slice %arg2[%add3A_16, %dma_wait3A_44] : memref<2560x128xi32, #tpu.memory_space<hbm>> -> memref<1x128xi32, #tpu.memory_space<hbm>>
      %dma_wait3A_46 = tpu.memref_squeeze %dma_wait3A_45 : memref<1x128xi32, #tpu.memory_space<hbm>> -> memref<128xi32, #tpu.memory_space<hbm>>
      %dma_wait3A_47 = arith.constant 0 : i32
      %dma_wait3A_48 = tpu.memref_slice %arg2[%add3A_16, %dma_wait3A_47] : memref<2560x128xi32, #tpu.memory_space<hbm>> -> memref<1x128xi32, #tpu.memory_space<hbm>>
      %dma_wait3A_49 = tpu.memref_squeeze %dma_wait3A_48 : memref<1x128xi32, #tpu.memory_space<hbm>> -> memref<128xi32, #tpu.memory_space<hbm>>
      tpu.wait_dma2 semaphore(%run_scoped3A : memref<!tpu.dma_semaphore, #tpu.memory_space<semaphore_mem>>) src(%dma_wait3A_49 : memref<128xi32, #tpu.memory_space<hbm>>) dst(%arg9 : memref<128xi32, #tpu.memory_space<vmem>>)
      tpu.yield
    }) : () -> ()
    %mul3A_17 = arith.constant 80 : i32
    %mul3A_18 = arith.muli %add3A, %mul3A_17 : i32
    %add3A_19 = arith.constant 1 : i32
    %add3A_20 = arith.addi %mul3A_18, %add3A_19 : i32
    "tpu.region"() ({
      %run_scoped3A = tpu.sem_alloc : memref<!tpu.dma_semaphore, #tpu.memory_space<semaphore_mem>>
      %dma_start3A_38 = arith.constant 0 : i32
      %dma_start3A_39 = tpu.memref_slice %arg3[%add3A_20, %dma_start3A_38] : memref<2560x128xi32, #tpu.memory_space<hbm>> -> memref<1x128xi32, #tpu.memory_space<hbm>>
      %dma_start3A_40 = tpu.memref_squeeze %dma_start3A_39 : memref<1x128xi32, #tpu.memory_space<hbm>> -> memref<128xi32, #tpu.memory_space<hbm>>
      %dma_start3A_41 = arith.constant 0 : i32
      %dma_start3A_42 = tpu.memref_slice %arg3[%add3A_20, %dma_start3A_41] : memref<2560x128xi32, #tpu.memory_space<hbm>> -> memref<1x128xi32, #tpu.memory_space<hbm>>
      %dma_start3A_43 = tpu.memref_squeeze %dma_start3A_42 : memref<1x128xi32, #tpu.memory_space<hbm>> -> memref<128xi32, #tpu.memory_space<hbm>>
      tpu.enqueue_dma source(%dma_start3A_43 : memref<128xi32, #tpu.memory_space<hbm>>) target(%arg10 : memref<128xi32, #tpu.memory_space<vmem>>) target_semaphore(%run_scoped3A : memref<!tpu.dma_semaphore, #tpu.memory_space<semaphore_mem>>)
      %dma_wait3A_44 = arith.constant 0 : i32
      %dma_wait3A_45 = tpu.memref_slice %arg3[%add3A_20, %dma_wait3A_44] : memref<2560x128xi32, #tpu.memory_space<hbm>> -> memref<1x128xi32, #tpu.memory_space<hbm>>
      %dma_wait3A_46 = tpu.memref_squeeze %dma_wait3A_45 : memref<1x128xi32, #tpu.memory_space<hbm>> -> memref<128xi32, #tpu.memory_space<hbm>>
      %dma_wait3A_47 = arith.constant 0 : i32
      %dma_wait3A_48 = tpu.memref_slice %arg3[%add3A_20, %dma_wait3A_47] : memref<2560x128xi32, #tpu.memory_space<hbm>> -> memref<1x128xi32, #tpu.memory_space<hbm>>
      %dma_wait3A_49 = tpu.memref_squeeze %dma_wait3A_48 : memref<1x128xi32, #tpu.memory_space<hbm>> -> memref<128xi32, #tpu.memory_space<hbm>>
      tpu.wait_dma2 semaphore(%run_scoped3A : memref<!tpu.dma_semaphore, #tpu.memory_space<semaphore_mem>>) src(%dma_wait3A_49 : memref<128xi32, #tpu.memory_space<hbm>>) dst(%arg10 : memref<128xi32, #tpu.memory_space<vmem>>)
      tpu.yield
    }) : () -> ()
    %dma_start3A_21 = arith.constant 0 : i32
    %dma_start3A_22 = arith.constant 0 : i32
    %dma_start3A_23 = tpu.memref_slice %arg4[%dma_start3A_21, %dma_start3A_22] : memref<10240x128xf32, #tpu.memory_space<hbm>> -> memref<10240x128xf32, #tpu.memory_space<hbm>>
    tpu.enqueue_indirect_dma source(%dma_start3A_23 : memref<10240x128xf32, #tpu.memory_space<hbm>>) target(%arg12 : memref<128x128xf32, #tpu.memory_space<vmem>>) offsets(%arg9 : memref<128xi32, #tpu.memory_space<vmem>>) semaphore(%arg15 : memref<!tpu.dma_semaphore, #tpu.memory_space<semaphore_mem>>)
    %scan3A = arith.constant 0 : i32
    %scan3A_24 = arith.constant 0 : i32
    %scan3A_25 = arith.constant 40 : i32
    %scan3A_26 = arith.addi %scan3A_24, %scan3A_25 : i32
    %scan3A_27 = arith.constant 1 : i32
    scf.for %scan3A_38 = %scan3A_24 to %scan3A_26 step %scan3A_27  : i32 {
      %mul3A_39 = arith.constant 2 : i32
      %mul3A_40 = arith.muli %mul3A_39, %scan3A_38 : i32
      %add3A_41 = arith.constant 0 : i32
      %add3A_42 = arith.addi %mul3A_40, %add3A_41 : i32
      %dma_wait3A_43 = arith.constant 0 : i32
      %dma_wait3A_44 = arith.constant 0 : i32
      %dma_wait3A_45 = tpu.memref_slice %arg4[%dma_wait3A_43, %dma_wait3A_44] : memref<10240x128xf32, #tpu.memory_space<hbm>> -> memref<10240x128xf32, #tpu.memory_space<hbm>>
      tpu.wait_indirect_dma semaphore(%arg14 : memref<!tpu.dma_semaphore, #tpu.memory_space<semaphore_mem>>) src(%dma_wait3A_45 : memref<10240x128xf32, #tpu.memory_space<hbm>>) dst(%arg11 : memref<128x128xf32, #tpu.memory_space<vmem>>)
      %dma_start3A_46 = arith.constant 0 : i32
      %dma_start3A_47 = arith.constant 0 : i32
      %dma_start3A_48 = tpu.memref_slice %arg13[%dma_start3A_46, %dma_start3A_47] : memref<10240x128xf32, #tpu.memory_space<vmem_shared>> -> memref<10240x128xf32, #tpu.memory_space<vmem_shared>>
      tpu.enqueue_indirect_dma source(%arg11 : memref<128x128xf32, #tpu.memory_space<vmem>>) target(%dma_start3A_48 : memref<10240x128xf32, #tpu.memory_space<vmem_shared>>) offsets(%arg8 : memref<128xi32, #tpu.memory_space<vmem>>) semaphore(%arg16 : memref<!tpu.dma_semaphore, #tpu.memory_space<semaphore_mem>>) {add = true}
      %add3A_49 = arith.constant 2 : i32
      %add3A_50 = arith.addi %add3A_42, %add3A_49 : i32
      %lt3A = arith.constant 80 : i32
      %lt3A_51 = arith.cmpi slt, %add3A_50, %lt3A : i32
      %convert_element_type3A = arith.extui %lt3A_51 : i1 to i32
      %cond3A = arith.constant 0 : i32
      %cond3A_52 = arith.cmpi ne, %convert_element_type3A, %cond3A : i32
      scf.if %cond3A_52 {
        %dma_wait3A_70 = arith.constant 0 : i32
        %dma_wait3A_71 = arith.constant 0 : i32
        %dma_wait3A_72 = tpu.memref_slice %arg13[%dma_wait3A_70, %dma_wait3A_71] : memref<10240x128xf32, #tpu.memory_space<vmem_shared>> -> memref<10240x128xf32, #tpu.memory_space<vmem_shared>>
        tpu.wait_indirect_dma semaphore(%arg16 : memref<!tpu.dma_semaphore, #tpu.memory_space<semaphore_mem>>) src(%arg11 : memref<128x128xf32, #tpu.memory_space<vmem>>) dst(%dma_wait3A_72 : memref<10240x128xf32, #tpu.memory_space<vmem_shared>>)
        %mul3A_73 = arith.constant 80 : i32
        %mul3A_74 = arith.muli %add3A, %mul3A_73 : i32
        %add3A_75 = arith.addi %mul3A_74, %add3A_42 : i32
        %add3A_76 = arith.constant 2 : i32
        %add3A_77 = arith.addi %add3A_75, %add3A_76 : i32
        "tpu.region"() ({
          %run_scoped3A = tpu.sem_alloc : memref<!tpu.dma_semaphore, #tpu.memory_space<semaphore_mem>>
          %dma_start3A_86 = arith.constant 0 : i32
          %dma_start3A_87 = tpu.memref_slice %arg2[%add3A_77, %dma_start3A_86] : memref<2560x128xi32, #tpu.memory_space<hbm>> -> memref<1x128xi32, #tpu.memory_space<hbm>>
          %dma_start3A_88 = tpu.memref_squeeze %dma_start3A_87 : memref<1x128xi32, #tpu.memory_space<hbm>> -> memref<128xi32, #tpu.memory_space<hbm>>
          %dma_start3A_89 = arith.constant 0 : i32
          %dma_start3A_90 = tpu.memref_slice %arg2[%add3A_77, %dma_start3A_89] : memref<2560x128xi32, #tpu.memory_space<hbm>> -> memref<1x128xi32, #tpu.memory_space<hbm>>
          %dma_start3A_91 = tpu.memref_squeeze %dma_start3A_90 : memref<1x128xi32, #tpu.memory_space<hbm>> -> memref<128xi32, #tpu.memory_space<hbm>>
          tpu.enqueue_dma source(%dma_start3A_91 : memref<128xi32, #tpu.memory_space<hbm>>) target(%arg7 : memref<128xi32, #tpu.memory_space<vmem>>) target_semaphore(%run_scoped3A : memref<!tpu.dma_semaphore, #tpu.memory_space<semaphore_mem>>)
          %dma_wait3A_92 = arith.constant 0 : i32
          %dma_wait3A_93 = tpu.memref_slice %arg2[%add3A_77, %dma_wait3A_92] : memref<2560x128xi32, #tpu.memory_space<hbm>> -> memref<1x128xi32, #tpu.memory_space<hbm>>
          %dma_wait3A_94 = tpu.memref_squeeze %dma_wait3A_93 : memref<1x128xi32, #tpu.memory_space<hbm>> -> memref<128xi32, #tpu.memory_space<hbm>>
          %dma_wait3A_95 = arith.constant 0 : i32
          %dma_wait3A_96 = tpu.memref_slice %arg2[%add3A_77, %dma_wait3A_95] : memref<2560x128xi32, #tpu.memory_space<hbm>> -> memref<1x128xi32, #tpu.memory_space<hbm>>
          %dma_wait3A_97 = tpu.memref_squeeze %dma_wait3A_96 : memref<1x128xi32, #tpu.memory_space<hbm>> -> memref<128xi32, #tpu.memory_space<hbm>>
          tpu.wait_dma2 semaphore(%run_scoped3A : memref<!tpu.dma_semaphore, #tpu.memory_space<semaphore_mem>>) src(%dma_wait3A_97 : memref<128xi32, #tpu.memory_space<hbm>>) dst(%arg7 : memref<128xi32, #tpu.memory_space<vmem>>)
          tpu.yield
        }) : () -> ()
        %mul3A_78 = arith.constant 80 : i32
        %mul3A_79 = arith.muli %add3A, %mul3A_78 : i32
        %add3A_80 = arith.addi %mul3A_79, %add3A_42 : i32
        %add3A_81 = arith.constant 2 : i32
        %add3A_82 = arith.addi %add3A_80, %add3A_81 : i32
        "tpu.region"() ({
          %run_scoped3A = tpu.sem_alloc : memref<!tpu.dma_semaphore, #tpu.memory_space<semaphore_mem>>
          %dma_start3A_86 = arith.constant 0 : i32
          %dma_start3A_87 = tpu.memref_slice %arg3[%add3A_82, %dma_start3A_86] : memref<2560x128xi32, #tpu.memory_space<hbm>> -> memref<1x128xi32, #tpu.memory_space<hbm>>
          %dma_start3A_88 = tpu.memref_squeeze %dma_start3A_87 : memref<1x128xi32, #tpu.memory_space<hbm>> -> memref<128xi32, #tpu.memory_space<hbm>>
          %dma_start3A_89 = arith.constant 0 : i32
          %dma_start3A_90 = tpu.memref_slice %arg3[%add3A_82, %dma_start3A_89] : memref<2560x128xi32, #tpu.memory_space<hbm>> -> memref<1x128xi32, #tpu.memory_space<hbm>>
          %dma_start3A_91 = tpu.memref_squeeze %dma_start3A_90 : memref<1x128xi32, #tpu.memory_space<hbm>> -> memref<128xi32, #tpu.memory_space<hbm>>
          tpu.enqueue_dma source(%dma_start3A_91 : memref<128xi32, #tpu.memory_space<hbm>>) target(%arg8 : memref<128xi32, #tpu.memory_space<vmem>>) target_semaphore(%run_scoped3A : memref<!tpu.dma_semaphore, #tpu.memory_space<semaphore_mem>>)
          %dma_wait3A_92 = arith.constant 0 : i32
          %dma_wait3A_93 = tpu.memref_slice %arg3[%add3A_82, %dma_wait3A_92] : memref<2560x128xi32, #tpu.memory_space<hbm>> -> memref<1x128xi32, #tpu.memory_space<hbm>>
          %dma_wait3A_94 = tpu.memref_squeeze %dma_wait3A_93 : memref<1x128xi32, #tpu.memory_space<hbm>> -> memref<128xi32, #tpu.memory_space<hbm>>
          %dma_wait3A_95 = arith.constant 0 : i32
          %dma_wait3A_96 = tpu.memref_slice %arg3[%add3A_82, %dma_wait3A_95] : memref<2560x128xi32, #tpu.memory_space<hbm>> -> memref<1x128xi32, #tpu.memory_space<hbm>>
          %dma_wait3A_97 = tpu.memref_squeeze %dma_wait3A_96 : memref<1x128xi32, #tpu.memory_space<hbm>> -> memref<128xi32, #tpu.memory_space<hbm>>
          tpu.wait_dma2 semaphore(%run_scoped3A : memref<!tpu.dma_semaphore, #tpu.memory_space<semaphore_mem>>) src(%dma_wait3A_97 : memref<128xi32, #tpu.memory_space<hbm>>) dst(%arg8 : memref<128xi32, #tpu.memory_space<vmem>>)
          tpu.yield
        }) : () -> ()
        %dma_start3A_83 = arith.constant 0 : i32
        %dma_start3A_84 = arith.constant 0 : i32
        %dma_start3A_85 = tpu.memref_slice %arg4[%dma_start3A_83, %dma_start3A_84] : memref<10240x128xf32, #tpu.memory_space<hbm>> -> memref<10240x128xf32, #tpu.memory_space<hbm>>
        tpu.enqueue_indirect_dma source(%dma_start3A_85 : memref<10240x128xf32, #tpu.memory_space<hbm>>) target(%arg11 : memref<128x128xf32, #tpu.memory_space<vmem>>) offsets(%arg7 : memref<128xi32, #tpu.memory_space<vmem>>) semaphore(%arg14 : memref<!tpu.dma_semaphore, #tpu.memory_space<semaphore_mem>>)
      } else {
      }
      %mul3A_53 = arith.constant 2 : i32
      %mul3A_54 = arith.muli %mul3A_53, %scan3A_38 : i32
      %add3A_55 = arith.constant 1 : i32
      %add3A_56 = arith.addi %mul3A_54, %add3A_55 : i32
      %dma_wait3A_57 = arith.constant 0 : i32
      %dma_wait3A_58 = arith.constant 0 : i32
      %dma_wait3A_59 = tpu.memref_slice %arg4[%dma_wait3A_57, %dma_wait3A_58] : memref<10240x128xf32, #tpu.memory_space<hbm>> -> memref<10240x128xf32, #tpu.memory_space<hbm>>
      tpu.wait_indirect_dma semaphore(%arg15 : memref<!tpu.dma_semaphore, #tpu.memory_space<semaphore_mem>>) src(%dma_wait3A_59 : memref<10240x128xf32, #tpu.memory_space<hbm>>) dst(%arg12 : memref<128x128xf32, #tpu.memory_space<vmem>>)
      %dma_start3A_60 = arith.constant 0 : i32
      %dma_start3A_61 = arith.constant 0 : i32
      %dma_start3A_62 = tpu.memref_slice %arg13[%dma_start3A_60, %dma_start3A_61] : memref<10240x128xf32, #tpu.memory_space<vmem_shared>> -> memref<10240x128xf32, #tpu.memory_space<vmem_shared>>
      tpu.enqueue_indirect_dma source(%arg12 : memref<128x128xf32, #tpu.memory_space<vmem>>) target(%dma_start3A_62 : memref<10240x128xf32, #tpu.memory_space<vmem_shared>>) offsets(%arg10 : memref<128xi32, #tpu.memory_space<vmem>>) semaphore(%arg17 : memref<!tpu.dma_semaphore, #tpu.memory_space<semaphore_mem>>) {add = true}
      %add3A_63 = arith.constant 2 : i32
      %add3A_64 = arith.addi %add3A_56, %add3A_63 : i32
      %lt3A_65 = arith.constant 80 : i32
      %lt3A_66 = arith.cmpi slt, %add3A_64, %lt3A_65 : i32
      %convert_element_type3A_67 = arith.extui %lt3A_66 : i1 to i32
      %cond3A_68 = arith.constant 0 : i32
      %cond3A_69 = arith.cmpi ne, %convert_element_type3A_67, %cond3A_68 : i32
      scf.if %cond3A_69 {
        %dma_wait3A_70 = arith.constant 0 : i32
        %dma_wait3A_71 = arith.constant 0 : i32
        %dma_wait3A_72 = tpu.memref_slice %arg13[%dma_wait3A_70, %dma_wait3A_71] : memref<10240x128xf32, #tpu.memory_space<vmem_shared>> -> memref<10240x128xf32, #tpu.memory_space<vmem_shared>>
        tpu.wait_indirect_dma semaphore(%arg17 : memref<!tpu.dma_semaphore, #tpu.memory_space<semaphore_mem>>) src(%arg12 : memref<128x128xf32, #tpu.memory_space<vmem>>) dst(%dma_wait3A_72 : memref<10240x128xf32, #tpu.memory_space<vmem_shared>>)
        %mul3A_73 = arith.constant 80 : i32
        %mul3A_74 = arith.muli %add3A, %mul3A_73 : i32
        %add3A_75 = arith.addi %mul3A_74, %add3A_56 : i32
        %add3A_76 = arith.constant 2 : i32
        %add3A_77 = arith.addi %add3A_75, %add3A_76 : i32
        "tpu.region"() ({
          %run_scoped3A = tpu.sem_alloc : memref<!tpu.dma_semaphore, #tpu.memory_space<semaphore_mem>>
          %dma_start3A_86 = arith.constant 0 : i32
          %dma_start3A_87 = tpu.memref_slice %arg2[%add3A_77, %dma_start3A_86] : memref<2560x128xi32, #tpu.memory_space<hbm>> -> memref<1x128xi32, #tpu.memory_space<hbm>>
          %dma_start3A_88 = tpu.memref_squeeze %dma_start3A_87 : memref<1x128xi32, #tpu.memory_space<hbm>> -> memref<128xi32, #tpu.memory_space<hbm>>
          %dma_start3A_89 = arith.constant 0 : i32
          %dma_start3A_90 = tpu.memref_slice %arg2[%add3A_77, %dma_start3A_89] : memref<2560x128xi32, #tpu.memory_space<hbm>> -> memref<1x128xi32, #tpu.memory_space<hbm>>
          %dma_start3A_91 = tpu.memref_squeeze %dma_start3A_90 : memref<1x128xi32, #tpu.memory_space<hbm>> -> memref<128xi32, #tpu.memory_space<hbm>>
          tpu.enqueue_dma source(%dma_start3A_91 : memref<128xi32, #tpu.memory_space<hbm>>) target(%arg9 : memref<128xi32, #tpu.memory_space<vmem>>) target_semaphore(%run_scoped3A : memref<!tpu.dma_semaphore, #tpu.memory_space<semaphore_mem>>)
          %dma_wait3A_92 = arith.constant 0 : i32
          %dma_wait3A_93 = tpu.memref_slice %arg2[%add3A_77, %dma_wait3A_92] : memref<2560x128xi32, #tpu.memory_space<hbm>> -> memref<1x128xi32, #tpu.memory_space<hbm>>
          %dma_wait3A_94 = tpu.memref_squeeze %dma_wait3A_93 : memref<1x128xi32, #tpu.memory_space<hbm>> -> memref<128xi32, #tpu.memory_space<hbm>>
          %dma_wait3A_95 = arith.constant 0 : i32
          %dma_wait3A_96 = tpu.memref_slice %arg2[%add3A_77, %dma_wait3A_95] : memref<2560x128xi32, #tpu.memory_space<hbm>> -> memref<1x128xi32, #tpu.memory_space<hbm>>
          %dma_wait3A_97 = tpu.memref_squeeze %dma_wait3A_96 : memref<1x128xi32, #tpu.memory_space<hbm>> -> memref<128xi32, #tpu.memory_space<hbm>>
          tpu.wait_dma2 semaphore(%run_scoped3A : memref<!tpu.dma_semaphore, #tpu.memory_space<semaphore_mem>>) src(%dma_wait3A_97 : memref<128xi32, #tpu.memory_space<hbm>>) dst(%arg9 : memref<128xi32, #tpu.memory_space<vmem>>)
          tpu.yield
        }) : () -> ()
        %mul3A_78 = arith.constant 80 : i32
        %mul3A_79 = arith.muli %add3A, %mul3A_78 : i32
        %add3A_80 = arith.addi %mul3A_79, %add3A_56 : i32
        %add3A_81 = arith.constant 2 : i32
        %add3A_82 = arith.addi %add3A_80, %add3A_81 : i32
        "tpu.region"() ({
          %run_scoped3A = tpu.sem_alloc : memref<!tpu.dma_semaphore, #tpu.memory_space<semaphore_mem>>
          %dma_start3A_86 = arith.constant 0 : i32
          %dma_start3A_87 = tpu.memref_slice %arg3[%add3A_82, %dma_start3A_86] : memref<2560x128xi32, #tpu.memory_space<hbm>> -> memref<1x128xi32, #tpu.memory_space<hbm>>
          %dma_start3A_88 = tpu.memref_squeeze %dma_start3A_87 : memref<1x128xi32, #tpu.memory_space<hbm>> -> memref<128xi32, #tpu.memory_space<hbm>>
          %dma_start3A_89 = arith.constant 0 : i32
          %dma_start3A_90 = tpu.memref_slice %arg3[%add3A_82, %dma_start3A_89] : memref<2560x128xi32, #tpu.memory_space<hbm>> -> memref<1x128xi32, #tpu.memory_space<hbm>>
          %dma_start3A_91 = tpu.memref_squeeze %dma_start3A_90 : memref<1x128xi32, #tpu.memory_space<hbm>> -> memref<128xi32, #tpu.memory_space<hbm>>
          tpu.enqueue_dma source(%dma_start3A_91 : memref<128xi32, #tpu.memory_space<hbm>>) target(%arg10 : memref<128xi32, #tpu.memory_space<vmem>>) target_semaphore(%run_scoped3A : memref<!tpu.dma_semaphore, #tpu.memory_space<semaphore_mem>>)
          %dma_wait3A_92 = arith.constant 0 : i32
          %dma_wait3A_93 = tpu.memref_slice %arg3[%add3A_82, %dma_wait3A_92] : memref<2560x128xi32, #tpu.memory_space<hbm>> -> memref<1x128xi32, #tpu.memory_space<hbm>>
          %dma_wait3A_94 = tpu.memref_squeeze %dma_wait3A_93 : memref<1x128xi32, #tpu.memory_space<hbm>> -> memref<128xi32, #tpu.memory_space<hbm>>
          %dma_wait3A_95 = arith.constant 0 : i32
          %dma_wait3A_96 = tpu.memref_slice %arg3[%add3A_82, %dma_wait3A_95] : memref<2560x128xi32, #tpu.memory_space<hbm>> -> memref<1x128xi32, #tpu.memory_space<hbm>>
          %dma_wait3A_97 = tpu.memref_squeeze %dma_wait3A_96 : memref<1x128xi32, #tpu.memory_space<hbm>> -> memref<128xi32, #tpu.memory_space<hbm>>
          tpu.wait_dma2 semaphore(%run_scoped3A : memref<!tpu.dma_semaphore, #tpu.memory_space<semaphore_mem>>) src(%dma_wait3A_97 : memref<128xi32, #tpu.memory_space<hbm>>) dst(%arg10 : memref<128xi32, #tpu.memory_space<vmem>>)
          tpu.yield
        }) : () -> ()
        %dma_start3A_83 = arith.constant 0 : i32
        %dma_start3A_84 = arith.constant 0 : i32
        %dma_start3A_85 = tpu.memref_slice %arg4[%dma_start3A_83, %dma_start3A_84] : memref<10240x128xf32, #tpu.memory_space<hbm>> -> memref<10240x128xf32, #tpu.memory_space<hbm>>
        tpu.enqueue_indirect_dma source(%dma_start3A_85 : memref<10240x128xf32, #tpu.memory_space<hbm>>) target(%arg12 : memref<128x128xf32, #tpu.memory_space<vmem>>) offsets(%arg9 : memref<128xi32, #tpu.memory_space<vmem>>) semaphore(%arg15 : memref<!tpu.dma_semaphore, #tpu.memory_space<semaphore_mem>>)
      } else {
      }
    }
    %scan3A_28 = arith.constant 40 : i32
    %dma_wait3A = arith.constant 0 : i32
    %dma_wait3A_29 = arith.constant 0 : i32
    %dma_wait3A_30 = tpu.memref_slice %arg13[%dma_wait3A, %dma_wait3A_29] : memref<10240x128xf32, #tpu.memory_space<vmem_shared>> -> memref<10240x128xf32, #tpu.memory_space<vmem_shared>>
    tpu.wait_indirect_dma semaphore(%arg16 : memref<!tpu.dma_semaphore, #tpu.memory_space<semaphore_mem>>) src(%arg11 : memref<128x128xf32, #tpu.memory_space<vmem>>) dst(%dma_wait3A_30 : memref<10240x128xf32, #tpu.memory_space<vmem_shared>>)
    %dma_wait3A_31 = arith.constant 0 : i32
    %dma_wait3A_32 = arith.constant 0 : i32
    %dma_wait3A_33 = tpu.memref_slice %arg13[%dma_wait3A_31, %dma_wait3A_32] : memref<10240x128xf32, #tpu.memory_space<vmem_shared>> -> memref<10240x128xf32, #tpu.memory_space<vmem_shared>>
    tpu.wait_indirect_dma semaphore(%arg17 : memref<!tpu.dma_semaphore, #tpu.memory_space<semaphore_mem>>) src(%arg12 : memref<128x128xf32, #tpu.memory_space<vmem>>) dst(%dma_wait3A_33 : memref<10240x128xf32, #tpu.memory_space<vmem_shared>>)
    %barrier3A_34 = arith.constant 0 : index
    tpu.barrier barrier_id(%barrier3A_34)
    %mul3A_35 = arith.constant 10240 : i32
    %mul3A_36 = arith.muli %arg0, %mul3A_35 : i32
    %add3A_37 = arith.addi %mul3A_36, %mul3A_2 : i32
    "tpu.region"() ({
      %run_scoped3A = tpu.sem_alloc : memref<!tpu.dma_semaphore, #tpu.memory_space<semaphore_mem>>
      %dma_start3A_38 = arith.constant 0 : i32
      %dma_start3A_39 = tpu.memref_slice %arg6[%add3A_37, %dma_start3A_38] : memref<20480x128xf32, #tpu.memory_space<hbm>> -> memref<640x128xf32, #tpu.memory_space<hbm>>
      %dma_start3A_40 = arith.constant 0 : i32
      %dma_start3A_41 = tpu.memref_slice %arg13[%mul3A_2, %dma_start3A_40] : memref<10240x128xf32, #tpu.memory_space<vmem_shared>> -> memref<640x128xf32, #tpu.memory_space<vmem_shared>>
      tpu.enqueue_dma source(%dma_start3A_41 : memref<640x128xf32, #tpu.memory_space<vmem_shared>>) target(%dma_start3A_39 : memref<640x128xf32, #tpu.memory_space<hbm>>) target_semaphore(%run_scoped3A : memref<!tpu.dma_semaphore, #tpu.memory_space<semaphore_mem>>)
      %dma_wait3A_42 = arith.constant 0 : i32
      %dma_wait3A_43 = tpu.memref_slice %arg6[%add3A_37, %dma_wait3A_42] : memref<20480x128xf32, #tpu.memory_space<hbm>> -> memref<640x128xf32, #tpu.memory_space<hbm>>
      %dma_wait3A_44 = arith.constant 0 : i32
      %dma_wait3A_45 = tpu.memref_slice %arg13[%mul3A_2, %dma_wait3A_44] : memref<10240x128xf32, #tpu.memory_space<vmem_shared>> -> memref<640x128xf32, #tpu.memory_space<vmem_shared>>
      tpu.wait_dma2 semaphore(%run_scoped3A : memref<!tpu.dma_semaphore, #tpu.memory_space<semaphore_mem>>) src(%dma_wait3A_45 : memref<640x128xf32, #tpu.memory_space<vmem_shared>>) dst(%dma_wait3A_43 : memref<640x128xf32, #tpu.memory_space<hbm>>)
      tpu.yield
    }) : () -> ()
    return
  }
}

#map = affine_map<(d0, d1) -> (0, 0)>
module attributes {stable_mosaic.version = 14 : i64} {
  func.func @agg_kernel(%arg0: i32, %arg1: i32, %arg2: memref<2560x128xi32, #tpu.memory_space<hbm>>, %arg3: memref<2560x128xi32, #tpu.memory_space<hbm>>, %arg4: memref<10240x128xf32, #tpu.memory_space<hbm>>, %arg5: memref<10240x128xf32, #tpu.memory_space<hbm>>, %arg6: memref<20480x128xf32, #tpu.memory_space<hbm>>, %arg7: memref<128xi32, #tpu.memory_space<vmem>>, %arg8: memref<128xi32, #tpu.memory_space<vmem>>, %arg9: memref<128xi32, #tpu.memory_space<vmem>>, %arg10: memref<128xi32, #tpu.memory_space<vmem>>, %arg11: memref<128x128xf32, #tpu.memory_space<vmem>>, %arg12: memref<128x128xf32, #tpu.memory_space<vmem>>, %arg13: memref<10240x128xf32, #tpu.memory_space<vmem_shared>>, %arg14: memref<!tpu.dma_semaphore, #tpu.memory_space<semaphore_mem>>, %arg15: memref<!tpu.dma_semaphore, #tpu.memory_space<semaphore_mem>>, %arg16: memref<!tpu.dma_semaphore, #tpu.memory_space<semaphore_mem>>, %arg17: memref<!tpu.dma_semaphore, #tpu.memory_space<semaphore_mem>>) attributes {dimension_semantics = [#tpu.dimension_semantics<core_parallel>, #tpu.dimension_semantics<subcore_parallel>], iteration_bounds = array<i64: 2, 16>, scalar_prefetch = 0 : i64, scratch_operands = 11 : i64, tpu.core_type = #tpu.core_type<sc_vector_subcore>, window_params = [{transform_indices = #map}, {transform_indices = #map}, {transform_indices = #map}, {transform_indices = #map}, {transform_indices = #map}]} {
    %mul3A = arith.constant 16 : i32
    %mul3A_0 = arith.muli %arg0, %mul3A : i32
    %add3A = arith.addi %mul3A_0, %arg1 : i32
    %mul3A_1 = arith.constant 640 : i32
    %mul3A_2 = arith.muli %arg1, %mul3A_1 : i32
    "tpu.region"() ({
      %run_scoped3A = tpu.sem_alloc : memref<!tpu.dma_semaphore, #tpu.memory_space<semaphore_mem>>
      %dma_start3A_38 = arith.constant 0 : i32
      %dma_start3A_39 = tpu.memref_slice %arg13[%mul3A_2, %dma_start3A_38] : memref<10240x128xf32, #tpu.memory_space<vmem_shared>> -> memref<640x128xf32, #tpu.memory_space<vmem_shared>>
      %dma_start3A_40 = arith.constant 0 : i32
      %dma_start3A_41 = tpu.memref_slice %arg5[%mul3A_2, %dma_start3A_40] : memref<10240x128xf32, #tpu.memory_space<hbm>> -> memref<640x128xf32, #tpu.memory_space<hbm>>
      tpu.enqueue_dma source(%dma_start3A_41 : memref<640x128xf32, #tpu.memory_space<hbm>>) target(%dma_start3A_39 : memref<640x128xf32, #tpu.memory_space<vmem_shared>>) target_semaphore(%run_scoped3A : memref<!tpu.dma_semaphore, #tpu.memory_space<semaphore_mem>>)
      %dma_wait3A_42 = arith.constant 0 : i32
      %dma_wait3A_43 = tpu.memref_slice %arg13[%mul3A_2, %dma_wait3A_42] : memref<10240x128xf32, #tpu.memory_space<vmem_shared>> -> memref<640x128xf32, #tpu.memory_space<vmem_shared>>
      %dma_wait3A_44 = arith.constant 0 : i32
      %dma_wait3A_45 = tpu.memref_slice %arg5[%mul3A_2, %dma_wait3A_44] : memref<10240x128xf32, #tpu.memory_space<hbm>> -> memref<640x128xf32, #tpu.memory_space<hbm>>
      tpu.wait_dma2 semaphore(%run_scoped3A : memref<!tpu.dma_semaphore, #tpu.memory_space<semaphore_mem>>) src(%dma_wait3A_45 : memref<640x128xf32, #tpu.memory_space<hbm>>) dst(%dma_wait3A_43 : memref<640x128xf32, #tpu.memory_space<vmem_shared>>)
      tpu.yield
    }) : () -> ()
    %barrier3A = arith.constant 0 : index
    tpu.barrier barrier_id(%barrier3A)
    %mul3A_3 = arith.constant 80 : i32
    %mul3A_4 = arith.muli %add3A, %mul3A_3 : i32
    %add3A_5 = arith.constant 0 : i32
    %add3A_6 = arith.addi %mul3A_4, %add3A_5 : i32
    "tpu.region"() ({
      %run_scoped3A = tpu.sem_alloc : memref<!tpu.dma_semaphore, #tpu.memory_space<semaphore_mem>>
      %dma_start3A_38 = arith.constant 0 : i32
      %dma_start3A_39 = tpu.memref_slice %arg2[%add3A_6, %dma_start3A_38] : memref<2560x128xi32, #tpu.memory_space<hbm>> -> memref<1x128xi32, #tpu.memory_space<hbm>>
      %dma_start3A_40 = tpu.memref_squeeze %dma_start3A_39 : memref<1x128xi32, #tpu.memory_space<hbm>> -> memref<128xi32, #tpu.memory_space<hbm>>
      %dma_start3A_41 = arith.constant 0 : i32
      %dma_start3A_42 = tpu.memref_slice %arg2[%add3A_6, %dma_start3A_41] : memref<2560x128xi32, #tpu.memory_space<hbm>> -> memref<1x128xi32, #tpu.memory_space<hbm>>
      %dma_start3A_43 = tpu.memref_squeeze %dma_start3A_42 : memref<1x128xi32, #tpu.memory_space<hbm>> -> memref<128xi32, #tpu.memory_space<hbm>>
      tpu.enqueue_dma source(%dma_start3A_43 : memref<128xi32, #tpu.memory_space<hbm>>) target(%arg7 : memref<128xi32, #tpu.memory_space<vmem>>) target_semaphore(%run_scoped3A : memref<!tpu.dma_semaphore, #tpu.memory_space<semaphore_mem>>)
      %dma_wait3A_44 = arith.constant 0 : i32
      %dma_wait3A_45 = tpu.memref_slice %arg2[%add3A_6, %dma_wait3A_44] : memref<2560x128xi32, #tpu.memory_space<hbm>> -> memref<1x128xi32, #tpu.memory_space<hbm>>
      %dma_wait3A_46 = tpu.memref_squeeze %dma_wait3A_45 : memref<1x128xi32, #tpu.memory_space<hbm>> -> memref<128xi32, #tpu.memory_space<hbm>>
      %dma_wait3A_47 = arith.constant 0 : i32
      %dma_wait3A_48 = tpu.memref_slice %arg2[%add3A_6, %dma_wait3A_47] : memref<2560x128xi32, #tpu.memory_space<hbm>> -> memref<1x128xi32, #tpu.memory_space<hbm>>
      %dma_wait3A_49 = tpu.memref_squeeze %dma_wait3A_48 : memref<1x128xi32, #tpu.memory_space<hbm>> -> memref<128xi32, #tpu.memory_space<hbm>>
      tpu.wait_dma2 semaphore(%run_scoped3A : memref<!tpu.dma_semaphore, #tpu.memory_space<semaphore_mem>>) src(%dma_wait3A_49 : memref<128xi32, #tpu.memory_space<hbm>>) dst(%arg7 : memref<128xi32, #tpu.memory_space<vmem>>)
      tpu.yield
    }) : () -> ()
    %mul3A_7 = arith.constant 80 : i32
    %mul3A_8 = arith.muli %add3A, %mul3A_7 : i32
    %add3A_9 = arith.constant 0 : i32
    %add3A_10 = arith.addi %mul3A_8, %add3A_9 : i32
    "tpu.region"() ({
      %run_scoped3A = tpu.sem_alloc : memref<!tpu.dma_semaphore, #tpu.memory_space<semaphore_mem>>
      %dma_start3A_38 = arith.constant 0 : i32
      %dma_start3A_39 = tpu.memref_slice %arg3[%add3A_10, %dma_start3A_38] : memref<2560x128xi32, #tpu.memory_space<hbm>> -> memref<1x128xi32, #tpu.memory_space<hbm>>
      %dma_start3A_40 = tpu.memref_squeeze %dma_start3A_39 : memref<1x128xi32, #tpu.memory_space<hbm>> -> memref<128xi32, #tpu.memory_space<hbm>>
      %dma_start3A_41 = arith.constant 0 : i32
      %dma_start3A_42 = tpu.memref_slice %arg3[%add3A_10, %dma_start3A_41] : memref<2560x128xi32, #tpu.memory_space<hbm>> -> memref<1x128xi32, #tpu.memory_space<hbm>>
      %dma_start3A_43 = tpu.memref_squeeze %dma_start3A_42 : memref<1x128xi32, #tpu.memory_space<hbm>> -> memref<128xi32, #tpu.memory_space<hbm>>
      tpu.enqueue_dma source(%dma_start3A_43 : memref<128xi32, #tpu.memory_space<hbm>>) target(%arg8 : memref<128xi32, #tpu.memory_space<vmem>>) target_semaphore(%run_scoped3A : memref<!tpu.dma_semaphore, #tpu.memory_space<semaphore_mem>>)
      %dma_wait3A_44 = arith.constant 0 : i32
      %dma_wait3A_45 = tpu.memref_slice %arg3[%add3A_10, %dma_wait3A_44] : memref<2560x128xi32, #tpu.memory_space<hbm>> -> memref<1x128xi32, #tpu.memory_space<hbm>>
      %dma_wait3A_46 = tpu.memref_squeeze %dma_wait3A_45 : memref<1x128xi32, #tpu.memory_space<hbm>> -> memref<128xi32, #tpu.memory_space<hbm>>
      %dma_wait3A_47 = arith.constant 0 : i32
      %dma_wait3A_48 = tpu.memref_slice %arg3[%add3A_10, %dma_wait3A_47] : memref<2560x128xi32, #tpu.memory_space<hbm>> -> memref<1x128xi32, #tpu.memory_space<hbm>>
      %dma_wait3A_49 = tpu.memref_squeeze %dma_wait3A_48 : memref<1x128xi32, #tpu.memory_space<hbm>> -> memref<128xi32, #tpu.memory_space<hbm>>
      tpu.wait_dma2 semaphore(%run_scoped3A : memref<!tpu.dma_semaphore, #tpu.memory_space<semaphore_mem>>) src(%dma_wait3A_49 : memref<128xi32, #tpu.memory_space<hbm>>) dst(%arg8 : memref<128xi32, #tpu.memory_space<vmem>>)
      tpu.yield
    }) : () -> ()
    %dma_start3A = arith.constant 0 : i32
    %dma_start3A_11 = arith.constant 0 : i32
    %dma_start3A_12 = tpu.memref_slice %arg4[%dma_start3A, %dma_start3A_11] : memref<10240x128xf32, #tpu.memory_space<hbm>> -> memref<10240x128xf32, #tpu.memory_space<hbm>>
    tpu.enqueue_indirect_dma source(%dma_start3A_12 : memref<10240x128xf32, #tpu.memory_space<hbm>>) target(%arg11 : memref<128x128xf32, #tpu.memory_space<vmem>>) offsets(%arg7 : memref<128xi32, #tpu.memory_space<vmem>>) semaphore(%arg14 : memref<!tpu.dma_semaphore, #tpu.memory_space<semaphore_mem>>)
    %mul3A_13 = arith.constant 80 : i32
    %mul3A_14 = arith.muli %add3A, %mul3A_13 : i32
    %add3A_15 = arith.constant 1 : i32
    %add3A_16 = arith.addi %mul3A_14, %add3A_15 : i32
    "tpu.region"() ({
      %run_scoped3A = tpu.sem_alloc : memref<!tpu.dma_semaphore, #tpu.memory_space<semaphore_mem>>
      %dma_start3A_38 = arith.constant 0 : i32
      %dma_start3A_39 = tpu.memref_slice %arg2[%add3A_16, %dma_start3A_38] : memref<2560x128xi32, #tpu.memory_space<hbm>> -> memref<1x128xi32, #tpu.memory_space<hbm>>
      %dma_start3A_40 = tpu.memref_squeeze %dma_start3A_39 : memref<1x128xi32, #tpu.memory_space<hbm>> -> memref<128xi32, #tpu.memory_space<hbm>>
      %dma_start3A_41 = arith.constant 0 : i32
      %dma_start3A_42 = tpu.memref_slice %arg2[%add3A_16, %dma_start3A_41] : memref<2560x128xi32, #tpu.memory_space<hbm>> -> memref<1x128xi32, #tpu.memory_space<hbm>>
      %dma_start3A_43 = tpu.memref_squeeze %dma_start3A_42 : memref<1x128xi32, #tpu.memory_space<hbm>> -> memref<128xi32, #tpu.memory_space<hbm>>
      tpu.enqueue_dma source(%dma_start3A_43 : memref<128xi32, #tpu.memory_space<hbm>>) target(%arg9 : memref<128xi32, #tpu.memory_space<vmem>>) target_semaphore(%run_scoped3A : memref<!tpu.dma_semaphore, #tpu.memory_space<semaphore_mem>>)
      %dma_wait3A_44 = arith.constant 0 : i32
      %dma_wait3A_45 = tpu.memref_slice %arg2[%add3A_16, %dma_wait3A_44] : memref<2560x128xi32, #tpu.memory_space<hbm>> -> memref<1x128xi32, #tpu.memory_space<hbm>>
      %dma_wait3A_46 = tpu.memref_squeeze %dma_wait3A_45 : memref<1x128xi32, #tpu.memory_space<hbm>> -> memref<128xi32, #tpu.memory_space<hbm>>
      %dma_wait3A_47 = arith.constant 0 : i32
      %dma_wait3A_48 = tpu.memref_slice %arg2[%add3A_16, %dma_wait3A_47] : memref<2560x128xi32, #tpu.memory_space<hbm>> -> memref<1x128xi32, #tpu.memory_space<hbm>>
      %dma_wait3A_49 = tpu.memref_squeeze %dma_wait3A_48 : memref<1x128xi32, #tpu.memory_space<hbm>> -> memref<128xi32, #tpu.memory_space<hbm>>
      tpu.wait_dma2 semaphore(%run_scoped3A : memref<!tpu.dma_semaphore, #tpu.memory_space<semaphore_mem>>) src(%dma_wait3A_49 : memref<128xi32, #tpu.memory_space<hbm>>) dst(%arg9 : memref<128xi32, #tpu.memory_space<vmem>>)
      tpu.yield
    }) : () -> ()
    %mul3A_17 = arith.constant 80 : i32
    %mul3A_18 = arith.muli %add3A, %mul3A_17 : i32
    %add3A_19 = arith.constant 1 : i32
    %add3A_20 = arith.addi %mul3A_18, %add3A_19 : i32
    "tpu.region"() ({
      %run_scoped3A = tpu.sem_alloc : memref<!tpu.dma_semaphore, #tpu.memory_space<semaphore_mem>>
      %dma_start3A_38 = arith.constant 0 : i32
      %dma_start3A_39 = tpu.memref_slice %arg3[%add3A_20, %dma_start3A_38] : memref<2560x128xi32, #tpu.memory_space<hbm>> -> memref<1x128xi32, #tpu.memory_space<hbm>>
      %dma_start3A_40 = tpu.memref_squeeze %dma_start3A_39 : memref<1x128xi32, #tpu.memory_space<hbm>> -> memref<128xi32, #tpu.memory_space<hbm>>
      %dma_start3A_41 = arith.constant 0 : i32
      %dma_start3A_42 = tpu.memref_slice %arg3[%add3A_20, %dma_start3A_41] : memref<2560x128xi32, #tpu.memory_space<hbm>> -> memref<1x128xi32, #tpu.memory_space<hbm>>
      %dma_start3A_43 = tpu.memref_squeeze %dma_start3A_42 : memref<1x128xi32, #tpu.memory_space<hbm>> -> memref<128xi32, #tpu.memory_space<hbm>>
      tpu.enqueue_dma source(%dma_start3A_43 : memref<128xi32, #tpu.memory_space<hbm>>) target(%arg10 : memref<128xi32, #tpu.memory_space<vmem>>) target_semaphore(%run_scoped3A : memref<!tpu.dma_semaphore, #tpu.memory_space<semaphore_mem>>)
      %dma_wait3A_44 = arith.constant 0 : i32
      %dma_wait3A_45 = tpu.memref_slice %arg3[%add3A_20, %dma_wait3A_44] : memref<2560x128xi32, #tpu.memory_space<hbm>> -> memref<1x128xi32, #tpu.memory_space<hbm>>
      %dma_wait3A_46 = tpu.memref_squeeze %dma_wait3A_45 : memref<1x128xi32, #tpu.memory_space<hbm>> -> memref<128xi32, #tpu.memory_space<hbm>>
      %dma_wait3A_47 = arith.constant 0 : i32
      %dma_wait3A_48 = tpu.memref_slice %arg3[%add3A_20, %dma_wait3A_47] : memref<2560x128xi32, #tpu.memory_space<hbm>> -> memref<1x128xi32, #tpu.memory_space<hbm>>
      %dma_wait3A_49 = tpu.memref_squeeze %dma_wait3A_48 : memref<1x128xi32, #tpu.memory_space<hbm>> -> memref<128xi32, #tpu.memory_space<hbm>>
      tpu.wait_dma2 semaphore(%run_scoped3A : memref<!tpu.dma_semaphore, #tpu.memory_space<semaphore_mem>>) src(%dma_wait3A_49 : memref<128xi32, #tpu.memory_space<hbm>>) dst(%arg10 : memref<128xi32, #tpu.memory_space<vmem>>)
      tpu.yield
    }) : () -> ()
    %dma_start3A_21 = arith.constant 0 : i32
    %dma_start3A_22 = arith.constant 0 : i32
    %dma_start3A_23 = tpu.memref_slice %arg4[%dma_start3A_21, %dma_start3A_22] : memref<10240x128xf32, #tpu.memory_space<hbm>> -> memref<10240x128xf32, #tpu.memory_space<hbm>>
    tpu.enqueue_indirect_dma source(%dma_start3A_23 : memref<10240x128xf32, #tpu.memory_space<hbm>>) target(%arg12 : memref<128x128xf32, #tpu.memory_space<vmem>>) offsets(%arg9 : memref<128xi32, #tpu.memory_space<vmem>>) semaphore(%arg15 : memref<!tpu.dma_semaphore, #tpu.memory_space<semaphore_mem>>)
    %scan3A = arith.constant 0 : i32
    %scan3A_24 = arith.constant 0 : i32
    %scan3A_25 = arith.constant 40 : i32
    %scan3A_26 = arith.addi %scan3A_24, %scan3A_25 : i32
    %scan3A_27 = arith.constant 1 : i32
    scf.for %scan3A_38 = %scan3A_24 to %scan3A_26 step %scan3A_27  : i32 {
      %mul3A_39 = arith.constant 2 : i32
      %mul3A_40 = arith.muli %mul3A_39, %scan3A_38 : i32
      %add3A_41 = arith.constant 0 : i32
      %add3A_42 = arith.addi %mul3A_40, %add3A_41 : i32
      %dma_wait3A_43 = arith.constant 0 : i32
      %dma_wait3A_44 = arith.constant 0 : i32
      %dma_wait3A_45 = tpu.memref_slice %arg4[%dma_wait3A_43, %dma_wait3A_44] : memref<10240x128xf32, #tpu.memory_space<hbm>> -> memref<10240x128xf32, #tpu.memory_space<hbm>>
      tpu.wait_indirect_dma semaphore(%arg14 : memref<!tpu.dma_semaphore, #tpu.memory_space<semaphore_mem>>) src(%dma_wait3A_45 : memref<10240x128xf32, #tpu.memory_space<hbm>>) dst(%arg11 : memref<128x128xf32, #tpu.memory_space<vmem>>)
      %dma_start3A_46 = arith.constant 0 : i32
      %dma_start3A_47 = arith.constant 0 : i32
      %dma_start3A_48 = tpu.memref_slice %arg13[%dma_start3A_46, %dma_start3A_47] : memref<10240x128xf32, #tpu.memory_space<vmem_shared>> -> memref<10240x128xf32, #tpu.memory_space<vmem_shared>>
      tpu.enqueue_indirect_dma source(%arg11 : memref<128x128xf32, #tpu.memory_space<vmem>>) target(%dma_start3A_48 : memref<10240x128xf32, #tpu.memory_space<vmem_shared>>) offsets(%arg8 : memref<128xi32, #tpu.memory_space<vmem>>) semaphore(%arg16 : memref<!tpu.dma_semaphore, #tpu.memory_space<semaphore_mem>>) {add = true}
      %add3A_49 = arith.constant 2 : i32
      %add3A_50 = arith.addi %add3A_42, %add3A_49 : i32
      %lt3A = arith.constant 80 : i32
      %lt3A_51 = arith.cmpi slt, %add3A_50, %lt3A : i32
      %convert_element_type3A = arith.extui %lt3A_51 : i1 to i32
      %cond3A = arith.constant 0 : i32
      %cond3A_52 = arith.cmpi ne, %convert_element_type3A, %cond3A : i32
      scf.if %cond3A_52 {
        %dma_wait3A_70 = arith.constant 0 : i32
        %dma_wait3A_71 = arith.constant 0 : i32
        %dma_wait3A_72 = tpu.memref_slice %arg13[%dma_wait3A_70, %dma_wait3A_71] : memref<10240x128xf32, #tpu.memory_space<vmem_shared>> -> memref<10240x128xf32, #tpu.memory_space<vmem_shared>>
        tpu.wait_indirect_dma semaphore(%arg16 : memref<!tpu.dma_semaphore, #tpu.memory_space<semaphore_mem>>) src(%arg11 : memref<128x128xf32, #tpu.memory_space<vmem>>) dst(%dma_wait3A_72 : memref<10240x128xf32, #tpu.memory_space<vmem_shared>>)
        %mul3A_73 = arith.constant 80 : i32
        %mul3A_74 = arith.muli %add3A, %mul3A_73 : i32
        %add3A_75 = arith.addi %mul3A_74, %add3A_42 : i32
        %add3A_76 = arith.constant 2 : i32
        %add3A_77 = arith.addi %add3A_75, %add3A_76 : i32
        "tpu.region"() ({
          %run_scoped3A = tpu.sem_alloc : memref<!tpu.dma_semaphore, #tpu.memory_space<semaphore_mem>>
          %dma_start3A_86 = arith.constant 0 : i32
          %dma_start3A_87 = tpu.memref_slice %arg2[%add3A_77, %dma_start3A_86] : memref<2560x128xi32, #tpu.memory_space<hbm>> -> memref<1x128xi32, #tpu.memory_space<hbm>>
          %dma_start3A_88 = tpu.memref_squeeze %dma_start3A_87 : memref<1x128xi32, #tpu.memory_space<hbm>> -> memref<128xi32, #tpu.memory_space<hbm>>
          %dma_start3A_89 = arith.constant 0 : i32
          %dma_start3A_90 = tpu.memref_slice %arg2[%add3A_77, %dma_start3A_89] : memref<2560x128xi32, #tpu.memory_space<hbm>> -> memref<1x128xi32, #tpu.memory_space<hbm>>
          %dma_start3A_91 = tpu.memref_squeeze %dma_start3A_90 : memref<1x128xi32, #tpu.memory_space<hbm>> -> memref<128xi32, #tpu.memory_space<hbm>>
          tpu.enqueue_dma source(%dma_start3A_91 : memref<128xi32, #tpu.memory_space<hbm>>) target(%arg7 : memref<128xi32, #tpu.memory_space<vmem>>) target_semaphore(%run_scoped3A : memref<!tpu.dma_semaphore, #tpu.memory_space<semaphore_mem>>)
          %dma_wait3A_92 = arith.constant 0 : i32
          %dma_wait3A_93 = tpu.memref_slice %arg2[%add3A_77, %dma_wait3A_92] : memref<2560x128xi32, #tpu.memory_space<hbm>> -> memref<1x128xi32, #tpu.memory_space<hbm>>
          %dma_wait3A_94 = tpu.memref_squeeze %dma_wait3A_93 : memref<1x128xi32, #tpu.memory_space<hbm>> -> memref<128xi32, #tpu.memory_space<hbm>>
          %dma_wait3A_95 = arith.constant 0 : i32
          %dma_wait3A_96 = tpu.memref_slice %arg2[%add3A_77, %dma_wait3A_95] : memref<2560x128xi32, #tpu.memory_space<hbm>> -> memref<1x128xi32, #tpu.memory_space<hbm>>
          %dma_wait3A_97 = tpu.memref_squeeze %dma_wait3A_96 : memref<1x128xi32, #tpu.memory_space<hbm>> -> memref<128xi32, #tpu.memory_space<hbm>>
          tpu.wait_dma2 semaphore(%run_scoped3A : memref<!tpu.dma_semaphore, #tpu.memory_space<semaphore_mem>>) src(%dma_wait3A_97 : memref<128xi32, #tpu.memory_space<hbm>>) dst(%arg7 : memref<128xi32, #tpu.memory_space<vmem>>)
          tpu.yield
        }) : () -> ()
        %mul3A_78 = arith.constant 80 : i32
        %mul3A_79 = arith.muli %add3A, %mul3A_78 : i32
        %add3A_80 = arith.addi %mul3A_79, %add3A_42 : i32
        %add3A_81 = arith.constant 2 : i32
        %add3A_82 = arith.addi %add3A_80, %add3A_81 : i32
        "tpu.region"() ({
          %run_scoped3A = tpu.sem_alloc : memref<!tpu.dma_semaphore, #tpu.memory_space<semaphore_mem>>
          %dma_start3A_86 = arith.constant 0 : i32
          %dma_start3A_87 = tpu.memref_slice %arg3[%add3A_82, %dma_start3A_86] : memref<2560x128xi32, #tpu.memory_space<hbm>> -> memref<1x128xi32, #tpu.memory_space<hbm>>
          %dma_start3A_88 = tpu.memref_squeeze %dma_start3A_87 : memref<1x128xi32, #tpu.memory_space<hbm>> -> memref<128xi32, #tpu.memory_space<hbm>>
          %dma_start3A_89 = arith.constant 0 : i32
          %dma_start3A_90 = tpu.memref_slice %arg3[%add3A_82, %dma_start3A_89] : memref<2560x128xi32, #tpu.memory_space<hbm>> -> memref<1x128xi32, #tpu.memory_space<hbm>>
          %dma_start3A_91 = tpu.memref_squeeze %dma_start3A_90 : memref<1x128xi32, #tpu.memory_space<hbm>> -> memref<128xi32, #tpu.memory_space<hbm>>
          tpu.enqueue_dma source(%dma_start3A_91 : memref<128xi32, #tpu.memory_space<hbm>>) target(%arg8 : memref<128xi32, #tpu.memory_space<vmem>>) target_semaphore(%run_scoped3A : memref<!tpu.dma_semaphore, #tpu.memory_space<semaphore_mem>>)
          %dma_wait3A_92 = arith.constant 0 : i32
          %dma_wait3A_93 = tpu.memref_slice %arg3[%add3A_82, %dma_wait3A_92] : memref<2560x128xi32, #tpu.memory_space<hbm>> -> memref<1x128xi32, #tpu.memory_space<hbm>>
          %dma_wait3A_94 = tpu.memref_squeeze %dma_wait3A_93 : memref<1x128xi32, #tpu.memory_space<hbm>> -> memref<128xi32, #tpu.memory_space<hbm>>
          %dma_wait3A_95 = arith.constant 0 : i32
          %dma_wait3A_96 = tpu.memref_slice %arg3[%add3A_82, %dma_wait3A_95] : memref<2560x128xi32, #tpu.memory_space<hbm>> -> memref<1x128xi32, #tpu.memory_space<hbm>>
          %dma_wait3A_97 = tpu.memref_squeeze %dma_wait3A_96 : memref<1x128xi32, #tpu.memory_space<hbm>> -> memref<128xi32, #tpu.memory_space<hbm>>
          tpu.wait_dma2 semaphore(%run_scoped3A : memref<!tpu.dma_semaphore, #tpu.memory_space<semaphore_mem>>) src(%dma_wait3A_97 : memref<128xi32, #tpu.memory_space<hbm>>) dst(%arg8 : memref<128xi32, #tpu.memory_space<vmem>>)
          tpu.yield
        }) : () -> ()
        %dma_start3A_83 = arith.constant 0 : i32
        %dma_start3A_84 = arith.constant 0 : i32
        %dma_start3A_85 = tpu.memref_slice %arg4[%dma_start3A_83, %dma_start3A_84] : memref<10240x128xf32, #tpu.memory_space<hbm>> -> memref<10240x128xf32, #tpu.memory_space<hbm>>
        tpu.enqueue_indirect_dma source(%dma_start3A_85 : memref<10240x128xf32, #tpu.memory_space<hbm>>) target(%arg11 : memref<128x128xf32, #tpu.memory_space<vmem>>) offsets(%arg7 : memref<128xi32, #tpu.memory_space<vmem>>) semaphore(%arg14 : memref<!tpu.dma_semaphore, #tpu.memory_space<semaphore_mem>>)
      } else {
      }
      %mul3A_53 = arith.constant 2 : i32
      %mul3A_54 = arith.muli %mul3A_53, %scan3A_38 : i32
      %add3A_55 = arith.constant 1 : i32
      %add3A_56 = arith.addi %mul3A_54, %add3A_55 : i32
      %dma_wait3A_57 = arith.constant 0 : i32
      %dma_wait3A_58 = arith.constant 0 : i32
      %dma_wait3A_59 = tpu.memref_slice %arg4[%dma_wait3A_57, %dma_wait3A_58] : memref<10240x128xf32, #tpu.memory_space<hbm>> -> memref<10240x128xf32, #tpu.memory_space<hbm>>
      tpu.wait_indirect_dma semaphore(%arg15 : memref<!tpu.dma_semaphore, #tpu.memory_space<semaphore_mem>>) src(%dma_wait3A_59 : memref<10240x128xf32, #tpu.memory_space<hbm>>) dst(%arg12 : memref<128x128xf32, #tpu.memory_space<vmem>>)
      %dma_start3A_60 = arith.constant 0 : i32
      %dma_start3A_61 = arith.constant 0 : i32
      %dma_start3A_62 = tpu.memref_slice %arg13[%dma_start3A_60, %dma_start3A_61] : memref<10240x128xf32, #tpu.memory_space<vmem_shared>> -> memref<10240x128xf32, #tpu.memory_space<vmem_shared>>
      tpu.enqueue_indirect_dma source(%arg12 : memref<128x128xf32, #tpu.memory_space<vmem>>) target(%dma_start3A_62 : memref<10240x128xf32, #tpu.memory_space<vmem_shared>>) offsets(%arg10 : memref<128xi32, #tpu.memory_space<vmem>>) semaphore(%arg17 : memref<!tpu.dma_semaphore, #tpu.memory_space<semaphore_mem>>) {add = true}
      %add3A_63 = arith.constant 2 : i32
      %add3A_64 = arith.addi %add3A_56, %add3A_63 : i32
      %lt3A_65 = arith.constant 80 : i32
      %lt3A_66 = arith.cmpi slt, %add3A_64, %lt3A_65 : i32
      %convert_element_type3A_67 = arith.extui %lt3A_66 : i1 to i32
      %cond3A_68 = arith.constant 0 : i32
      %cond3A_69 = arith.cmpi ne, %convert_element_type3A_67, %cond3A_68 : i32
      scf.if %cond3A_69 {
        %dma_wait3A_70 = arith.constant 0 : i32
        %dma_wait3A_71 = arith.constant 0 : i32
        %dma_wait3A_72 = tpu.memref_slice %arg13[%dma_wait3A_70, %dma_wait3A_71] : memref<10240x128xf32, #tpu.memory_space<vmem_shared>> -> memref<10240x128xf32, #tpu.memory_space<vmem_shared>>
        tpu.wait_indirect_dma semaphore(%arg17 : memref<!tpu.dma_semaphore, #tpu.memory_space<semaphore_mem>>) src(%arg12 : memref<128x128xf32, #tpu.memory_space<vmem>>) dst(%dma_wait3A_72 : memref<10240x128xf32, #tpu.memory_space<vmem_shared>>)
        %mul3A_73 = arith.constant 80 : i32
        %mul3A_74 = arith.muli %add3A, %mul3A_73 : i32
        %add3A_75 = arith.addi %mul3A_74, %add3A_56 : i32
        %add3A_76 = arith.constant 2 : i32
        %add3A_77 = arith.addi %add3A_75, %add3A_76 : i32
        "tpu.region"() ({
          %run_scoped3A = tpu.sem_alloc : memref<!tpu.dma_semaphore, #tpu.memory_space<semaphore_mem>>
          %dma_start3A_86 = arith.constant 0 : i32
          %dma_start3A_87 = tpu.memref_slice %arg2[%add3A_77, %dma_start3A_86] : memref<2560x128xi32, #tpu.memory_space<hbm>> -> memref<1x128xi32, #tpu.memory_space<hbm>>
          %dma_start3A_88 = tpu.memref_squeeze %dma_start3A_87 : memref<1x128xi32, #tpu.memory_space<hbm>> -> memref<128xi32, #tpu.memory_space<hbm>>
          %dma_start3A_89 = arith.constant 0 : i32
          %dma_start3A_90 = tpu.memref_slice %arg2[%add3A_77, %dma_start3A_89] : memref<2560x128xi32, #tpu.memory_space<hbm>> -> memref<1x128xi32, #tpu.memory_space<hbm>>
          %dma_start3A_91 = tpu.memref_squeeze %dma_start3A_90 : memref<1x128xi32, #tpu.memory_space<hbm>> -> memref<128xi32, #tpu.memory_space<hbm>>
          tpu.enqueue_dma source(%dma_start3A_91 : memref<128xi32, #tpu.memory_space<hbm>>) target(%arg9 : memref<128xi32, #tpu.memory_space<vmem>>) target_semaphore(%run_scoped3A : memref<!tpu.dma_semaphore, #tpu.memory_space<semaphore_mem>>)
          %dma_wait3A_92 = arith.constant 0 : i32
          %dma_wait3A_93 = tpu.memref_slice %arg2[%add3A_77, %dma_wait3A_92] : memref<2560x128xi32, #tpu.memory_space<hbm>> -> memref<1x128xi32, #tpu.memory_space<hbm>>
          %dma_wait3A_94 = tpu.memref_squeeze %dma_wait3A_93 : memref<1x128xi32, #tpu.memory_space<hbm>> -> memref<128xi32, #tpu.memory_space<hbm>>
          %dma_wait3A_95 = arith.constant 0 : i32
          %dma_wait3A_96 = tpu.memref_slice %arg2[%add3A_77, %dma_wait3A_95] : memref<2560x128xi32, #tpu.memory_space<hbm>> -> memref<1x128xi32, #tpu.memory_space<hbm>>
          %dma_wait3A_97 = tpu.memref_squeeze %dma_wait3A_96 : memref<1x128xi32, #tpu.memory_space<hbm>> -> memref<128xi32, #tpu.memory_space<hbm>>
          tpu.wait_dma2 semaphore(%run_scoped3A : memref<!tpu.dma_semaphore, #tpu.memory_space<semaphore_mem>>) src(%dma_wait3A_97 : memref<128xi32, #tpu.memory_space<hbm>>) dst(%arg9 : memref<128xi32, #tpu.memory_space<vmem>>)
          tpu.yield
        }) : () -> ()
        %mul3A_78 = arith.constant 80 : i32
        %mul3A_79 = arith.muli %add3A, %mul3A_78 : i32
        %add3A_80 = arith.addi %mul3A_79, %add3A_56 : i32
        %add3A_81 = arith.constant 2 : i32
        %add3A_82 = arith.addi %add3A_80, %add3A_81 : i32
        "tpu.region"() ({
          %run_scoped3A = tpu.sem_alloc : memref<!tpu.dma_semaphore, #tpu.memory_space<semaphore_mem>>
          %dma_start3A_86 = arith.constant 0 : i32
          %dma_start3A_87 = tpu.memref_slice %arg3[%add3A_82, %dma_start3A_86] : memref<2560x128xi32, #tpu.memory_space<hbm>> -> memref<1x128xi32, #tpu.memory_space<hbm>>
          %dma_start3A_88 = tpu.memref_squeeze %dma_start3A_87 : memref<1x128xi32, #tpu.memory_space<hbm>> -> memref<128xi32, #tpu.memory_space<hbm>>
          %dma_start3A_89 = arith.constant 0 : i32
          %dma_start3A_90 = tpu.memref_slice %arg3[%add3A_82, %dma_start3A_89] : memref<2560x128xi32, #tpu.memory_space<hbm>> -> memref<1x128xi32, #tpu.memory_space<hbm>>
          %dma_start3A_91 = tpu.memref_squeeze %dma_start3A_90 : memref<1x128xi32, #tpu.memory_space<hbm>> -> memref<128xi32, #tpu.memory_space<hbm>>
          tpu.enqueue_dma source(%dma_start3A_91 : memref<128xi32, #tpu.memory_space<hbm>>) target(%arg10 : memref<128xi32, #tpu.memory_space<vmem>>) target_semaphore(%run_scoped3A : memref<!tpu.dma_semaphore, #tpu.memory_space<semaphore_mem>>)
          %dma_wait3A_92 = arith.constant 0 : i32
          %dma_wait3A_93 = tpu.memref_slice %arg3[%add3A_82, %dma_wait3A_92] : memref<2560x128xi32, #tpu.memory_space<hbm>> -> memref<1x128xi32, #tpu.memory_space<hbm>>
          %dma_wait3A_94 = tpu.memref_squeeze %dma_wait3A_93 : memref<1x128xi32, #tpu.memory_space<hbm>> -> memref<128xi32, #tpu.memory_space<hbm>>
          %dma_wait3A_95 = arith.constant 0 : i32
          %dma_wait3A_96 = tpu.memref_slice %arg3[%add3A_82, %dma_wait3A_95] : memref<2560x128xi32, #tpu.memory_space<hbm>> -> memref<1x128xi32, #tpu.memory_space<hbm>>
          %dma_wait3A_97 = tpu.memref_squeeze %dma_wait3A_96 : memref<1x128xi32, #tpu.memory_space<hbm>> -> memref<128xi32, #tpu.memory_space<hbm>>
          tpu.wait_dma2 semaphore(%run_scoped3A : memref<!tpu.dma_semaphore, #tpu.memory_space<semaphore_mem>>) src(%dma_wait3A_97 : memref<128xi32, #tpu.memory_space<hbm>>) dst(%arg10 : memref<128xi32, #tpu.memory_space<vmem>>)
          tpu.yield
        }) : () -> ()
        %dma_start3A_83 = arith.constant 0 : i32
        %dma_start3A_84 = arith.constant 0 : i32
        %dma_start3A_85 = tpu.memref_slice %arg4[%dma_start3A_83, %dma_start3A_84] : memref<10240x128xf32, #tpu.memory_space<hbm>> -> memref<10240x128xf32, #tpu.memory_space<hbm>>
        tpu.enqueue_indirect_dma source(%dma_start3A_85 : memref<10240x128xf32, #tpu.memory_space<hbm>>) target(%arg12 : memref<128x128xf32, #tpu.memory_space<vmem>>) offsets(%arg9 : memref<128xi32, #tpu.memory_space<vmem>>) semaphore(%arg15 : memref<!tpu.dma_semaphore, #tpu.memory_space<semaphore_mem>>)
      } else {
      }
    }
    %scan3A_28 = arith.constant 40 : i32
    %dma_wait3A = arith.constant 0 : i32
    %dma_wait3A_29 = arith.constant 0 : i32
    %dma_wait3A_30 = tpu.memref_slice %arg13[%dma_wait3A, %dma_wait3A_29] : memref<10240x128xf32, #tpu.memory_space<vmem_shared>> -> memref<10240x128xf32, #tpu.memory_space<vmem_shared>>
    tpu.wait_indirect_dma semaphore(%arg16 : memref<!tpu.dma_semaphore, #tpu.memory_space<semaphore_mem>>) src(%arg11 : memref<128x128xf32, #tpu.memory_space<vmem>>) dst(%dma_wait3A_30 : memref<10240x128xf32, #tpu.memory_space<vmem_shared>>)
    %dma_wait3A_31 = arith.constant 0 : i32
    %dma_wait3A_32 = arith.constant 0 : i32
    %dma_wait3A_33 = tpu.memref_slice %arg13[%dma_wait3A_31, %dma_wait3A_32] : memref<10240x128xf32, #tpu.memory_space<vmem_shared>> -> memref<10240x128xf32, #tpu.memory_space<vmem_shared>>
    tpu.wait_indirect_dma semaphore(%arg17 : memref<!tpu.dma_semaphore, #tpu.memory_space<semaphore_mem>>) src(%arg12 : memref<128x128xf32, #tpu.memory_space<vmem>>) dst(%dma_wait3A_33 : memref<10240x128xf32, #tpu.memory_space<vmem_shared>>)
    %barrier3A_34 = arith.constant 0 : index
    tpu.barrier barrier_id(%barrier3A_34)
    %mul3A_35 = arith.constant 10240 : i32
    %mul3A_36 = arith.muli %arg0, %mul3A_35 : i32
    %add3A_37 = arith.addi %mul3A_36, %mul3A_2 : i32
    "tpu.region"() ({
      %run_scoped3A = tpu.sem_alloc : memref<!tpu.dma_semaphore, #tpu.memory_space<semaphore_mem>>
      %dma_start3A_38 = arith.constant 0 : i32
      %dma_start3A_39 = tpu.memref_slice %arg6[%add3A_37, %dma_start3A_38] : memref<20480x128xf32, #tpu.memory_space<hbm>> -> memref<640x128xf32, #tpu.memory_space<hbm>>
      %dma_start3A_40 = arith.constant 0 : i32
      %dma_start3A_41 = tpu.memref_slice %arg13[%mul3A_2, %dma_start3A_40] : memref<10240x128xf32, #tpu.memory_space<vmem_shared>> -> memref<640x128xf32, #tpu.memory_space<vmem_shared>>
      tpu.enqueue_dma source(%dma_start3A_41 : memref<640x128xf32, #tpu.memory_space<vmem_shared>>) target(%dma_start3A_39 : memref<640x128xf32, #tpu.memory_space<hbm>>) target_semaphore(%run_scoped3A : memref<!tpu.dma_semaphore, #tpu.memory_space<semaphore_mem>>)
      %dma_wait3A_42 = arith.constant 0 : i32
      %dma_wait3A_43 = tpu.memref_slice %arg6[%add3A_37, %dma_wait3A_42] : memref<20480x128xf32, #tpu.memory_space<hbm>> -> memref<640x128xf32, #tpu.memory_space<hbm>>
      %dma_wait3A_44 = arith.constant 0 : i32
      %dma_wait3A_45 = tpu.memref_slice %arg13[%mul3A_2, %dma_wait3A_44] : memref<10240x128xf32, #tpu.memory_space<vmem_shared>> -> memref<640x128xf32, #tpu.memory_space<vmem_shared>>
      tpu.wait_dma2 semaphore(%run_scoped3A : memref<!tpu.dma_semaphore, #tpu.memory_space<semaphore_mem>>) src(%dma_wait3A_45 : memref<640x128xf32, #tpu.memory_space<vmem_shared>>) dst(%dma_wait3A_43 : memref<640x128xf32, #tpu.memory_space<hbm>>)
      tpu.yield
    }) : () -> ()
    return
  }
}

module attributes {stable_mosaic.version = 14 : i64} {
  func.func @body(%arg0: i32, %arg1: memref<1024x128xf32, #tpu.memory_space<vmem>>, %arg2: memref<128x128xf32, #tpu.memory_space<vmem>>, %arg3: memref<1x128xf32, #tpu.memory_space<vmem>>, %arg4: memref<128x128xf32, #tpu.memory_space<vmem>>, %arg5: memref<1024x128xf32, #tpu.memory_space<vmem>>, %arg6: memref<1024x128xf32, #tpu.memory_space<vmem>>, %arg7: memref<1024x128xf32, #tpu.memory_space<vmem>>, %arg8: memref<1024x128xf32, #tpu.memory_space<vmem>>, %arg9: memref<1024x128xf32, #tpu.memory_space<vmem>>) attributes {dimension_semantics = [#tpu.dimension_semantics<arbitrary>], iteration_bounds = array<i64: 10>, scalar_prefetch = 0 : i64, scratch_operands = 0 : i64, tpu.core_type = #tpu.core_type<tc>, window_params = [{transform_indices = @transform_0, window_bounds = array<i64: 1024, 128>}, {pipeline_mode = #tpu.pipeline_mode<synchronous>, transform_indices = @transform_1, window_bounds = array<i64: 128, 128>}, {pipeline_mode = #tpu.pipeline_mode<synchronous>, transform_indices = @transform_2, window_bounds = array<i64: 1, 128>}, {pipeline_mode = #tpu.pipeline_mode<synchronous>, transform_indices = @transform_3, window_bounds = array<i64: 128, 128>}, {transform_indices = @transform_4, window_bounds = array<i64: 1024, 128>}, {transform_indices = @transform_5, window_bounds = array<i64: 1024, 128>}, {transform_indices = @transform_6, window_bounds = array<i64: 1024, 128>}, {transform_indices = @transform_7, window_bounds = array<i64: 1024, 128>}, {transform_indices = @transform_8, window_bounds = array<i64: 1024, 128>}]} {
    %get3A = arith.constant 0 : index
    %get3A_0 = arith.constant 0 : index
    %get3A_1 = vector.load %arg1[%get3A, %get3A_0] : memref<1024x128xf32, #tpu.memory_space<vmem>>, vector<1024x128xf32>
    %get3A_2 = arith.constant 0 : index
    %get3A_3 = arith.constant 0 : index
    %get3A_4 = vector.load %arg2[%get3A_2, %get3A_3] : memref<128x128xf32, #tpu.memory_space<vmem>>, vector<128x128xf32>
    %dot_general3A = arith.constant dense<0.000000e+00> : vector<1024x128xf32>
    %dot_general3A_5 = tpu.matmul %get3A_1, %get3A_4, %dot_general3A {dimension_numbers = #tpu.dot_dimension_numbers<[1], [0], [0], [1], [0, 0, 1, 1], [], []>, transpose_lhs_hint = false} : vector<1024x128xf32>, vector<128x128xf32>, vector<1024x128xf32> -> vector<1024x128xf32>
    %get3A_6 = arith.constant 0 : index
    %get3A_7 = arith.constant 0 : index
    %get3A_8 = vector.load %arg3[%get3A_6, %get3A_7] : memref<1x128xf32, #tpu.memory_space<vmem>>, vector<1x128xf32>
    %add3A = vector.broadcast %get3A_8 : vector<1x128xf32> to vector<1024x128xf32>
    %add3A_9 = arith.addf %dot_general3A_5, %add3A : vector<1024x128xf32>
    %get3A_10 = arith.constant 0 : index
    %get3A_11 = arith.constant 0 : index
    %get3A_12 = vector.load %arg5[%get3A_10, %get3A_11] : memref<1024x128xf32, #tpu.memory_space<vmem>>, vector<1024x128xf32>
    %get3A_13 = arith.constant 0 : index
    %get3A_14 = arith.constant 0 : index
    %get3A_15 = vector.load %arg6[%get3A_13, %get3A_14] : memref<1024x128xf32, #tpu.memory_space<vmem>>, vector<1024x128xf32>
    %add3A_16 = arith.addf %get3A_12, %get3A_15 : vector<1024x128xf32>
    %add3A_17 = arith.constant 1.000000e+00 : f32
    %add3A_18 = vector.broadcast %add3A_17 : f32 to vector<1024x128xf32>
    %add3A_19 = arith.addf %add3A_16, %add3A_18 : vector<1024x128xf32>
    %rsqrt3A = math.rsqrt %add3A_19 : vector<1024x128xf32>
    %swap3A = arith.constant 0 : index
    %swap3A_20 = arith.constant 0 : index
    %swap3A_21 = vector.load %arg7[%swap3A, %swap3A_20] : memref<1024x128xf32, #tpu.memory_space<vmem>>, vector<1024x128xf32>
    tpu.vector_store %arg7[%swap3A, %swap3A_20], %add3A_9 {strides = array<i32>} : memref<1024x128xf32, #tpu.memory_space<vmem>>, vector<1024x128xf32>,
    %swap3A_22 = arith.constant 0 : index
    %swap3A_23 = arith.constant 0 : index
    %swap3A_24 = vector.load %arg9[%swap3A_22, %swap3A_23] : memref<1024x128xf32, #tpu.memory_space<vmem>>, vector<1024x128xf32>
    tpu.vector_store %arg9[%swap3A_22, %swap3A_23], %rsqrt3A {strides = array<i32>} : memref<1024x128xf32, #tpu.memory_space<vmem>>, vector<1024x128xf32>,
    %get3A_25 = arith.constant 0 : index
    %get3A_26 = arith.constant 0 : index
    %get3A_27 = vector.load %arg4[%get3A_25, %get3A_26] : memref<128x128xf32, #tpu.memory_space<vmem>>, vector<128x128xf32>
    %dot_general3A_28 = arith.constant dense<0.000000e+00> : vector<1024x128xf32>
    %dot_general3A_29 = tpu.matmul %add3A_9, %get3A_27, %dot_general3A_28 {dimension_numbers = #tpu.dot_dimension_numbers<[1], [0], [0], [1], [0, 0, 1, 1], [], []>, transpose_lhs_hint = false} : vector<1024x128xf32>, vector<128x128xf32>, vector<1024x128xf32> -> vector<1024x128xf32>
    %mul3A = arith.mulf %dot_general3A_29, %rsqrt3A : vector<1024x128xf32>
    %swap3A_30 = arith.constant 0 : index
    %swap3A_31 = arith.constant 0 : index
    %swap3A_32 = vector.load %arg8[%swap3A_30, %swap3A_31] : memref<1024x128xf32, #tpu.memory_space<vmem>>, vector<1024x128xf32>
    tpu.vector_store %arg8[%swap3A_30, %swap3A_31], %mul3A {strides = array<i32>} : memref<1024x128xf32, #tpu.memory_space<vmem>>, vector<1024x128xf32>,
    return
  }
  func.func @transform_0(%arg0: i32) -> (i32, i32) {
    %c0_i32 = arith.constant 0 : i32
    %c0_i32_0 = arith.constant 0 : i32
    return %arg0, %c0_i32 : i32, i32
  }
  func.func @transform_1(%arg0: i32) -> (i32, i32) {
    %c0_i32 = arith.constant 0 : i32
    %c0_i32_0 = arith.constant 0 : i32
    %c0_i32_1 = arith.constant 0 : i32
    return %c0_i32, %c0_i32_0 : i32, i32
  }
  func.func @transform_2(%arg0: i32) -> (i32, i32) {
    %c0_i32 = arith.constant 0 : i32
    %c0_i32_0 = arith.constant 0 : i32
    %c0_i32_1 = arith.constant 0 : i32
    return %c0_i32, %c0_i32_0 : i32, i32
  }
  func.func @transform_3(%arg0: i32) -> (i32, i32) {
    %c0_i32 = arith.constant 0 : i32
    %c0_i32_0 = arith.constant 0 : i32
    %c0_i32_1 = arith.constant 0 : i32
    return %c0_i32, %c0_i32_0 : i32, i32
  }
  func.func @transform_4(%arg0: i32) -> (i32, i32) {
    %c0_i32 = arith.constant 0 : i32
    %c0_i32_0 = arith.constant 0 : i32
    return %arg0, %c0_i32 : i32, i32
  }
  func.func @transform_5(%arg0: i32) -> (i32, i32) {
    %c0_i32 = arith.constant 0 : i32
    %c0_i32_0 = arith.constant 0 : i32
    return %arg0, %c0_i32 : i32, i32
  }
  func.func @transform_6(%arg0: i32) -> (i32, i32) {
    %c0_i32 = arith.constant 0 : i32
    %c0_i32_0 = arith.constant 0 : i32
    return %arg0, %c0_i32 : i32, i32
  }
  func.func @transform_7(%arg0: i32) -> (i32, i32) {
    %c0_i32 = arith.constant 0 : i32
    %c0_i32_0 = arith.constant 0 : i32
    return %arg0, %c0_i32 : i32, i32
  }
  func.func @transform_8(%arg0: i32) -> (i32, i32) {
    %c0_i32 = arith.constant 0 : i32
    %c0_i32_0 = arith.constant 0 : i32
    return %arg0, %c0_i32 : i32, i32
  }
}

module attributes {stable_mosaic.version = 14 : i64} {
  func.func @body(%arg0: i32, %arg1: memref<1024x128xf32, #tpu.memory_space<vmem>>, %arg2: memref<1024x128xf32, #tpu.memory_space<vmem>>, %arg3: memref<1024x128xf32, #tpu.memory_space<vmem>>, %arg4: memref<1024x128xf32, #tpu.memory_space<vmem>>, %arg5: memref<1024x128xf32, #tpu.memory_space<vmem>>, %arg6: memref<1x128xf32, #tpu.memory_space<vmem>>, %arg7: memref<128x128xf32, #tpu.memory_space<vmem>>, %arg8: memref<1024x128xf32, #tpu.memory_space<vmem>>, %arg9: memref<1024x128xf32, #tpu.memory_space<vmem>>) attributes {dimension_semantics = [#tpu.dimension_semantics<arbitrary>], iteration_bounds = array<i64: 10>, scalar_prefetch = 0 : i64, scratch_operands = 0 : i64, tpu.core_type = #tpu.core_type<tc>, window_params = [{transform_indices = @transform_0, window_bounds = array<i64: 1024, 128>}, {transform_indices = @transform_1, window_bounds = array<i64: 1024, 128>}, {transform_indices = @transform_2, window_bounds = array<i64: 1024, 128>}, {transform_indices = @transform_3, window_bounds = array<i64: 1024, 128>}, {transform_indices = @transform_4, window_bounds = array<i64: 1024, 128>}, {pipeline_mode = #tpu.pipeline_mode<synchronous>, transform_indices = @transform_5, window_bounds = array<i64: 1, 128>}, {pipeline_mode = #tpu.pipeline_mode<synchronous>, transform_indices = @transform_6, window_bounds = array<i64: 128, 128>}, {transform_indices = @transform_7, window_bounds = array<i64: 1024, 128>}, {transform_indices = @transform_8, window_bounds = array<i64: 1024, 128>}]} {
    %get3A = arith.constant 0 : index
    %get3A_0 = arith.constant 0 : index
    %get3A_1 = vector.load %arg5[%get3A, %get3A_0] : memref<1024x128xf32, #tpu.memory_space<vmem>>, vector<1024x128xf32>
    %get3A_2 = arith.constant 0 : index
    %get3A_3 = arith.constant 0 : index
    %get3A_4 = vector.load %arg3[%get3A_2, %get3A_3] : memref<1024x128xf32, #tpu.memory_space<vmem>>, vector<1024x128xf32>
    %get3A_5 = arith.constant 0 : index
    %get3A_6 = arith.constant 0 : index
    %get3A_7 = vector.load %arg4[%get3A_5, %get3A_6] : memref<1024x128xf32, #tpu.memory_space<vmem>>, vector<1024x128xf32>
    %add3A = arith.addf %get3A_4, %get3A_7 : vector<1024x128xf32>
    %get3A_8 = arith.constant 0 : index
    %get3A_9 = arith.constant 0 : index
    %get3A_10 = vector.load %arg2[%get3A_8, %get3A_9] : memref<1024x128xf32, #tpu.memory_space<vmem>>, vector<1024x128xf32>
    %add3A_11 = arith.addf %add3A, %get3A_10 : vector<1024x128xf32>
    %mul3A = arith.mulf %get3A_1, %add3A_11 : vector<1024x128xf32>
    %get3A_12 = arith.constant 0 : index
    %get3A_13 = arith.constant 0 : index
    %get3A_14 = vector.load %arg6[%get3A_12, %get3A_13] : memref<1x128xf32, #tpu.memory_space<vmem>>, vector<1x128xf32>
    %add3A_15 = vector.broadcast %get3A_14 : vector<1x128xf32> to vector<1024x128xf32>
    %add3A_16 = arith.addf %mul3A, %add3A_15 : vector<1024x128xf32>
    %max3A = arith.constant 0.000000e+00 : f32
    %max3A_17 = vector.broadcast %max3A : f32 to vector<1024x128xf32>
    %max3A_18 = arith.maximumf %add3A_16, %max3A_17 : vector<1024x128xf32>
    %get3A_19 = arith.constant 0 : index
    %get3A_20 = arith.constant 0 : index
    %get3A_21 = vector.load %arg1[%get3A_19, %get3A_20] : memref<1024x128xf32, #tpu.memory_space<vmem>>, vector<1024x128xf32>
    %add3A_22 = arith.addf %get3A_21, %max3A_18 : vector<1024x128xf32>
    %swap3A = arith.constant 0 : index
    %swap3A_23 = arith.constant 0 : index
    %swap3A_24 = vector.load %arg8[%swap3A, %swap3A_23] : memref<1024x128xf32, #tpu.memory_space<vmem>>, vector<1024x128xf32>
    tpu.vector_store %arg8[%swap3A, %swap3A_23], %add3A_22 {strides = array<i32>} : memref<1024x128xf32, #tpu.memory_space<vmem>>, vector<1024x128xf32>,
    %get3A_25 = arith.constant 0 : index
    %get3A_26 = arith.constant 0 : index
    %get3A_27 = vector.load %arg7[%get3A_25, %get3A_26] : memref<128x128xf32, #tpu.memory_space<vmem>>, vector<128x128xf32>
    %dot_general3A = arith.constant dense<0.000000e+00> : vector<1024x128xf32>
    %dot_general3A_28 = tpu.matmul %add3A_22, %get3A_27, %dot_general3A {dimension_numbers = #tpu.dot_dimension_numbers<[1], [0], [0], [1], [0, 0, 1, 1], [], []>, transpose_lhs_hint = false} : vector<1024x128xf32>, vector<128x128xf32>, vector<1024x128xf32> -> vector<1024x128xf32>
    %get3A_29 = arith.constant 0 : index
    %get3A_30 = arith.constant 0 : index
    %get3A_31 = vector.load %arg5[%get3A_29, %get3A_30] : memref<1024x128xf32, #tpu.memory_space<vmem>>, vector<1024x128xf32>
    %mul3A_32 = arith.mulf %dot_general3A_28, %get3A_31 : vector<1024x128xf32>
    %swap3A_33 = arith.constant 0 : index
    %swap3A_34 = arith.constant 0 : index
    %swap3A_35 = vector.load %arg9[%swap3A_33, %swap3A_34] : memref<1024x128xf32, #tpu.memory_space<vmem>>, vector<1024x128xf32>
    tpu.vector_store %arg9[%swap3A_33, %swap3A_34], %mul3A_32 {strides = array<i32>} : memref<1024x128xf32, #tpu.memory_space<vmem>>, vector<1024x128xf32>,
    return
  }
  func.func @transform_0(%arg0: i32) -> (i32, i32) {
    %c0_i32 = arith.constant 0 : i32
    %c0_i32_0 = arith.constant 0 : i32
    return %arg0, %c0_i32 : i32, i32
  }
  func.func @transform_1(%arg0: i32) -> (i32, i32) {
    %c0_i32 = arith.constant 0 : i32
    %c0_i32_0 = arith.constant 0 : i32
    return %arg0, %c0_i32 : i32, i32
  }
  func.func @transform_2(%arg0: i32) -> (i32, i32) {
    %c0_i32 = arith.constant 0 : i32
    %c0_i32_0 = arith.constant 0 : i32
    return %arg0, %c0_i32 : i32, i32
  }
  func.func @transform_3(%arg0: i32) -> (i32, i32) {
    %c0_i32 = arith.constant 0 : i32
    %c0_i32_0 = arith.constant 0 : i32
    return %arg0, %c0_i32 : i32, i32
  }
  func.func @transform_4(%arg0: i32) -> (i32, i32) {
    %c0_i32 = arith.constant 0 : i32
    %c0_i32_0 = arith.constant 0 : i32
    return %arg0, %c0_i32 : i32, i32
  }
  func.func @transform_5(%arg0: i32) -> (i32, i32) {
    %c0_i32 = arith.constant 0 : i32
    %c0_i32_0 = arith.constant 0 : i32
    %c0_i32_1 = arith.constant 0 : i32
    return %c0_i32, %c0_i32_0 : i32, i32
  }
  func.func @transform_6(%arg0: i32) -> (i32, i32) {
    %c0_i32 = arith.constant 0 : i32
    %c0_i32_0 = arith.constant 0 : i32
    %c0_i32_1 = arith.constant 0 : i32
    return %c0_i32, %c0_i32_0 : i32, i32
  }
  func.func @transform_7(%arg0: i32) -> (i32, i32) {
    %c0_i32 = arith.constant 0 : i32
    %c0_i32_0 = arith.constant 0 : i32
    return %arg0, %c0_i32 : i32, i32
  }
  func.func @transform_8(%arg0: i32) -> (i32, i32) {
    %c0_i32 = arith.constant 0 : i32
    %c0_i32_0 = arith.constant 0 : i32
    return %arg0, %c0_i32 : i32, i32
  }
}

module attributes {stable_mosaic.version = 14 : i64} {
  func.func @body(%arg0: i32, %arg1: memref<1024x128xf32, #tpu.memory_space<vmem>>, %arg2: memref<1024x128xf32, #tpu.memory_space<vmem>>, %arg3: memref<1024x128xf32, #tpu.memory_space<vmem>>, %arg4: memref<1024x128xf32, #tpu.memory_space<vmem>>, %arg5: memref<1024x128xf32, #tpu.memory_space<vmem>>, %arg6: memref<1x128xf32, #tpu.memory_space<vmem>>, %arg7: memref<128x40xf32, #tpu.memory_space<vmem>>, %arg8: memref<1x40xf32, #tpu.memory_space<vmem>>, %arg9: memref<1024x40xf32, #tpu.memory_space<vmem>>) attributes {dimension_semantics = [#tpu.dimension_semantics<arbitrary>], iteration_bounds = array<i64: 10>, scalar_prefetch = 0 : i64, scratch_operands = 0 : i64, tpu.core_type = #tpu.core_type<tc>, window_params = [{transform_indices = @transform_0, window_bounds = array<i64: 1024, 128>}, {transform_indices = @transform_1, window_bounds = array<i64: 1024, 128>}, {transform_indices = @transform_2, window_bounds = array<i64: 1024, 128>}, {transform_indices = @transform_3, window_bounds = array<i64: 1024, 128>}, {transform_indices = @transform_4, window_bounds = array<i64: 1024, 128>}, {pipeline_mode = #tpu.pipeline_mode<synchronous>, transform_indices = @transform_5, window_bounds = array<i64: 1, 128>}, {pipeline_mode = #tpu.pipeline_mode<synchronous>, transform_indices = @transform_6, window_bounds = array<i64: 128, 40>}, {pipeline_mode = #tpu.pipeline_mode<synchronous>, transform_indices = @transform_7, window_bounds = array<i64: 1, 40>}, {transform_indices = @transform_8, window_bounds = array<i64: 1024, 40>}]} {
    %get3A = arith.constant 0 : index
    %get3A_0 = arith.constant 0 : index
    %get3A_1 = vector.load %arg5[%get3A, %get3A_0] : memref<1024x128xf32, #tpu.memory_space<vmem>>, vector<1024x128xf32>
    %get3A_2 = arith.constant 0 : index
    %get3A_3 = arith.constant 0 : index
    %get3A_4 = vector.load %arg3[%get3A_2, %get3A_3] : memref<1024x128xf32, #tpu.memory_space<vmem>>, vector<1024x128xf32>
    %get3A_5 = arith.constant 0 : index
    %get3A_6 = arith.constant 0 : index
    %get3A_7 = vector.load %arg4[%get3A_5, %get3A_6] : memref<1024x128xf32, #tpu.memory_space<vmem>>, vector<1024x128xf32>
    %add3A = arith.addf %get3A_4, %get3A_7 : vector<1024x128xf32>
    %get3A_8 = arith.constant 0 : index
    %get3A_9 = arith.constant 0 : index
    %get3A_10 = vector.load %arg2[%get3A_8, %get3A_9] : memref<1024x128xf32, #tpu.memory_space<vmem>>, vector<1024x128xf32>
    %add3A_11 = arith.addf %add3A, %get3A_10 : vector<1024x128xf32>
    %mul3A = arith.mulf %get3A_1, %add3A_11 : vector<1024x128xf32>
    %get3A_12 = arith.constant 0 : index
    %get3A_13 = arith.constant 0 : index
    %get3A_14 = vector.load %arg6[%get3A_12, %get3A_13] : memref<1x128xf32, #tpu.memory_space<vmem>>, vector<1x128xf32>
    %add3A_15 = vector.broadcast %get3A_14 : vector<1x128xf32> to vector<1024x128xf32>
    %add3A_16 = arith.addf %mul3A, %add3A_15 : vector<1024x128xf32>
    %max3A = arith.constant 0.000000e+00 : f32
    %max3A_17 = vector.broadcast %max3A : f32 to vector<1024x128xf32>
    %max3A_18 = arith.maximumf %add3A_16, %max3A_17 : vector<1024x128xf32>
    %get3A_19 = arith.constant 0 : index
    %get3A_20 = arith.constant 0 : index
    %get3A_21 = vector.load %arg1[%get3A_19, %get3A_20] : memref<1024x128xf32, #tpu.memory_space<vmem>>, vector<1024x128xf32>
    %add3A_22 = arith.addf %get3A_21, %max3A_18 : vector<1024x128xf32>
    %get3A_23 = arith.constant 0 : index
    %get3A_24 = arith.constant 0 : index
    %get3A_25 = vector.load %arg7[%get3A_23, %get3A_24] : memref<128x40xf32, #tpu.memory_space<vmem>>, vector<128x40xf32>
    %dot_general3A = arith.constant dense<0.000000e+00> : vector<1024x40xf32>
    %dot_general3A_26 = tpu.matmul %add3A_22, %get3A_25, %dot_general3A {dimension_numbers = #tpu.dot_dimension_numbers<[1], [0], [0], [1], [0, 0, 1, 1], [], []>, transpose_lhs_hint = false} : vector<1024x128xf32>, vector<128x40xf32>, vector<1024x40xf32> -> vector<1024x40xf32>
    %get3A_27 = arith.constant 0 : index
    %get3A_28 = arith.constant 0 : index
    %get3A_29 = vector.load %arg8[%get3A_27, %get3A_28] : memref<1x40xf32, #tpu.memory_space<vmem>>, vector<1x40xf32>
    %add3A_30 = vector.broadcast %get3A_29 : vector<1x40xf32> to vector<1024x40xf32>
    %add3A_31 = arith.addf %dot_general3A_26, %add3A_30 : vector<1024x40xf32>
    %swap3A = arith.constant 0 : index
    %swap3A_32 = arith.constant 0 : index
    %swap3A_33 = vector.load %arg9[%swap3A, %swap3A_32] : memref<1024x40xf32, #tpu.memory_space<vmem>>, vector<1024x40xf32>
    tpu.vector_store %arg9[%swap3A, %swap3A_32], %add3A_31 {strides = array<i32>} : memref<1024x40xf32, #tpu.memory_space<vmem>>, vector<1024x40xf32>,
    return
  }
  func.func @transform_0(%arg0: i32) -> (i32, i32) {
    %c0_i32 = arith.constant 0 : i32
    %c0_i32_0 = arith.constant 0 : i32
    return %arg0, %c0_i32 : i32, i32
  }
  func.func @transform_1(%arg0: i32) -> (i32, i32) {
    %c0_i32 = arith.constant 0 : i32
    %c0_i32_0 = arith.constant 0 : i32
    return %arg0, %c0_i32 : i32, i32
  }
  func.func @transform_2(%arg0: i32) -> (i32, i32) {
    %c0_i32 = arith.constant 0 : i32
    %c0_i32_0 = arith.constant 0 : i32
    return %arg0, %c0_i32 : i32, i32
  }
  func.func @transform_3(%arg0: i32) -> (i32, i32) {
    %c0_i32 = arith.constant 0 : i32
    %c0_i32_0 = arith.constant 0 : i32
    return %arg0, %c0_i32 : i32, i32
  }
  func.func @transform_4(%arg0: i32) -> (i32, i32) {
    %c0_i32 = arith.constant 0 : i32
    %c0_i32_0 = arith.constant 0 : i32
    return %arg0, %c0_i32 : i32, i32
  }
  func.func @transform_5(%arg0: i32) -> (i32, i32) {
    %c0_i32 = arith.constant 0 : i32
    %c0_i32_0 = arith.constant 0 : i32
    %c0_i32_1 = arith.constant 0 : i32
    return %c0_i32, %c0_i32_0 : i32, i32
  }
  func.func @transform_6(%arg0: i32) -> (i32, i32) {
    %c0_i32 = arith.constant 0 : i32
    %c0_i32_0 = arith.constant 0 : i32
    %c0_i32_1 = arith.constant 0 : i32
    return %c0_i32, %c0_i32_0 : i32, i32
  }
  func.func @transform_7(%arg0: i32) -> (i32, i32) {
    %c0_i32 = arith.constant 0 : i32
    %c0_i32_0 = arith.constant 0 : i32
    %c0_i32_1 = arith.constant 0 : i32
    return %c0_i32, %c0_i32_0 : i32, i32
  }
  func.func @transform_8(%arg0: i32) -> (i32, i32) {
    %c0_i32 = arith.constant 0 : i32
    %c0_i32_0 = arith.constant 0 : i32
    return %arg0, %c0_i32 : i32, i32
  }
}

</mosaic_0001>

<sc_bundles>
// kernel: kernel.12.cloned.1.call-start
scs
__scs_entry_jumppad:
0x0: {  	(pc) =	sbr.rel $0x88, $3  }
0x1: {  	(tag) =	ssettag $0x0;
	lr =	simm.s32 $0x1  }
0x2: {  	[smem:$0x3F93] =	sst lr;
	_ =	strace $0xD0000000  }
0x3: {  	_ = 	snop  }
0x4: {  	_ = 	snop  }
0x5: {  	_ = 	snop  }
0x6: {  	_ = 	snop  }
0x7: {  	_ = 	snop  }
__scs_overlays_trampoline_lowered:
0x8: {  	[smem:$0x3FA2] =	sst s0  }
0x9: {  	[smem:$0x3FA3] =	sst s1  }
0xa: {  	[smem:$0x3FA4] =	sst s2  }
0xb: {  	[smem:$0x3FA5] =	sst s3  }
0xc: {  	[smem:$0x3FA6] =	sst s4  }
0xd: {  	[smem:$0x3FA7] =	sst s5  }
0xe: {  	[smem:$0x3FA8] =	sst s6  }
0xf: {  	[smem:$0x3FA9] =	sst s7  }
0x10: {  	[smem:$0x3FAA] =	sst s8  }
0x11: {  	[smem:$0x3FAB] =	sst s9;
	s0 =	simm.s32 @!p0 $0x0  }
0x12: {  	s1 =	sld [smem:$0x3F91];
	s0 =	simm.s32 @p0 $0x1  }
0x13: {  	[smem:$0x3FAC] =	sst s0;
	s0 =	simm.s32 @!p1 $0x0  }
0x14: {  	s2 =	sld [smem:$0x3F90];
	s0 =	simm.s32 @p1 $0x1  }
0x15: {  	[smem:$0x3FAD] =	sst s0;
	s0 =	simm.s32 @!p2 $0x0  }
0x16: {  	s3 =	sld [smem:$0x3FDB];
	s0 =	simm.s32 @p2 $0x1  }
0x17: {  	s4 =	simm.s32 $0x1BF5;
	[smem:$0x3FAF] =	sst s0  }
0x18: {  	s0 =	sld [smem:$0x3F92];
	_ =	swait.ge [sflag:s4], $0x0  }
0x19: {  	s7 =	sld [smem:$0x3F93]  }
0x1a: {  	s8 =	sadd.s32 $0xFFFFE003, lr  }
0x1b: {  	s9 =	sadd.s32 $0xFFFFFEF7, lr;
	s5 =	simm.s32 $0xFFFFFFFF;
	p2 =	slt.u32 s8, $0xFFFFF086  }
0x1c: {  	p1 =	slt.u32 s9, $0xF7A;
	s5 =	simm.s32 @!p2 $0x0  }
0x1d: {  	s5 =	simm.s32 @p1 $0x1;
	p0 =	seq.s32 s7, s2  }
0x1e: {  	s7 =	smul.u32 @!p0 $0xF7A, s2;
	p2 =	seq.s32 @!p0 s5, $0x0  }
0x1f: {  	s9 =	smul.u32 $0xF7A, s1;
	s8 =	simm.s32 @!p0 $0x1BF5;
	p2 =	por !p2, p0  }
0x20: {  	[sflag:s8] =	ssyncset.s32 @!p0 $0xFFFFF086;
	s6 =	sadd.s32 @!p0 s3, s7;
	s7 =	simm.s32 @!p0 $0x108  }
0x21: {  	s3 =	sadd.s32 s3, s9;
	s6 =	sadd.s32 @!p0 $0x88, s6;
	s7 =	simm.s32 @p2 $0x1082  }
0x22: {  	[simem:s7], [sflag:s8] =	dma.local @!p0 [hbm:s6], $0xF7A  }
0x23: {  	s9 =	sor.u32 $0xD0000000, s2;
	s6 =	simm.s32 $0x108;
	_ =	swait.ge @!p0 [sflag:s8], $0x0  }
0x24: {  	s3 =	sadd.s32 $0x88, s3;
	s6 =	simm.s32 @!p1 $0x1082;
	[sflag:s4] =	ssyncset.s32 $0xFFFFF086  }
0x25: {  	[simem:s6], [sflag:s4] =	dma.local [hbm:s3], $0xF7A  }
0x26: {  	[smem:$0x3F93] =	sst s1;
	(tag) =	ssettag s2;
	_ =	strace s9  }
0x27: {  	s1 =	sld [smem:$0x3FA3]  }
0x28: {  	s2 =	sld [smem:$0x3FA4]  }
0x29: {  	s4 =	sld [smem:$0x3FA6]  }
0x2a: {  	p0 =	seq.s32 s5, $0x0;
	s5 =	sld [smem:$0x3FA7]  }
0x2b: {  	s6 =	sld [smem:$0x3FA8]  }
0x2c: {  	s7 =	sld [smem:$0x3FA9]  }
0x2d: {  	s3 =	simm.s32 $0x108;
	s8 =	sld [smem:$0x3FAA]  }
0x2e: {  	s3 =	simm.s32 @!p0 $0x1082;
	s9 =	sld [smem:$0x3FAB]  }
0x2f: {  	lr =	sadd.s32 s0, s3;
	s0 =	sld [smem:$0x3FA2]  }
0x30: {  	s3 =	sld [smem:$0x3FA5]  }
0x31: {  	[smem:$0x3FAE] =	sst s10  }
0x32: {  	s10 =	sld [smem:$0x3FAC];
	_ =	sdelay $0x3  }
0x33: {  	p0 =	seq.s32 s10, $0x1;
	s10 =	sld [smem:$0x3FAE];
	_ =	sdelay $0x3  }
0x34: {  	[smem:$0x3FAE] =	sst s10  }
0x35: {  	s10 =	sld [smem:$0x3FAD];
	_ =	sdelay $0x3  }
0x36: {  	p1 =	seq.s32 s10, $0x1;
	s10 =	sld [smem:$0x3FAE];
	_ =	sdelay $0x3  }
0x37: {  	[smem:$0x3FAE] =	sst s10  }
0x38: {  	s10 =	sld [smem:$0x3FAF]  }
0x39: {  	_ = 	snop;
	(pc) =	sbr.ind lr, $3  }
0x3a: {  	_ = 	snop  }
0x3b: {  	_ = 	snop  }
0x3c: {  	p2 =	seq.s32 s10, $0x1;
	s10 =	sld [smem:$0x3FAE]  }
0x3d: {  	_ =	shalt  }
0x3e: {  	_ =	shalt  }
0x3f: {  	_ =	shalt  }
0x40: {  	_ =	shalt  }
0x41: {  	_ =	shalt  }
0x42: {  	_ =	shalt  }
0x43: {  	_ =	shalt  }
0x44: {  	_ =	shalt  }
0x45: {  	_ =	shalt  }
0x46: {  	_ =	shalt  }
0x47: {  	_ =	shalt  }
0x48: {  	_ =	shalt  }
0x49: {  	_ =	shalt  }
0x4a: {  	_ =	shalt  }
0x4b: {  	_ =	shalt  }
0x4c: {  	_ =	shalt  }
0x4d: {  	_ =	shalt  }
0x4e: {  	_ =	shalt  }
0x4f: {  	_ =	shalt  }
0x50: {  	_ =	shalt  }
0x51: {  	_ =	shalt  }
0x52: {  	_ =	shalt  }
0x53: {  	_ =	shalt  }
0x54: {  	_ =	shalt  }
0x55: {  	_ =	shalt  }
0x56: {  	_ =	shalt  }
0x57: {  	_ =	shalt  }
0x58: {  	_ =	shalt  }
0x59: {  	_ =	shalt  }
0x5a: {  	_ =	shalt  }
0x5b: {  	_ =	shalt  }
0x5c: {  	_ =	shalt  }
0x5d: {  	_ =	shalt  }
0x5e: {  	_ =	shalt  }
0x5f: {  	_ =	shalt  }
0x60: {  	_ =	shalt  }
0x61: {  	_ =	shalt  }
0x62: {  	_ =	shalt  }
0x63: {  	_ =	shalt  }
0x64: {  	_ =	shalt  }
0x65: {  	_ =	shalt  }
0x66: {  	_ =	shalt  }
0x67: {  	_ =	shalt  }
0x68: {  	_ =	shalt  }
0x69: {  	_ =	shalt  }
0x6a: {  	_ =	shalt  }
0x6b: {  	_ =	shalt  }
0x6c: {  	_ =	shalt  }
0x6d: {  	_ =	shalt  }
0x6e: {  	_ =	shalt  }
0x6f: {  	_ =	shalt  }
0x70: {  	_ =	shalt  }
0x71: {  	_ =	shalt  }
0x72: {  	_ =	shalt  }
0x73: {  	_ =	shalt  }
0x74: {  	_ =	shalt  }
0x75: {  	_ =	shalt  }
0x76: {  	_ =	shalt  }
0x77: {  	_ =	shalt  }
0x78: {  	_ =	shalt  }
0x79: {  	_ =	shalt  }
0x7a: {  	_ =	shalt  }
0x7b: {  	_ =	shalt  }
0x7c: {  	_ =	shalt  }
0x7d: {  	_ =	shalt  }
0x7e: {  	_ =	shalt  }
0x7f: {  	_ =	shalt  }
0x80: {  	_ =	shalt  }
0x81: {  	_ =	shalt  }
0x82: {  	_ =	shalt  }
0x83: {  	_ =	shalt  }
0x84: {  	_ =	shalt  }
0x85: {  	_ =	shalt  }
0x86: {  	_ =	shalt  }
0x87: {  	_ =	shalt  }
.Lfunc_end0:
.L_simem_size_0:
called_computation_lowered:
.L_overlay_start_0:
0x88: {  	s2 =	sld [smem:$0x3FD9]  }
0x89: {  	s3 =	sld [smem:$0x3FFE];
	_ =	sdelay $0x1  }
0x8a: {  	s1 =	srdreg.scid  }
0x8b: {  	s0 =	sand.u32 $0x1, s1  }
0x8c: {  	s16 =	sshll.u32 s0, $0xA;
	s2 =	sadd.s32 s3, s2  }
0x8d: {  	s2 =	sadd.s32 s2, s16  }
0x8e: {  	[smem:$0x3FBA] =	sst s2  }
0x8f: {  	_ = 	snop  }
0x90: {  	(tm) =	ssettm $0x1  }
0x91: {  	s17 =	sld [smem:$0x3FFB];
	_ =	sdelay $0x3  }
0x92: {  	_ =	strace s17  }
0x93: {  	s2 =	sld [smem:$0x3FFC];
	_ =	sdelay $0x3  }
0x94: {  	_ =	strace s2  }
0x95: {  	s2 =	sld [smem:$0x3FFD];
	_ =	sdelay $0x3  }
0x96: {  	_ =	strace s2  }
0x97: {  	_ =	strace $0x8FFFFFFF  }
0x98: {  	s18 =	sld [smem:$0x3FDB];
	_ =	sdelay $0x1  }
0x99: {  	s19 =	simm.s32 $_scs_section_size  }
0x9a: {  	s4 =	simm.s32 $_size__tile_overlayer_lowered;
	s5 =	simm.s32 $_tile_overlayer_lowered  }
0x9b: {  	s22 =	simm.s32 $0x1BFF;
	s21 =	sshll.u32 s5, $0x1;
	s2 =	sadd.s32 s19, s18  }
0x9c: {  	s6 =	simm.s32 $0x0;
	s20 =	sshll.u32 s4, $0x1;
	s4 =	sadd.s32 s21, s2  }
0x9d: {  	[timem:s6], [sflag:s22] =	dma.local [hbm:s4], s20  }
0x9e: {  	_ =	swait.ge [sflag:s22], s20  }
0x9f: {  	s3 =	ssub.s32 $0x0, s20;
	[sflag:s22] =	ssyncset.done $0x0  }
0xa0: {  	[sflag:s22] =	ssyncadd.s32 s3;
	_ =	sdelay $0x1  }
0xa1: {  	s23 =	simm.s32 $0x1B8B  }
0xa2: {  	_ =	swait.ge [sflag:s23], $0x1  }
0xa3: {  	[sflag:s23] =	ssyncset.done $0x0  }
0xa4: {  	s25 =	simm.s32 $0x1B8E;
	s24 =	sld [smem:$0x3FFE];
	[sflag:s23] =	ssyncadd.s32 $0xFFFFFFFF  }
0xa5: {  	s26 =	simm.s32 $execute0_lowered;
	[smem:$0x3FD2] =	sst s25  }
0xa6: {  	s4 =	sshll.u32 s26, $0x1;
	_ =	strace $0x80000046;
	[dreg:$0x1] =	wrdreg $0xFFFFFFFF  }
0xa7: {  	s28 =	simm.s32 $_size_execute0_lowered;
	s2 =	sadd.s32 s2, s4;
	[dreg:$0x0] =	wrdreg $0x0  }
0xa8: {  	s4 =	sshll.u32 s28, $0x1;
	[dreg:$0x2] =	wrdreg s2  }
0xa9: {  	[dreg:$0x3] =	wrdreg s4  }
0xaa: {  	[dreg:$0x4] =	wrdreg $0xC0  }
0xab: {  	_ =	task [dreg:s6], $0x5FFFF  }
0xac: {  	[dreg:$0x1] =	wrdreg $0xFFFFFFFF  }
0xad: {  	[dreg:$0x0] =	wrdreg $0x60  }
0xae: {  	[dreg:$0x2] =	wrdreg s24  }
0xaf: {  	[dreg:$0x3] =	wrdreg $0x40800  }
0xb0: {  	[dreg:$0x4] =	wrdreg $0x9  }
0xb1: {  	_ =	task.clear_ibuf [dreg:s6], $0x5FFFF;
	_ =	strace $0x90000046  }
0xb2: {  	s29 =	simm.s32 $0x9;
	_ =	strace $0x80000048  }
0xb3: {  	_ =	swait.ge [sflag:s29], $0x1  }
0xb4: {  	[sflag:s29] =	ssyncadd.s32 $0xFFFFFFFF  }
0xb5: {  	_ =	strace $0x90000048  }
0xb6: {  	_ =	sfence  }
0xb7: {  	s30 =	sld [smem:$0x0];
	_ =	sdelay $0x2  }
0xb8: {  	s31 =	sshll.u32 s1, $0xD;
	s1 =	sshrl.u32 s1, $0x2  }
0xb9: {  	s3 =	sand.u32 $0x4000, s31;
	s1 =	sadd.s32 s1, s30  }
0xba: {  	s0 =	sor.u32 s3, s0;
	s1 =	sshll.u32 s1, $0x11  }
0xbb: {  	s0 =	sor.u32 s1, s0  }
0xbc: {  	s0 =	sadd.s32 $0x8F2B, s0  }
0xbd: {  	[sflag:s0] =	ssyncadd.remote.s32 $0x1  }
0xbe: {  	_ =	sfence.sel $0xFFFF  }
0xbf: {  	[dreg:$0x0] =	wrdreg $0xFFFFFFFF;
	(pc) =	sbr.abs _section_cstart, $3  }
0xc0: {  	[dreg:$0x1] =	wrdreg $0xFFFFFFFF  }
0xc1: {  	_ =	task.clear_ibuf [dreg:s6], $0x2FFFF;
	_ =	strace $0x9FFFFFFF  }
0xc2: {  	(tm) =	ssettm $0x7FFFFFFF  }
0xc3: {  	_ =	shalt  }
tec
execute0_lowered:
.L_overlay_start_1:
0x0: {  	(tag) =	ssettag $0x1  }
0x1: {  	s6 =	rddreg [dreg:$0x0]  }
0x2: {  	s2 =	rddreg [dreg:$0x1]  }
0x3: {  	s0 =	rddreg [dreg:$0x2];
	s1 =	stileid.u32  }
0x4: {  	s4 =	srdreg.scid;
	s3 =	simm.s32 $0x0;
	s7 =	smul.u32 $0x2800, s1  }
0x5: {  	s14 =	simm.s32 $0x0;
	s8 =	sand.u32 $0x1, s4;
	s11 =	smul.u32 $0x50000, s1  }
0x6: {  	[smem:$0x7FF] =	sst s3;
	s4 =	sadd.s32 $0x6800, s6;
	s13 =	smul.u32 $0x500, s1  }
0x7: {  	s5 =	sadd.s32 $0x38800, s6;
	s31 =	sshll.u32 s1, $0x6;
	s9 =	smul.u32 $0x28000, s8  }
0x8: {  	_ =	strace $0x80000047;
	s10 =	ssub.s32 $0x2, s8;
	s30 =	smul.u32 $0x5000, s8  }
0x9: {  	s28 =	sshrl.u32 s10, $0x1;
	s29 =	sshrl.u32 s11, $0x2;
	s9 =	sadd.s32 s7, s9  }
0xa: {  	s7 =	sadd.s32 s7, s6;
	s10 =	ssub.s32 s10, s28;
	s12 =	sadd.s32 s29, s2  }
0xb: {  	s9 =	sadd.s32 s9, s6;
	s6 =	sadd.s32 $0x10800, s7;
	s7 =	sor.u32 $0x1C01, s31  }
0xc: {  	s11 =	sshrl.u32 s12, $0x3;
	s12 =	simm.s32 $0x1;
	s8 =	sadd.s32 $0x39000, s9  }
0xd: {  	s9 =	smax.u32 s10, $0x1;
	s10 =	sadd.s32 s13, s30;
	s13 =	simm.s32 $0x80  }
.LBB2_1:
0xe: {  	[spmem:s11], [sflag:s7] =	dma.local [hbm:s6], $0x2800  }
0xf: {  	_ =	swait.ge [sflag:s12], $0x2800  }
0x10: {  	[sflag:s12] =	ssyncset.done $0x0  }
0x11: {  	[sflag:s12] =	ssyncadd.s32 $0xFFFFD800  }
0x12: {  	[tilespmem:s13], [sflag:$0x1] =	stream.linear.gather [hbm4b:s5+s3], $0x4000, $0x38;
	[tilespmem:$0x18080] =	vst v63  }
0x13: {  	_ =	swait.ge [sflag:s12], $0x4000  }
0x14: {  	s15 =	sadd.s32 $0x0, s10;
	s16 =	sand.u32 $0x70, s3;
	[sflag:s12] =	ssyncset.done $0x0  }
0x15: {  	s15 =	sand.u32 $0xFFFFF80, s15;
	s16 =	sadd.s32 s4, s16;
	[sflag:s12] =	ssyncadd.s32 $0xFFFFC000  }
0x16: {  	s15 =	sadd.s32 s15, s16;
	[bflag:$0x0] =	sbarrier.arrive $0xFFFF  }
0x17: {  	[tilespmem:s3], [sflag:$0x1] =	stream.linear.gather [hbm4b:s15+s3], $0x80, $0x38;
	[tilespmem:$0x18080] =	vst v63  }
0x18: {  	_ =	swait.ge [sflag:s12], $0x80  }
0x19: {  	[sflag:s12] =	ssyncset.done $0x0  }
0x1a: {  	s31 =	simm.s32 $0x10;
	s17 =	sadd.s32 $0x10, s10;
	[sflag:s12] =	ssyncadd.s32 $0xFFFFFF80  }
0x1b: {  	[spmem:s2] =	stream.indirect.scatter.add.f32 [tilespmem:s13], [sflag:$0x1], $0x80, s3, s13, $0xb8;
	[tilespmem:$0x18080] =	vst v63  }
0x1c: {  	s18 =	sand.u32 $0x70, s31;
	s16 =	sand.u32 $0xFFFFF80, s17;
	_ =	swait.ge [sflag:s12], $0x4000  }
0x1d: {  	s17 =	sadd.s32 s4, s18;
	s15 =	simm.s32 $0x20;
	[sflag:s12] =	ssyncset.done $0x0  }
.LBB2_2:
0x1e: {  	s16 =	sadd.s32 s16, s17  }
0x1f: {  	[sflag:s12] =	ssyncadd.s32 $0xFFFFC000;
	s17 =	smov.u32 s15;
	s18 =	sadd.s32 $0x10, s15  }
0x20: {  	[tilespmem:s3], [sflag:$0x1] =	stream.linear.gather [hbm4b:s16+s3], $0x80, $0x38;
	[tilespmem:$0x18080] =	vst v63  }
0x21: {  	p0 =	sne.s32 s15, $0x4F0;
	_ =	swait.ge [sflag:s12], $0x80  }
.Ltmp0:
0x22: {  	[sflag:s12] =	ssyncset.done $0x0;
	(pc) =	sbr.rel @p0 .LBB2_2-.Ltmp0, $4  }
0x23: {  	s15 =	sadd.s32 s17, s10;
	[sflag:s12] =	ssyncadd.s32 $0xFFFFFF80  }
0x24: {  	[spmem:s2] =	stream.indirect.scatter.add.f32 [tilespmem:s13], [sflag:$0x1], $0x80, s3, s13, $0xb8;
	[tilespmem:$0x18080] =	vst v63  }
0x25: {  	s17 =	sand.u32 $0x70, s17;
	s16 =	sand.u32 $0xFFFFF80, s15;
	_ =	swait.ge [sflag:s12], $0x4000  }
0x26: {  	s17 =	sadd.s32 s4, s17;
	s15 =	smov.u32 s18;
	[sflag:s12] =	ssyncset.done $0x0  }
0x27: {  	s15 =	sadd.s32 s16, s17;
	[sflag:s12] =	ssyncadd.s32 $0xFFFFC000  }
0x28: {  	[tilespmem:s3], [sflag:$0x1] =	stream.linear.gather [hbm4b:s15+s3], $0x80, $0x38;
	[tilespmem:$0x18080] =	vst v63  }
0x29: {  	_ =	swait.ge [sflag:s12], $0x80  }
0x2a: {  	[sflag:s12] =	ssyncset.done $0x0  }
0x2b: {  	[sflag:s12] =	ssyncadd.s32 $0xFFFFFF80  }
0x2c: {  	[spmem:s2] =	stream.indirect.scatter.add.f32 [tilespmem:s13], [sflag:$0x1], $0x80, s3, s13, $0xb8;
	[tilespmem:$0x18080] =	vst v63  }
0x2d: {  	_ =	swait.ge [sflag:s12], $0x4000  }
0x2e: {  	s14 =	sadd.s32 $0x1, s14;
	[sflag:s12] =	ssyncset.done $0x0  }
0x2f: {  	p0 =	sne.s32 s14, s9;
	[sflag:s12] =	ssyncadd.s32 $0xFFFFC000  }
.Ltmp1:
0x30: {  	[bflag:$0x0] =	sbarrier.arrive $0xFFFF;
	(pc) =	sbr.rel @p0 .LBB2_1-.Ltmp1, $4  }
0x31: {  	[hbm:s8], [sflag:s7] =	dma.local [spmem:s11], $0x2800  }
0x32: {  	_ =	swait.ge [sflag:s12], $0x2800  }
0x33: {  	[sflag:s12] =	ssyncset.done $0x0  }
0x34: {  	[sflag:s12] =	ssyncadd.s32 $0xFFFFD800  }
0x35: {  	_ =	sfence.sel $0x180000  }
0x36: {  	[bflag:$0x0] =	sbarrier.arrive $0xFFFF  }
0x37: {  	p0 =	sne.s32 s1, $0x0;
	_ =	strace $0x90000047  }
0x38: {  	s0 =	sadd.s32 @!p0 $0x100000, s0;
	[bflag:$0x2] =	sbarrier.arrive $0xFFFF  }
0x39: {  	[sflag:s0] =	ssyncadd.tile.s32 @!p0 $0x1;
	_ =	shalt  }
.Lfunc_end2:
_tile_overlayer_lowered:
.L_overlay_start_2:
0x3a: {  	(tag) =	ssettag $0x2  }
0x3b: {  	s0 =	rddreg [dreg:$0x0];
	s2 =	stileid.u32  }
0x3c: {  	s1 =	rddreg [dreg:$0x1];
	p0 =	sne.s32 s2, $0x0  }
0x3d: {  	s3 =	rddreg [dreg:$0x2];
	[bflag:$0x3] =	sbarrier.arrive $0xFFFF;
	s2 =	simm.s32 @!p0 $0x1C01  }
0x3e: {  	[timem:s3], [sflag:s2] =	dma.local @!p0 [hbm:s0], s1  }
0x3f: {  	s0 =	simm.s32 @!p0 $0x1  }
0x40: {  	_ =	swait.ge @!p0 [sflag:s0], s1  }
0x41: {  	s1 =	ssub.s32 @!p0 $0x0, s1;
	[sflag:s0] =	ssyncset.done @!p0 $0x0  }
0x42: {  	[sflag:s0] =	ssyncadd.s32 @!p0 s1  }
0x43: {  	[bflag:$0x3] =	sbarrier.arrive $0xFFFF  }
0x44: {  	_ =	shalt  }

// kernel: kernel.15.cloned.1.call-start
scs
__scs_entry_jumppad:
0x0: {  	(pc) =	sbr.rel $0x88, $3  }
0x1: {  	(tag) =	ssettag $0x0;
	lr =	simm.s32 $0x1  }
0x2: {  	[smem:$0x3F93] =	sst lr;
	_ =	strace $0xD0000000  }
0x3: {  	_ = 	snop  }
0x4: {  	_ = 	snop  }
0x5: {  	_ = 	snop  }
0x6: {  	_ = 	snop  }
0x7: {  	_ = 	snop  }
__scs_overlays_trampoline_lowered:
0x8: {  	[smem:$0x3FA2] =	sst s0  }
0x9: {  	[smem:$0x3FA3] =	sst s1  }
0xa: {  	[smem:$0x3FA4] =	sst s2  }
0xb: {  	[smem:$0x3FA5] =	sst s3  }
0xc: {  	[smem:$0x3FA6] =	sst s4  }
0xd: {  	[smem:$0x3FA7] =	sst s5  }
0xe: {  	[smem:$0x3FA8] =	sst s6  }
0xf: {  	[smem:$0x3FA9] =	sst s7  }
0x10: {  	[smem:$0x3FAA] =	sst s8  }
0x11: {  	[smem:$0x3FAB] =	sst s9;
	s0 =	simm.s32 @!p0 $0x0  }
0x12: {  	s1 =	sld [smem:$0x3F91];
	s0 =	simm.s32 @p0 $0x1  }
0x13: {  	[smem:$0x3FAC] =	sst s0;
	s0 =	simm.s32 @!p1 $0x0  }
0x14: {  	s2 =	sld [smem:$0x3F90];
	s0 =	simm.s32 @p1 $0x1  }
0x15: {  	[smem:$0x3FAD] =	sst s0;
	s0 =	simm.s32 @!p2 $0x0  }
0x16: {  	s3 =	sld [smem:$0x3FDB];
	s0 =	simm.s32 @p2 $0x1  }
0x17: {  	s4 =	simm.s32 $0x1BF5;
	[smem:$0x3FAF] =	sst s0  }
0x18: {  	s0 =	sld [smem:$0x3F92];
	_ =	swait.ge [sflag:s4], $0x0  }
0x19: {  	s7 =	sld [smem:$0x3F93]  }
0x1a: {  	s8 =	sadd.s32 $0xFFFFE003, lr  }
0x1b: {  	s9 =	sadd.s32 $0xFFFFFEF7, lr;
	s5 =	simm.s32 $0xFFFFFFFF;
	p2 =	slt.u32 s8, $0xFFFFF086  }
0x1c: {  	p1 =	slt.u32 s9, $0xF7A;
	s5 =	simm.s32 @!p2 $0x0  }
0x1d: {  	s5 =	simm.s32 @p1 $0x1;
	p0 =	seq.s32 s7, s2  }
0x1e: {  	s7 =	smul.u32 @!p0 $0xF7A, s2;
	p2 =	seq.s32 @!p0 s5, $0x0  }
0x1f: {  	s9 =	smul.u32 $0xF7A, s1;
	s8 =	simm.s32 @!p0 $0x1BF5;
	p2 =	por !p2, p0  }
0x20: {  	[sflag:s8] =	ssyncset.s32 @!p0 $0xFFFFF086;
	s6 =	sadd.s32 @!p0 s3, s7;
	s7 =	simm.s32 @!p0 $0x108  }
0x21: {  	s3 =	sadd.s32 s3, s9;
	s6 =	sadd.s32 @!p0 $0x88, s6;
	s7 =	simm.s32 @p2 $0x1082  }
0x22: {  	[simem:s7], [sflag:s8] =	dma.local @!p0 [hbm:s6], $0xF7A  }
0x23: {  	s9 =	sor.u32 $0xD0000000, s2;
	s6 =	simm.s32 $0x108;
	_ =	swait.ge @!p0 [sflag:s8], $0x0  }
0x24: {  	s3 =	sadd.s32 $0x88, s3;
	s6 =	simm.s32 @!p1 $0x1082;
	[sflag:s4] =	ssyncset.s32 $0xFFFFF086  }
0x25: {  	[simem:s6], [sflag:s4] =	dma.local [hbm:s3], $0xF7A  }
0x26: {  	[smem:$0x3F93] =	sst s1;
	(tag) =	ssettag s2;
	_ =	strace s9  }
0x27: {  	s1 =	sld [smem:$0x3FA3]  }
0x28: {  	s2 =	sld [smem:$0x3FA4]  }
0x29: {  	s4 =	sld [smem:$0x3FA6]  }
0x2a: {  	p0 =	seq.s32 s5, $0x0;
	s5 =	sld [smem:$0x3FA7]  }
0x2b: {  	s6 =	sld [smem:$0x3FA8]  }
0x2c: {  	s7 =	sld [smem:$0x3FA9]  }
0x2d: {  	s3 =	simm.s32 $0x108;
	s8 =	sld [smem:$0x3FAA]  }
0x2e: {  	s3 =	simm.s32 @!p0 $0x1082;
	s9 =	sld [smem:$0x3FAB]  }
0x2f: {  	lr =	sadd.s32 s0, s3;
	s0 =	sld [smem:$0x3FA2]  }
0x30: {  	s3 =	sld [smem:$0x3FA5]  }
0x31: {  	[smem:$0x3FAE] =	sst s10  }
0x32: {  	s10 =	sld [smem:$0x3FAC];
	_ =	sdelay $0x3  }
0x33: {  	p0 =	seq.s32 s10, $0x1;
	s10 =	sld [smem:$0x3FAE];
	_ =	sdelay $0x3  }
0x34: {  	[smem:$0x3FAE] =	sst s10  }
0x35: {  	s10 =	sld [smem:$0x3FAD];
	_ =	sdelay $0x3  }
0x36: {  	p1 =	seq.s32 s10, $0x1;
	s10 =	sld [smem:$0x3FAE];
	_ =	sdelay $0x3  }
0x37: {  	[smem:$0x3FAE] =	sst s10  }
0x38: {  	s10 =	sld [smem:$0x3FAF]  }
0x39: {  	_ = 	snop;
	(pc) =	sbr.ind lr, $3  }
0x3a: {  	_ = 	snop  }
0x3b: {  	_ = 	snop  }
0x3c: {  	p2 =	seq.s32 s10, $0x1;
	s10 =	sld [smem:$0x3FAE]  }
0x3d: {  	_ =	shalt  }
0x3e: {  	_ =	shalt  }
0x3f: {  	_ =	shalt  }
0x40: {  	_ =	shalt  }
0x41: {  	_ =	shalt  }
0x42: {  	_ =	shalt  }
0x43: {  	_ =	shalt  }
0x44: {  	_ =	shalt  }
0x45: {  	_ =	shalt  }
0x46: {  	_ =	shalt  }
0x47: {  	_ =	shalt  }
0x48: {  	_ =	shalt  }
0x49: {  	_ =	shalt  }
0x4a: {  	_ =	shalt  }
0x4b: {  	_ =	shalt  }
0x4c: {  	_ =	shalt  }
0x4d: {  	_ =	shalt  }
0x4e: {  	_ =	shalt  }
0x4f: {  	_ =	shalt  }
0x50: {  	_ =	shalt  }
0x51: {  	_ =	shalt  }
0x52: {  	_ =	shalt  }
0x53: {  	_ =	shalt  }
0x54: {  	_ =	shalt  }
0x55: {  	_ =	shalt  }
0x56: {  	_ =	shalt  }
0x57: {  	_ =	shalt  }
0x58: {  	_ =	shalt  }
0x59: {  	_ =	shalt  }
0x5a: {  	_ =	shalt  }
0x5b: {  	_ =	shalt  }
0x5c: {  	_ =	shalt  }
0x5d: {  	_ =	shalt  }
0x5e: {  	_ =	shalt  }
0x5f: {  	_ =	shalt  }
0x60: {  	_ =	shalt  }
0x61: {  	_ =	shalt  }
0x62: {  	_ =	shalt  }
0x63: {  	_ =	shalt  }
0x64: {  	_ =	shalt  }
0x65: {  	_ =	shalt  }
0x66: {  	_ =	shalt  }
0x67: {  	_ =	shalt  }
0x68: {  	_ =	shalt  }
0x69: {  	_ =	shalt  }
0x6a: {  	_ =	shalt  }
0x6b: {  	_ =	shalt  }
0x6c: {  	_ =	shalt  }
0x6d: {  	_ =	shalt  }
0x6e: {  	_ =	shalt  }
0x6f: {  	_ =	shalt  }
0x70: {  	_ =	shalt  }
0x71: {  	_ =	shalt  }
0x72: {  	_ =	shalt  }
0x73: {  	_ =	shalt  }
0x74: {  	_ =	shalt  }
0x75: {  	_ =	shalt  }
0x76: {  	_ =	shalt  }
0x77: {  	_ =	shalt  }
0x78: {  	_ =	shalt  }
0x79: {  	_ =	shalt  }
0x7a: {  	_ =	shalt  }
0x7b: {  	_ =	shalt  }
0x7c: {  	_ =	shalt  }
0x7d: {  	_ =	shalt  }
0x7e: {  	_ =	shalt  }
0x7f: {  	_ =	shalt  }
0x80: {  	_ =	shalt  }
0x81: {  	_ =	shalt  }
0x82: {  	_ =	shalt  }
0x83: {  	_ =	shalt  }
0x84: {  	_ =	shalt  }
0x85: {  	_ =	shalt  }
0x86: {  	_ =	shalt  }
0x87: {  	_ =	shalt  }
.Lfunc_end0:
.L_simem_size_0:
called_computation.1_lowered:
.L_overlay_start_0:
0x88: {  	s2 =	sld [smem:$0x3FD9]  }
0x89: {  	s3 =	sld [smem:$0x3FFE];
	_ =	sdelay $0x1  }
0x8a: {  	s1 =	srdreg.scid  }
0x8b: {  	s0 =	sand.u32 $0x1, s1  }
0x8c: {  	s17 =	sshll.u32 s0, $0xA;
	s2 =	sadd.s32 s3, s2  }
0x8d: {  	s2 =	sadd.s32 s2, s17  }
0x8e: {  	[smem:$0x3FBA] =	sst s2  }
0x8f: {  	_ = 	snop  }
0x90: {  	s2 =	sld [smem:$0x3FD0];
	(tm) =	ssettm $0x1  }
0x91: {  	s18 =	sld [smem:$0x3FFB];
	_ =	sdelay $0x3  }
0x92: {  	_ =	strace s18  }
0x93: {  	s3 =	sld [smem:$0x3FFC];
	_ =	sdelay $0x3  }
0x94: {  	_ =	strace s3  }
0x95: {  	s3 =	sld [smem:$0x3FFD];
	_ =	sdelay $0x3  }
0x96: {  	_ =	strace s3  }
0x97: {  	_ =	strace $0x8FFFFFFF  }
0x98: {  	s19 =	sld [smem:$0x3FDB];
	_ =	sdelay $0x1  }
0x99: {  	s4 =	simm.s32 $_scs_section_size  }
0x9a: {  	s5 =	simm.s32 $_size__tile_overlayer_lowered;
	s6 =	simm.s32 $_tile_overlayer_lowered  }
0x9b: {  	s22 =	simm.s32 $0x1BFF;
	s21 =	sshll.u32 s6, $0x1;
	s3 =	sadd.s32 s4, s19  }
0x9c: {  	s7 =	simm.s32 $0x0;
	s20 =	sshll.u32 s5, $0x1;
	s5 =	sadd.s32 s21, s3  }
0x9d: {  	[timem:s7], [sflag:s22] =	dma.local [hbm:s5], s20  }
0x9e: {  	_ =	swait.ge [sflag:s22], s20  }
0x9f: {  	s4 =	ssub.s32 $0x0, s20;
	[sflag:s22] =	ssyncset.done $0x0  }
0xa0: {  	[sflag:s22] =	ssyncadd.s32 s4;
	_ =	sdelay $0x1  }
0xa1: {  	s23 =	simm.s32 $0x1B8B  }
0xa2: {  	_ =	swait.ge [sflag:s23], $0x1  }
0xa3: {  	[sflag:s23] =	ssyncset.done $0x0  }
0xa4: {  	s25 =	simm.s32 $0x1B8E;
	s24 =	sld [smem:$0x3FFE];
	[sflag:s23] =	ssyncadd.s32 $0xFFFFFFFF  }
0xa5: {  	s26 =	simm.s32 $execute0_lowered;
	[smem:$0x3FD2] =	sst s25  }
0xa6: {  	s5 =	sshll.u32 s26, $0x1;
	_ =	strace $0x80000049;
	[dreg:$0x1] =	wrdreg $0xFFFFFFFF  }
0xa7: {  	s28 =	simm.s32 $_size_execute0_lowered;
	s3 =	sadd.s32 s3, s5;
	[dreg:$0x0] =	wrdreg $0x0  }
0xa8: {  	s5 =	sshll.u32 s28, $0x1;
	[dreg:$0x2] =	wrdreg s3  }
0xa9: {  	[dreg:$0x3] =	wrdreg s5  }
0xaa: {  	[dreg:$0x4] =	wrdreg $0xC0  }
0xab: {  	_ =	task [dreg:s7], $0x5FFFF  }
0xac: {  	[dreg:$0x1] =	wrdreg $0xFFFFFFFF  }
0xad: {  	[dreg:$0x0] =	wrdreg $0x60  }
0xae: {  	[dreg:$0x2] =	wrdreg s2  }
0xaf: {  	[dreg:$0x3] =	wrdreg s24  }
0xb0: {  	[dreg:$0x4] =	wrdreg $0x82000  }
0xb1: {  	[dreg:$0x5] =	wrdreg $0x9  }
0xb2: {  	_ =	task.clear_ibuf [dreg:s7], $0x6FFFF;
	_ =	strace $0x90000049  }
0xb3: {  	s29 =	simm.s32 $0x9;
	_ =	strace $0x8000004B  }
0xb4: {  	_ =	swait.ge [sflag:s29], $0x1  }
0xb5: {  	[sflag:s29] =	ssyncadd.s32 $0xFFFFFFFF  }
0xb6: {  	_ =	strace $0x9000004B  }
0xb7: {  	_ =	sfence  }
0xb8: {  	s30 =	sld [smem:$0x0];
	_ =	sdelay $0x2  }
0xb9: {  	s31 =	sshll.u32 s1, $0xD;
	s1 =	sshrl.u32 s1, $0x2  }
0xba: {  	s3 =	sand.u32 $0x4000, s31;
	s1 =	sadd.s32 s1, s30  }
0xbb: {  	s0 =	sor.u32 s3, s0;
	s1 =	sshll.u32 s1, $0x11  }
0xbc: {  	s0 =	sor.u32 s1, s0  }
0xbd: {  	s0 =	sadd.s32 $0x8F2B, s0  }
0xbe: {  	[sflag:s0] =	ssyncadd.remote.s32 $0x1  }
0xbf: {  	_ =	sfence.sel $0xFFFF  }
0xc0: {  	[dreg:$0x0] =	wrdreg $0xFFFFFFFF;
	(pc) =	sbr.abs _section_cstart, $3  }
0xc1: {  	[dreg:$0x1] =	wrdreg $0xFFFFFFFF  }
0xc2: {  	_ =	task.clear_ibuf [dreg:s7], $0x2FFFF;
	_ =	strace $0x9FFFFFFF  }
0xc3: {  	(tm) =	ssettm $0x7FFFFFFF  }
tec
execute0_lowered:
.L_overlay_start_1:
0x0: {  	(tag) =	ssettag $0x1  }
0x1: {  	s12 =	rddreg [dreg:$0x0]  }
0x2: {  	s5 =	rddreg [dreg:$0x1]  }
0x3: {  	s2 =	rddreg [dreg:$0x2]  }
0x4: {  	s0 =	rddreg [dreg:$0x3];
	s3 =	simm.s32 $0x0;
	s1 =	stileid.u32  }
0x5: {  	s4 =	srdreg.scid;
	s19 =	simm.s32 $0x100;
	s20 =	simm.s32 $0x180  }
0x6: {  	s21 =	simm.s32 $0x4200;
	s22 =	simm.s32 $0x1;
	s23 =	simm.s32 $0x3  }
0x7: {  	[smem:$0x7FF] =	sst s3;
	s6 =	smul.u32 $0x2800, s1;
	s9 =	sand.u32 $0x1, s4  }
0x8: {  	s13 =	sadd.s32 $0x6800, s5;
	s4 =	sadd.s32 $0x38800, s5;
	s10 =	smul.u32 $0x50000, s1  }
0x9: {  	s29 =	sshll.u32 s1, $0x6;
	s17 =	smul.u32 $0x500, s1;
	_ =	strace $0x8000004A  }
0xa: {  	s7 =	smul.u32 $0x28000, s9;
	s24 =	sshll.u32 s9, $0x4;
	s25 =	ssub.s32 $0x2, s9  }
0xb: {  	s31 =	smul.u32 $0x5000, s9;
	s8 =	sadd.s32 s6, s5;
	s26 =	sor.u32 s1, s24  }
0xc: {  	s28 =	sshrl.u32 s25, $0x1;
	s10 =	sshrl.u32 s10, $0x2;
	s24 =	simm.s32 $0x2  }
0xd: {  	s6 =	sadd.s32 s6, s7;
	s14 =	smul.u32 $0x500, s26;
	s15 =	ssub.s32 s25, s28  }
0xe: {  	s16 =	sadd.s32 s10, s2;
	s18 =	sadd.s32 s31, s12;
	s25 =	simm.s32 $0x4  }
0xf: {  	s26 =	simm.s32 $0x0;
	s11 =	sadd.s32 s6, s5;
	s5 =	sadd.s32 $0x10800, s8  }
0x10: {  	s6 =	sor.u32 $0x1C05, s29;
	s7 =	sadd.s32 s12, s14;
	s8 =	sadd.s32 s13, s14  }
0x11: {  	s30 =	sor.u32 $0x10, s14;
	s11 =	sadd.s32 $0x89200, s11;
	s14 =	sadd.s32 s31, s13  }
0x12: {  	s9 =	sadd.s32 s12, s30;
	s10 =	sadd.s32 s13, s30;
	s12 =	smax.u32 s15, $0x1  }
0x13: {  	s13 =	sadd.s32 s17, s18;
	s14 =	sadd.s32 s17, s14;
	s15 =	sshrl.u32 s16, $0x3  }
0x14: {  	s16 =	simm.s32 $0x5;
	s17 =	simm.s32 $0x80;
	s18 =	simm.s32 $0x200  }
.LBB2_1:
0x15: {  	[spmem:s15], [sflag:s6] =	dma.local [hbm:s5], $0x2800  }
0x16: {  	_ =	swait.ge [sflag:s16], $0x2800  }
0x17: {  	[sflag:s16] =	ssyncset.done $0x0  }
0x18: {  	[sflag:s16] =	ssyncadd.s32 $0xFFFFD800  }
0x19: {  	[bflag:$0x0] =	sbarrier.arrive $0xFFFF  }
0x1a: {  	[tilespmem:s3], [sflag:$0x5] =	stream.linear.gather [hbm4b:s7+s3], $0x80, $0x38;
	[tilespmem:$0x1C200] =	vst v63  }
0x1b: {  	_ =	swait.ge [sflag:s16], $0x80  }
0x1c: {  	[sflag:s16] =	ssyncset.done $0x0  }
0x1d: {  	[sflag:s16] =	ssyncadd.s32 $0xFFFFFF80  }
0x1e: {  	[tilespmem:s17], [sflag:$0x5] =	stream.linear.gather [hbm4b:s8+s3], $0x80, $0x38;
	[tilespmem:$0x1C200] =	vst v63  }
0x1f: {  	_ =	swait.ge [sflag:s16], $0x80  }
0x20: {  	[sflag:s16] =	ssyncset.done $0x0  }
0x21: {  	[sflag:s16] =	ssyncadd.s32 $0xFFFFFF80  }
0x22: {  	[tilespmem:s18], [sflag:$0x1] =	stream.indirect.gather [hbm4b:s4+s17], $0x80, s3, s17, $0xb8;
	[tilespmem:$0x1C200] =	vst v63  }
0x23: {  	_ = 	snop  }
0x24: {  	[tilespmem:s19], [sflag:$0x5] =	stream.linear.gather [hbm4b:s9+s3], $0x80, $0x38;
	[tilespmem:$0x1C200] =	vst v63  }
0x25: {  	_ =	swait.ge [sflag:s16], $0x80  }
0x26: {  	[sflag:s16] =	ssyncset.done $0x0  }
0x27: {  	[sflag:s16] =	ssyncadd.s32 $0xFFFFFF80  }
0x28: {  	[tilespmem:s20], [sflag:$0x5] =	stream.linear.gather [hbm4b:s10+s3], $0x80, $0x38;
	[tilespmem:$0x1C200] =	vst v63  }
0x29: {  	_ =	swait.ge [sflag:s16], $0x80  }
0x2a: {  	[sflag:s16] =	ssyncset.done $0x0  }
0x2b: {  	[sflag:s16] =	ssyncadd.s32 $0xFFFFFF80  }
0x2c: {  	[tilespmem:s21], [sflag:$0x2] =	stream.indirect.gather [hbm4b:s4+s17], $0x80, s19, s17, $0xb8;
	[tilespmem:$0x1C200] =	vst v63  }
0x2d: {  	_ =	swait.ge [sflag:s22], $0x4000  }
0x2e: {  	[sflag:s22] =	ssyncset.done $0x0  }
0x2f: {  	[sflag:s22] =	ssyncadd.s32 $0xFFFFC000  }
0x30: {  	[spmem:s2] =	stream.indirect.scatter.add.f32 [tilespmem:s18], [sflag:$0x3], $0x80, s17, s17, $0xb8;
	[tilespmem:$0x1C200] =	vst v63  }
0x31: {  	_ =	swait.ge [sflag:s23], $0x4000  }
0x32: {  	s28 =	sadd.s32 $0x0, s13;
	[sflag:s23] =	ssyncset.done $0x0  }
0x33: {  	s29 =	sadd.s32 $0x20, s28;
	[sflag:s23] =	ssyncadd.s32 $0xFFFFC000  }
0x34: {  	[tilespmem:s3], [sflag:$0x5] =	stream.linear.gather [hbm4b:s29+s3], $0x80, $0x38;
	[tilespmem:$0x1C200] =	vst v63  }
0x35: {  	_ =	swait.ge [sflag:s16], $0x80  }
0x36: {  	s31 =	sadd.s32 $0x0, s14;
	[sflag:s16] =	ssyncset.done $0x0  }
0x37: {  	s30 =	sadd.s32 $0x20, s31;
	[sflag:s16] =	ssyncadd.s32 $0xFFFFFF80  }
0x38: {  	[tilespmem:s17], [sflag:$0x5] =	stream.linear.gather [hbm4b:s30+s3], $0x80, $0x38;
	[tilespmem:$0x1C200] =	vst v63  }
0x39: {  	_ =	swait.ge [sflag:s16], $0x80  }
0x3a: {  	[sflag:s16] =	ssyncset.done $0x0  }
0x3b: {  	[sflag:s16] =	ssyncadd.s32 $0xFFFFFF80  }
0x3c: {  	[tilespmem:s18], [sflag:$0x1] =	stream.indirect.gather [hbm4b:s4+s17], $0x80, s3, s17, $0xb8;
	[tilespmem:$0x1C200] =	vst v63  }
0x3d: {  	_ =	swait.ge [sflag:s24], $0x4000  }
0x3e: {  	[sflag:s24] =	ssyncset.done $0x0  }
0x3f: {  	[sflag:s24] =	ssyncadd.s32 $0xFFFFC000  }
0x40: {  	[spmem:s2] =	stream.indirect.scatter.add.f32 [tilespmem:s21], [sflag:$0x4], $0x80, s20, s17, $0xb8;
	[tilespmem:$0x1C200] =	vst v63  }
0x41: {  	_ =	swait.ge [sflag:s25], $0x4000  }
0x42: {  	[sflag:s25] =	ssyncset.done $0x0  }
0x43: {  	s28 =	sadd.s32 $0x30, s28;
	[sflag:s25] =	ssyncadd.s32 $0xFFFFC000  }
0x44: {  	[tilespmem:s19], [sflag:$0x5] =	stream.linear.gather [hbm4b:s28+s3], $0x80, $0x38;
	[tilespmem:$0x1C200] =	vst v63  }
0x45: {  	_ =	swait.ge [sflag:s16], $0x80  }
0x46: {  	[sflag:s16] =	ssyncset.done $0x0  }
0x47: {  	s28 =	sadd.s32 $0x30, s31;
	[sflag:s16] =	ssyncadd.s32 $0xFFFFFF80  }
0x48: {  	[tilespmem:s20], [sflag:$0x5] =	stream.linear.gather [hbm4b:s28+s3], $0x80, $0x38;
	[tilespmem:$0x1C200] =	vst v63  }
0x49: {  	_ =	swait.ge [sflag:s16], $0x80  }
0x4a: {  	[sflag:s16] =	ssyncset.done $0x0  }
0x4b: {  	s28 =	simm.s32 $0x20;
	[sflag:s16] =	ssyncadd.s32 $0xFFFFFF80  }
.LBB2_2:
0x4c: {  	[tilespmem:s21], [sflag:$0x2] =	stream.indirect.gather [hbm4b:s4+s17], $0x80, s19, s17, $0xb8;
	[tilespmem:$0x1C200] =	vst v63  }
0x4d: {  	s29 =	smov.u32 s28  }
0x4e: {  	p0 =	sne.s32 s28, $0x4C0;
	s28 =	sadd.s32 $0x20, s28;
	_ =	swait.ge [sflag:s22], $0x4000  }
0x4f: {  	[sflag:s22] =	ssyncset.done $0x0  }
0x50: {  	[sflag:s22] =	ssyncadd.s32 $0xFFFFC000  }
0x51: {  	[spmem:s2] =	stream.indirect.scatter.add.f32 [tilespmem:s18], [sflag:$0x3], $0x80, s17, s17, $0xb8;
	[tilespmem:$0x1C200] =	vst v63  }
0x52: {  	_ =	swait.ge [sflag:s23], $0x4000  }
0x53: {  	s30 =	sadd.s32 s29, s13;
	[sflag:s23] =	ssyncset.done $0x0  }
0x54: {  	s31 =	sadd.s32 $0x20, s30;
	[sflag:s23] =	ssyncadd.s32 $0xFFFFC000  }
0x55: {  	[tilespmem:s3], [sflag:$0x5] =	stream.linear.gather [hbm4b:s31+s3], $0x80, $0x38;
	[tilespmem:$0x1C200] =	vst v63  }
0x56: {  	_ =	swait.ge [sflag:s16], $0x80  }
0x57: {  	s29 =	sadd.s32 s29, s14;
	[sflag:s16] =	ssyncset.done $0x0  }
0x58: {  	s31 =	sadd.s32 $0x20, s29;
	[sflag:s16] =	ssyncadd.s32 $0xFFFFFF80  }
0x59: {  	[tilespmem:s17], [sflag:$0x5] =	stream.linear.gather [hbm4b:s31+s3], $0x80, $0x38;
	[tilespmem:$0x1C200] =	vst v63  }
0x5a: {  	_ =	swait.ge [sflag:s16], $0x80  }
0x5b: {  	[sflag:s16] =	ssyncset.done $0x0  }
0x5c: {  	[sflag:s16] =	ssyncadd.s32 $0xFFFFFF80  }
0x5d: {  	[tilespmem:s18], [sflag:$0x1] =	stream.indirect.gather [hbm4b:s4+s17], $0x80, s3, s17, $0xb8;
	[tilespmem:$0x1C200] =	vst v63  }
0x5e: {  	_ =	swait.ge [sflag:s24], $0x4000  }
0x5f: {  	[sflag:s24] =	ssyncset.done $0x0  }
0x60: {  	[sflag:s24] =	ssyncadd.s32 $0xFFFFC000  }
0x61: {  	[spmem:s2] =	stream.indirect.scatter.add.f32 [tilespmem:s21], [sflag:$0x4], $0x80, s20, s17, $0xb8;
	[tilespmem:$0x1C200] =	vst v63  }
0x62: {  	_ =	swait.ge [sflag:s25], $0x4000  }
0x63: {  	[sflag:s25] =	ssyncset.done $0x0  }
0x64: {  	s30 =	sadd.s32 $0x30, s30;
	[sflag:s25] =	ssyncadd.s32 $0xFFFFC000  }
0x65: {  	[tilespmem:s19], [sflag:$0x5] =	stream.linear.gather [hbm4b:s30+s3], $0x80, $0x38;
	[tilespmem:$0x1C200] =	vst v63  }
0x66: {  	_ =	swait.ge [sflag:s16], $0x80  }
0x67: {  	[sflag:s16] =	ssyncset.done $0x0  }
.Ltmp0:
0x68: {  	s29 =	sadd.s32 $0x30, s29;
	[sflag:s16] =	ssyncadd.s32 $0xFFFFFF80;
	(pc) =	sbr.rel @p0 .LBB2_2-.Ltmp0, $4  }
0x69: {  	[tilespmem:s20], [sflag:$0x5] =	stream.linear.gather [hbm4b:s29+s3], $0x80, $0x38;
	[tilespmem:$0x1C200] =	vst v63  }
0x6a: {  	_ =	swait.ge [sflag:s16], $0x80  }
0x6b: {  	[sflag:s16] =	ssyncset.done $0x0  }
0x6c: {  	[sflag:s16] =	ssyncadd.s32 $0xFFFFFF80  }
0x6d: {  	[tilespmem:s21], [sflag:$0x2] =	stream.indirect.gather [hbm4b:s4+s17], $0x80, s19, s17, $0xb8;
	[tilespmem:$0x1C200] =	vst v63  }
0x6e: {  	_ =	swait.ge [sflag:s22], $0x4000  }
0x6f: {  	[sflag:s22] =	ssyncset.done $0x0  }
0x70: {  	[sflag:s22] =	ssyncadd.s32 $0xFFFFC000  }
0x71: {  	[spmem:s2] =	stream.indirect.scatter.add.f32 [tilespmem:s18], [sflag:$0x3], $0x80, s17, s17, $0xb8;
	[tilespmem:$0x1C200] =	vst v63  }
0x72: {  	_ =	swait.ge [sflag:s24], $0x4000  }
0x73: {  	[sflag:s24] =	ssyncset.done $0x0  }
0x74: {  	[sflag:s24] =	ssyncadd.s32 $0xFFFFC000  }
0x75: {  	[spmem:s2] =	stream.indirect.scatter.add.f32 [tilespmem:s21], [sflag:$0x4], $0x80, s20, s17, $0xb8;
	[tilespmem:$0x1C200] =	vst v63  }
0x76: {  	_ =	swait.ge [sflag:s23], $0x4000  }
0x77: {  	[sflag:s23] =	ssyncset.done $0x0  }
0x78: {  	[sflag:s23] =	ssyncadd.s32 $0xFFFFC000  }
0x79: {  	_ =	swait.ge [sflag:s25], $0x4000  }
0x7a: {  	s26 =	sadd.s32 $0x1, s26;
	[sflag:s25] =	ssyncset.done $0x0  }
0x7b: {  	p0 =	sne.s32 s26, s12;
	[sflag:s25] =	ssyncadd.s32 $0xFFFFC000  }
.Ltmp1:
0x7c: {  	[bflag:$0x0] =	sbarrier.arrive $0xFFFF;
	(pc) =	sbr.rel @p0 .LBB2_1-.Ltmp1, $4  }
0x7d: {  	[hbm:s11], [sflag:s6] =	dma.local [spmem:s15], $0x2800  }
0x7e: {  	_ =	swait.ge [sflag:s16], $0x2800  }
0x7f: {  	[sflag:s16] =	ssyncset.done $0x0  }
0x80: {  	[sflag:s16] =	ssyncadd.s32 $0xFFFFD800  }
0x81: {  	_ =	sfence.sel $0x180000  }
0x82: {  	[bflag:$0x0] =	sbarrier.arrive $0xFFFF  }
0x83: {  	p0 =	sne.s32 s1, $0x0;
	_ =	strace $0x9000004A  }
0x84: {  	s0 =	sadd.s32 @!p0 $0x100000, s0;
	[bflag:$0x2] =	sbarrier.arrive $0xFFFF  }
0x85: {  	[sflag:s0] =	ssyncadd.tile.s32 @!p0 $0x1;
	_ =	shalt  }
.Lfunc_end2:
_tile_overlayer_lowered:
.L_overlay_start_2:
0x86: {  	(tag) =	ssettag $0x2  }
0x87: {  	s0 =	rddreg [dreg:$0x0];
	s2 =	stileid.u32  }
0x88: {  	s1 =	rddreg [dreg:$0x1];
	p0 =	sne.s32 s2, $0x0  }
0x89: {  	s3 =	rddreg [dreg:$0x2];
	[bflag:$0x3] =	sbarrier.arrive $0xFFFF;
	s2 =	simm.s32 @!p0 $0x1C05  }
0x8a: {  	[timem:s3], [sflag:s2] =	dma.local @!p0 [hbm:s0], s1  }
0x8b: {  	s0 =	simm.s32 @!p0 $0x5  }
0x8c: {  	_ =	swait.ge @!p0 [sflag:s0], s1  }
0x8d: {  	s1 =	ssub.s32 @!p0 $0x0, s1;
	[sflag:s0] =	ssyncset.done @!p0 $0x0  }
0x8e: {  	[sflag:s0] =	ssyncadd.s32 @!p0 s1  }
0x8f: {  	[bflag:$0x3] =	sbarrier.arrive $0xFFFF  }
0x90: {  	_ =	shalt  }

// kernel: kernel.18.cloned.1.call-start
scs
__scs_entry_jumppad:
0x0: {  	(pc) =	sbr.rel $0x88, $3  }
0x1: {  	(tag) =	ssettag $0x0;
	lr =	simm.s32 $0x1  }
0x2: {  	[smem:$0x3F93] =	sst lr;
	_ =	strace $0xD0000000  }
0x3: {  	_ = 	snop  }
0x4: {  	_ = 	snop  }
0x5: {  	_ = 	snop  }
0x6: {  	_ = 	snop  }
0x7: {  	_ = 	snop  }
__scs_overlays_trampoline_lowered:
0x8: {  	[smem:$0x3FA2] =	sst s0  }
0x9: {  	[smem:$0x3FA3] =	sst s1  }
0xa: {  	[smem:$0x3FA4] =	sst s2  }
0xb: {  	[smem:$0x3FA5] =	sst s3  }
0xc: {  	[smem:$0x3FA6] =	sst s4  }
0xd: {  	[smem:$0x3FA7] =	sst s5  }
0xe: {  	[smem:$0x3FA8] =	sst s6  }
0xf: {  	[smem:$0x3FA9] =	sst s7  }
0x10: {  	[smem:$0x3FAA] =	sst s8  }
0x11: {  	[smem:$0x3FAB] =	sst s9;
	s0 =	simm.s32 @!p0 $0x0  }
0x12: {  	s1 =	sld [smem:$0x3F91];
	s0 =	simm.s32 @p0 $0x1  }
0x13: {  	[smem:$0x3FAC] =	sst s0;
	s0 =	simm.s32 @!p1 $0x0  }
0x14: {  	s2 =	sld [smem:$0x3F90];
	s0 =	simm.s32 @p1 $0x1  }
0x15: {  	[smem:$0x3FAD] =	sst s0;
	s0 =	simm.s32 @!p2 $0x0  }
0x16: {  	s3 =	sld [smem:$0x3FDB];
	s0 =	simm.s32 @p2 $0x1  }
0x17: {  	s4 =	simm.s32 $0x1BF5;
	[smem:$0x3FAF] =	sst s0  }
0x18: {  	s0 =	sld [smem:$0x3F92];
	_ =	swait.ge [sflag:s4], $0x0  }
0x19: {  	s7 =	sld [smem:$0x3F93]  }
0x1a: {  	s8 =	sadd.s32 $0xFFFFE003, lr  }
0x1b: {  	s9 =	sadd.s32 $0xFFFFFEF7, lr;
	s5 =	simm.s32 $0xFFFFFFFF;
	p2 =	slt.u32 s8, $0xFFFFF086  }
0x1c: {  	p1 =	slt.u32 s9, $0xF7A;
	s5 =	simm.s32 @!p2 $0x0  }
0x1d: {  	s5 =	simm.s32 @p1 $0x1;
	p0 =	seq.s32 s7, s2  }
0x1e: {  	s7 =	smul.u32 @!p0 $0xF7A, s2;
	p2 =	seq.s32 @!p0 s5, $0x0  }
0x1f: {  	s9 =	smul.u32 $0xF7A, s1;
	s8 =	simm.s32 @!p0 $0x1BF5;
	p2 =	por !p2, p0  }
0x20: {  	[sflag:s8] =	ssyncset.s32 @!p0 $0xFFFFF086;
	s6 =	sadd.s32 @!p0 s3, s7;
	s7 =	simm.s32 @!p0 $0x108  }
0x21: {  	s3 =	sadd.s32 s3, s9;
	s6 =	sadd.s32 @!p0 $0x88, s6;
	s7 =	simm.s32 @p2 $0x1082  }
0x22: {  	[simem:s7], [sflag:s8] =	dma.local @!p0 [hbm:s6], $0xF7A  }
0x23: {  	s9 =	sor.u32 $0xD0000000, s2;
	s6 =	simm.s32 $0x108;
	_ =	swait.ge @!p0 [sflag:s8], $0x0  }
0x24: {  	s3 =	sadd.s32 $0x88, s3;
	s6 =	simm.s32 @!p1 $0x1082;
	[sflag:s4] =	ssyncset.s32 $0xFFFFF086  }
0x25: {  	[simem:s6], [sflag:s4] =	dma.local [hbm:s3], $0xF7A  }
0x26: {  	[smem:$0x3F93] =	sst s1;
	(tag) =	ssettag s2;
	_ =	strace s9  }
0x27: {  	s1 =	sld [smem:$0x3FA3]  }
0x28: {  	s2 =	sld [smem:$0x3FA4]  }
0x29: {  	s4 =	sld [smem:$0x3FA6]  }
0x2a: {  	p0 =	seq.s32 s5, $0x0;
	s5 =	sld [smem:$0x3FA7]  }
0x2b: {  	s6 =	sld [smem:$0x3FA8]  }
0x2c: {  	s7 =	sld [smem:$0x3FA9]  }
0x2d: {  	s3 =	simm.s32 $0x108;
	s8 =	sld [smem:$0x3FAA]  }
0x2e: {  	s3 =	simm.s32 @!p0 $0x1082;
	s9 =	sld [smem:$0x3FAB]  }
0x2f: {  	lr =	sadd.s32 s0, s3;
	s0 =	sld [smem:$0x3FA2]  }
0x30: {  	s3 =	sld [smem:$0x3FA5]  }
0x31: {  	[smem:$0x3FAE] =	sst s10  }
0x32: {  	s10 =	sld [smem:$0x3FAC];
	_ =	sdelay $0x3  }
0x33: {  	p0 =	seq.s32 s10, $0x1;
	s10 =	sld [smem:$0x3FAE];
	_ =	sdelay $0x3  }
0x34: {  	[smem:$0x3FAE] =	sst s10  }
0x35: {  	s10 =	sld [smem:$0x3FAD];
	_ =	sdelay $0x3  }
0x36: {  	p1 =	seq.s32 s10, $0x1;
	s10 =	sld [smem:$0x3FAE];
	_ =	sdelay $0x3  }
0x37: {  	[smem:$0x3FAE] =	sst s10  }
0x38: {  	s10 =	sld [smem:$0x3FAF]  }
0x39: {  	_ = 	snop;
	(pc) =	sbr.ind lr, $3  }
0x3a: {  	_ = 	snop  }
0x3b: {  	_ = 	snop  }
0x3c: {  	p2 =	seq.s32 s10, $0x1;
	s10 =	sld [smem:$0x3FAE]  }
0x3d: {  	_ =	shalt  }
0x3e: {  	_ =	shalt  }
0x3f: {  	_ =	shalt  }
0x40: {  	_ =	shalt  }
0x41: {  	_ =	shalt  }
0x42: {  	_ =	shalt  }
0x43: {  	_ =	shalt  }
0x44: {  	_ =	shalt  }
0x45: {  	_ =	shalt  }
0x46: {  	_ =	shalt  }
0x47: {  	_ =	shalt  }
0x48: {  	_ =	shalt  }
0x49: {  	_ =	shalt  }
0x4a: {  	_ =	shalt  }
0x4b: {  	_ =	shalt  }
0x4c: {  	_ =	shalt  }
0x4d: {  	_ =	shalt  }
0x4e: {  	_ =	shalt  }
0x4f: {  	_ =	shalt  }
0x50: {  	_ =	shalt  }
0x51: {  	_ =	shalt  }
0x52: {  	_ =	shalt  }
0x53: {  	_ =	shalt  }
0x54: {  	_ =	shalt  }
0x55: {  	_ =	shalt  }
0x56: {  	_ =	shalt  }
0x57: {  	_ =	shalt  }
0x58: {  	_ =	shalt  }
0x59: {  	_ =	shalt  }
0x5a: {  	_ =	shalt  }
0x5b: {  	_ =	shalt  }
0x5c: {  	_ =	shalt  }
0x5d: {  	_ =	shalt  }
0x5e: {  	_ =	shalt  }
0x5f: {  	_ =	shalt  }
0x60: {  	_ =	shalt  }
0x61: {  	_ =	shalt  }
0x62: {  	_ =	shalt  }
0x63: {  	_ =	shalt  }
0x64: {  	_ =	shalt  }
0x65: {  	_ =	shalt  }
0x66: {  	_ =	shalt  }
0x67: {  	_ =	shalt  }
0x68: {  	_ =	shalt  }
0x69: {  	_ =	shalt  }
0x6a: {  	_ =	shalt  }
0x6b: {  	_ =	shalt  }
0x6c: {  	_ =	shalt  }
0x6d: {  	_ =	shalt  }
0x6e: {  	_ =	shalt  }
0x6f: {  	_ =	shalt  }
0x70: {  	_ =	shalt  }
0x71: {  	_ =	shalt  }
0x72: {  	_ =	shalt  }
0x73: {  	_ =	shalt  }
0x74: {  	_ =	shalt  }
0x75: {  	_ =	shalt  }
0x76: {  	_ =	shalt  }
0x77: {  	_ =	shalt  }
0x78: {  	_ =	shalt  }
0x79: {  	_ =	shalt  }
0x7a: {  	_ =	shalt  }
0x7b: {  	_ =	shalt  }
0x7c: {  	_ =	shalt  }
0x7d: {  	_ =	shalt  }
0x7e: {  	_ =	shalt  }
0x7f: {  	_ =	shalt  }
0x80: {  	_ =	shalt  }
0x81: {  	_ =	shalt  }
0x82: {  	_ =	shalt  }
0x83: {  	_ =	shalt  }
0x84: {  	_ =	shalt  }
0x85: {  	_ =	shalt  }
0x86: {  	_ =	shalt  }
0x87: {  	_ =	shalt  }
.Lfunc_end0:
.L_simem_size_0:
called_computation.2_lowered:
.L_overlay_start_0:
0x88: {  	s2 =	sld [smem:$0x3FD9]  }
0x89: {  	s3 =	sld [smem:$0x3FFE];
	_ =	sdelay $0x1  }
0x8a: {  	s1 =	srdreg.scid  }
0x8b: {  	s0 =	sand.u32 $0x1, s1  }
0x8c: {  	s17 =	sshll.u32 s0, $0xA;
	s2 =	sadd.s32 s3, s2  }
0x8d: {  	s2 =	sadd.s32 s2, s17  }
0x8e: {  	[smem:$0x3FBA] =	sst s2  }
0x8f: {  	_ = 	snop  }
0x90: {  	s2 =	sld [smem:$0x3FD0];
	(tm) =	ssettm $0x1  }
0x91: {  	s18 =	sld [smem:$0x3FFB];
	_ =	sdelay $0x3  }
0x92: {  	_ =	strace s18  }
0x93: {  	s3 =	sld [smem:$0x3FFC];
	_ =	sdelay $0x3  }
0x94: {  	_ =	strace s3  }
0x95: {  	s3 =	sld [smem:$0x3FFD];
	_ =	sdelay $0x3  }
0x96: {  	_ =	strace s3  }
0x97: {  	_ =	strace $0x8FFFFFFF  }
0x98: {  	s19 =	sld [smem:$0x3FDB];
	_ =	sdelay $0x1  }
0x99: {  	s4 =	simm.s32 $_scs_section_size  }
0x9a: {  	s5 =	simm.s32 $_size__tile_overlayer_lowered;
	s6 =	simm.s32 $_tile_overlayer_lowered  }
0x9b: {  	s22 =	simm.s32 $0x1BFF;
	s21 =	sshll.u32 s6, $0x1;
	s3 =	sadd.s32 s4, s19  }
0x9c: {  	s7 =	simm.s32 $0x0;
	s20 =	sshll.u32 s5, $0x1;
	s5 =	sadd.s32 s21, s3  }
0x9d: {  	[timem:s7], [sflag:s22] =	dma.local [hbm:s5], s20  }
0x9e: {  	_ =	swait.ge [sflag:s22], s20  }
0x9f: {  	s4 =	ssub.s32 $0x0, s20;
	[sflag:s22] =	ssyncset.done $0x0  }
0xa0: {  	[sflag:s22] =	ssyncadd.s32 s4;
	_ =	sdelay $0x1  }
0xa1: {  	s23 =	simm.s32 $0x1B8B  }
0xa2: {  	_ =	swait.ge [sflag:s23], $0x1  }
0xa3: {  	[sflag:s23] =	ssyncset.done $0x0  }
0xa4: {  	s25 =	simm.s32 $0x1B8E;
	s24 =	sld [smem:$0x3FFE];
	[sflag:s23] =	ssyncadd.s32 $0xFFFFFFFF  }
0xa5: {  	s26 =	simm.s32 $execute0_lowered;
	[smem:$0x3FD2] =	sst s25  }
0xa6: {  	s5 =	sshll.u32 s26, $0x1;
	_ =	strace $0x8000004C;
	[dreg:$0x1] =	wrdreg $0xFFFFFFFF  }
0xa7: {  	s28 =	simm.s32 $_size_execute0_lowered;
	s3 =	sadd.s32 s3, s5;
	[dreg:$0x0] =	wrdreg $0x0  }
0xa8: {  	s5 =	sshll.u32 s28, $0x1;
	[dreg:$0x2] =	wrdreg s3  }
0xa9: {  	[dreg:$0x3] =	wrdreg s5  }
0xaa: {  	[dreg:$0x4] =	wrdreg $0xC0  }
0xab: {  	_ =	task [dreg:s7], $0x5FFFF  }
0xac: {  	[dreg:$0x1] =	wrdreg $0xFFFFFFFF  }
0xad: {  	[dreg:$0x0] =	wrdreg $0x60  }
0xae: {  	[dreg:$0x2] =	wrdreg s2  }
0xaf: {  	[dreg:$0x3] =	wrdreg s24  }
0xb0: {  	[dreg:$0x4] =	wrdreg $0x82000  }
0xb1: {  	[dreg:$0x5] =	wrdreg $0x9  }
0xb2: {  	_ =	task.clear_ibuf [dreg:s7], $0x6FFFF;
	_ =	strace $0x9000004C  }
0xb3: {  	s29 =	simm.s32 $0x9;
	_ =	strace $0x8000004E  }
0xb4: {  	_ =	swait.ge [sflag:s29], $0x1  }
0xb5: {  	[sflag:s29] =	ssyncadd.s32 $0xFFFFFFFF  }
0xb6: {  	_ =	strace $0x9000004E  }
0xb7: {  	_ =	sfence  }
0xb8: {  	s30 =	sld [smem:$0x0];
	_ =	sdelay $0x2  }
0xb9: {  	s31 =	sshll.u32 s1, $0xD;
	s1 =	sshrl.u32 s1, $0x2  }
0xba: {  	s3 =	sand.u32 $0x4000, s31;
	s1 =	sadd.s32 s1, s30  }
0xbb: {  	s0 =	sor.u32 s3, s0;
	s1 =	sshll.u32 s1, $0x11  }
0xbc: {  	s0 =	sor.u32 s1, s0  }
0xbd: {  	s0 =	sadd.s32 $0x8F2B, s0  }
0xbe: {  	[sflag:s0] =	ssyncadd.remote.s32 $0x1  }
0xbf: {  	_ =	sfence.sel $0xFFFF  }
0xc0: {  	[dreg:$0x0] =	wrdreg $0xFFFFFFFF;
	(pc) =	sbr.abs _section_cstart, $3  }
0xc1: {  	[dreg:$0x1] =	wrdreg $0xFFFFFFFF  }
0xc2: {  	_ =	task.clear_ibuf [dreg:s7], $0x2FFFF;
	_ =	strace $0x9FFFFFFF  }
0xc3: {  	(tm) =	ssettm $0x7FFFFFFF  }
tec
execute0_lowered:
.L_overlay_start_1:
0x0: {  	(tag) =	ssettag $0x1  }
0x1: {  	s12 =	rddreg [dreg:$0x0]  }
0x2: {  	s5 =	rddreg [dreg:$0x1]  }
0x3: {  	s2 =	rddreg [dreg:$0x2]  }
0x4: {  	s0 =	rddreg [dreg:$0x3];
	s3 =	simm.s32 $0x0;
	s1 =	stileid.u32  }
0x5: {  	s4 =	srdreg.scid;
	s19 =	simm.s32 $0x100;
	s20 =	simm.s32 $0x180  }
0x6: {  	s21 =	simm.s32 $0x4200;
	s22 =	simm.s32 $0x1;
	s23 =	simm.s32 $0x3  }
0x7: {  	[smem:$0x7FF] =	sst s3;
	s6 =	smul.u32 $0x2800, s1;
	s9 =	sand.u32 $0x1, s4  }
0x8: {  	s13 =	sadd.s32 $0x6800, s5;
	s4 =	sadd.s32 $0x38800, s5;
	s10 =	smul.u32 $0x50000, s1  }
0x9: {  	s29 =	sshll.u32 s1, $0x6;
	s17 =	smul.u32 $0x500, s1;
	_ =	strace $0x8000004D  }
0xa: {  	s7 =	smul.u32 $0x28000, s9;
	s24 =	sshll.u32 s9, $0x4;
	s25 =	ssub.s32 $0x2, s9  }
0xb: {  	s31 =	smul.u32 $0x5000, s9;
	s8 =	sadd.s32 s6, s5;
	s26 =	sor.u32 s1, s24  }
0xc: {  	s28 =	sshrl.u32 s25, $0x1;
	s10 =	sshrl.u32 s10, $0x2;
	s24 =	simm.s32 $0x2  }
0xd: {  	s6 =	sadd.s32 s6, s7;
	s14 =	smul.u32 $0x500, s26;
	s15 =	ssub.s32 s25, s28  }
0xe: {  	s16 =	sadd.s32 s10, s2;
	s18 =	sadd.s32 s31, s12;
	s25 =	simm.s32 $0x4  }
0xf: {  	s26 =	simm.s32 $0x0;
	s11 =	sadd.s32 s6, s5;
	s5 =	sadd.s32 $0x10800, s8  }
0x10: {  	s6 =	sor.u32 $0x1C05, s29;
	s7 =	sadd.s32 s12, s14;
	s8 =	sadd.s32 s13, s14  }
0x11: {  	s30 =	sor.u32 $0x10, s14;
	s11 =	sadd.s32 $0x89200, s11;
	s14 =	sadd.s32 s31, s13  }
0x12: {  	s9 =	sadd.s32 s12, s30;
	s10 =	sadd.s32 s13, s30;
	s12 =	smax.u32 s15, $0x1  }
0x13: {  	s13 =	sadd.s32 s17, s18;
	s14 =	sadd.s32 s17, s14;
	s15 =	sshrl.u32 s16, $0x3  }
0x14: {  	s16 =	simm.s32 $0x5;
	s17 =	simm.s32 $0x80;
	s18 =	simm.s32 $0x200  }
.LBB2_1:
0x15: {  	[spmem:s15], [sflag:s6] =	dma.local [hbm:s5], $0x2800  }
0x16: {  	_ =	swait.ge [sflag:s16], $0x2800  }
0x17: {  	[sflag:s16] =	ssyncset.done $0x0  }
0x18: {  	[sflag:s16] =	ssyncadd.s32 $0xFFFFD800  }
0x19: {  	[bflag:$0x0] =	sbarrier.arrive $0xFFFF  }
0x1a: {  	[tilespmem:s3], [sflag:$0x5] =	stream.linear.gather [hbm4b:s7+s3], $0x80, $0x38;
	[tilespmem:$0x1C200] =	vst v63  }
0x1b: {  	_ =	swait.ge [sflag:s16], $0x80  }
0x1c: {  	[sflag:s16] =	ssyncset.done $0x0  }
0x1d: {  	[sflag:s16] =	ssyncadd.s32 $0xFFFFFF80  }
0x1e: {  	[tilespmem:s17], [sflag:$0x5] =	stream.linear.gather [hbm4b:s8+s3], $0x80, $0x38;
	[tilespmem:$0x1C200] =	vst v63  }
0x1f: {  	_ =	swait.ge [sflag:s16], $0x80  }
0x20: {  	[sflag:s16] =	ssyncset.done $0x0  }
0x21: {  	[sflag:s16] =	ssyncadd.s32 $0xFFFFFF80  }
0x22: {  	[tilespmem:s18], [sflag:$0x1] =	stream.indirect.gather [hbm4b:s4+s17], $0x80, s3, s17, $0xb8;
	[tilespmem:$0x1C200] =	vst v63  }
0x23: {  	_ = 	snop  }
0x24: {  	[tilespmem:s19], [sflag:$0x5] =	stream.linear.gather [hbm4b:s9+s3], $0x80, $0x38;
	[tilespmem:$0x1C200] =	vst v63  }
0x25: {  	_ =	swait.ge [sflag:s16], $0x80  }
0x26: {  	[sflag:s16] =	ssyncset.done $0x0  }
0x27: {  	[sflag:s16] =	ssyncadd.s32 $0xFFFFFF80  }
0x28: {  	[tilespmem:s20], [sflag:$0x5] =	stream.linear.gather [hbm4b:s10+s3], $0x80, $0x38;
	[tilespmem:$0x1C200] =	vst v63  }
0x29: {  	_ =	swait.ge [sflag:s16], $0x80  }
0x2a: {  	[sflag:s16] =	ssyncset.done $0x0  }
0x2b: {  	[sflag:s16] =	ssyncadd.s32 $0xFFFFFF80  }
0x2c: {  	[tilespmem:s21], [sflag:$0x2] =	stream.indirect.gather [hbm4b:s4+s17], $0x80, s19, s17, $0xb8;
	[tilespmem:$0x1C200] =	vst v63  }
0x2d: {  	_ =	swait.ge [sflag:s22], $0x4000  }
0x2e: {  	[sflag:s22] =	ssyncset.done $0x0  }
0x2f: {  	[sflag:s22] =	ssyncadd.s32 $0xFFFFC000  }
0x30: {  	[spmem:s2] =	stream.indirect.scatter.add.f32 [tilespmem:s18], [sflag:$0x3], $0x80, s17, s17, $0xb8;
	[tilespmem:$0x1C200] =	vst v63  }
0x31: {  	_ =	swait.ge [sflag:s23], $0x4000  }
0x32: {  	s28 =	sadd.s32 $0x0, s13;
	[sflag:s23] =	ssyncset.done $0x0  }
0x33: {  	s29 =	sadd.s32 $0x20, s28;
	[sflag:s23] =	ssyncadd.s32 $0xFFFFC000  }
0x34: {  	[tilespmem:s3], [sflag:$0x5] =	stream.linear.gather [hbm4b:s29+s3], $0x80, $0x38;
	[tilespmem:$0x1C200] =	vst v63  }
0x35: {  	_ =	swait.ge [sflag:s16], $0x80  }
0x36: {  	s31 =	sadd.s32 $0x0, s14;
	[sflag:s16] =	ssyncset.done $0x0  }
0x37: {  	s30 =	sadd.s32 $0x20, s31;
	[sflag:s16] =	ssyncadd.s32 $0xFFFFFF80  }
0x38: {  	[tilespmem:s17], [sflag:$0x5] =	stream.linear.gather [hbm4b:s30+s3], $0x80, $0x38;
	[tilespmem:$0x1C200] =	vst v63  }
0x39: {  	_ =	swait.ge [sflag:s16], $0x80  }
0x3a: {  	[sflag:s16] =	ssyncset.done $0x0  }
0x3b: {  	[sflag:s16] =	ssyncadd.s32 $0xFFFFFF80  }
0x3c: {  	[tilespmem:s18], [sflag:$0x1] =	stream.indirect.gather [hbm4b:s4+s17], $0x80, s3, s17, $0xb8;
	[tilespmem:$0x1C200] =	vst v63  }
0x3d: {  	_ =	swait.ge [sflag:s24], $0x4000  }
0x3e: {  	[sflag:s24] =	ssyncset.done $0x0  }
0x3f: {  	[sflag:s24] =	ssyncadd.s32 $0xFFFFC000  }
0x40: {  	[spmem:s2] =	stream.indirect.scatter.add.f32 [tilespmem:s21], [sflag:$0x4], $0x80, s20, s17, $0xb8;
	[tilespmem:$0x1C200] =	vst v63  }
0x41: {  	_ =	swait.ge [sflag:s25], $0x4000  }
0x42: {  	[sflag:s25] =	ssyncset.done $0x0  }
0x43: {  	s28 =	sadd.s32 $0x30, s28;
	[sflag:s25] =	ssyncadd.s32 $0xFFFFC000  }
0x44: {  	[tilespmem:s19], [sflag:$0x5] =	stream.linear.gather [hbm4b:s28+s3], $0x80, $0x38;
	[tilespmem:$0x1C200] =	vst v63  }
0x45: {  	_ =	swait.ge [sflag:s16], $0x80  }
0x46: {  	[sflag:s16] =	ssyncset.done $0x0  }
0x47: {  	s28 =	sadd.s32 $0x30, s31;
	[sflag:s16] =	ssyncadd.s32 $0xFFFFFF80  }
0x48: {  	[tilespmem:s20], [sflag:$0x5] =	stream.linear.gather [hbm4b:s28+s3], $0x80, $0x38;
	[tilespmem:$0x1C200] =	vst v63  }
0x49: {  	_ =	swait.ge [sflag:s16], $0x80  }
0x4a: {  	[sflag:s16] =	ssyncset.done $0x0  }
0x4b: {  	s28 =	simm.s32 $0x20;
	[sflag:s16] =	ssyncadd.s32 $0xFFFFFF80  }
.LBB2_2:
0x4c: {  	[tilespmem:s21], [sflag:$0x2] =	stream.indirect.gather [hbm4b:s4+s17], $0x80, s19, s17, $0xb8;
	[tilespmem:$0x1C200] =	vst v63  }
0x4d: {  	s29 =	smov.u32 s28  }
0x4e: {  	p0 =	sne.s32 s28, $0x4C0;
	s28 =	sadd.s32 $0x20, s28;
	_ =	swait.ge [sflag:s22], $0x4000  }
0x4f: {  	[sflag:s22] =	ssyncset.done $0x0  }
0x50: {  	[sflag:s22] =	ssyncadd.s32 $0xFFFFC000  }
0x51: {  	[spmem:s2] =	stream.indirect.scatter.add.f32 [tilespmem:s18], [sflag:$0x3], $0x80, s17, s17, $0xb8;
	[tilespmem:$0x1C200] =	vst v63  }
0x52: {  	_ =	swait.ge [sflag:s23], $0x4000  }
0x53: {  	s30 =	sadd.s32 s29, s13;
	[sflag:s23] =	ssyncset.done $0x0  }
0x54: {  	s31 =	sadd.s32 $0x20, s30;
	[sflag:s23] =	ssyncadd.s32 $0xFFFFC000  }
0x55: {  	[tilespmem:s3], [sflag:$0x5] =	stream.linear.gather [hbm4b:s31+s3], $0x80, $0x38;
	[tilespmem:$0x1C200] =	vst v63  }
0x56: {  	_ =	swait.ge [sflag:s16], $0x80  }
0x57: {  	s29 =	sadd.s32 s29, s14;
	[sflag:s16] =	ssyncset.done $0x0  }
0x58: {  	s31 =	sadd.s32 $0x20, s29;
	[sflag:s16] =	ssyncadd.s32 $0xFFFFFF80  }
0x59: {  	[tilespmem:s17], [sflag:$0x5] =	stream.linear.gather [hbm4b:s31+s3], $0x80, $0x38;
	[tilespmem:$0x1C200] =	vst v63  }
0x5a: {  	_ =	swait.ge [sflag:s16], $0x80  }
0x5b: {  	[sflag:s16] =	ssyncset.done $0x0  }
0x5c: {  	[sflag:s16] =	ssyncadd.s32 $0xFFFFFF80  }
0x5d: {  	[tilespmem:s18], [sflag:$0x1] =	stream.indirect.gather [hbm4b:s4+s17], $0x80, s3, s17, $0xb8;
	[tilespmem:$0x1C200] =	vst v63  }
0x5e: {  	_ =	swait.ge [sflag:s24], $0x4000  }
0x5f: {  	[sflag:s24] =	ssyncset.done $0x0  }
0x60: {  	[sflag:s24] =	ssyncadd.s32 $0xFFFFC000  }
0x61: {  	[spmem:s2] =	stream.indirect.scatter.add.f32 [tilespmem:s21], [sflag:$0x4], $0x80, s20, s17, $0xb8;
	[tilespmem:$0x1C200] =	vst v63  }
0x62: {  	_ =	swait.ge [sflag:s25], $0x4000  }
0x63: {  	[sflag:s25] =	ssyncset.done $0x0  }
0x64: {  	s30 =	sadd.s32 $0x30, s30;
	[sflag:s25] =	ssyncadd.s32 $0xFFFFC000  }
0x65: {  	[tilespmem:s19], [sflag:$0x5] =	stream.linear.gather [hbm4b:s30+s3], $0x80, $0x38;
	[tilespmem:$0x1C200] =	vst v63  }
0x66: {  	_ =	swait.ge [sflag:s16], $0x80  }
0x67: {  	[sflag:s16] =	ssyncset.done $0x0  }
.Ltmp0:
0x68: {  	s29 =	sadd.s32 $0x30, s29;
	[sflag:s16] =	ssyncadd.s32 $0xFFFFFF80;
	(pc) =	sbr.rel @p0 .LBB2_2-.Ltmp0, $4  }
0x69: {  	[tilespmem:s20], [sflag:$0x5] =	stream.linear.gather [hbm4b:s29+s3], $0x80, $0x38;
	[tilespmem:$0x1C200] =	vst v63  }
0x6a: {  	_ =	swait.ge [sflag:s16], $0x80  }
0x6b: {  	[sflag:s16] =	ssyncset.done $0x0  }
0x6c: {  	[sflag:s16] =	ssyncadd.s32 $0xFFFFFF80  }
0x6d: {  	[tilespmem:s21], [sflag:$0x2] =	stream.indirect.gather [hbm4b:s4+s17], $0x80, s19, s17, $0xb8;
	[tilespmem:$0x1C200] =	vst v63  }
0x6e: {  	_ =	swait.ge [sflag:s22], $0x4000  }
0x6f: {  	[sflag:s22] =	ssyncset.done $0x0  }
0x70: {  	[sflag:s22] =	ssyncadd.s32 $0xFFFFC000  }
0x71: {  	[spmem:s2] =	stream.indirect.scatter.add.f32 [tilespmem:s18], [sflag:$0x3], $0x80, s17, s17, $0xb8;
	[tilespmem:$0x1C200] =	vst v63  }
0x72: {  	_ =	swait.ge [sflag:s24], $0x4000  }
0x73: {  	[sflag:s24] =	ssyncset.done $0x0  }
0x74: {  	[sflag:s24] =	ssyncadd.s32 $0xFFFFC000  }
0x75: {  	[spmem:s2] =	stream.indirect.scatter.add.f32 [tilespmem:s21], [sflag:$0x4], $0x80, s20, s17, $0xb8;
	[tilespmem:$0x1C200] =	vst v63  }
0x76: {  	_ =	swait.ge [sflag:s23], $0x4000  }
0x77: {  	[sflag:s23] =	ssyncset.done $0x0  }
0x78: {  	[sflag:s23] =	ssyncadd.s32 $0xFFFFC000  }
0x79: {  	_ =	swait.ge [sflag:s25], $0x4000  }
0x7a: {  	s26 =	sadd.s32 $0x1, s26;
	[sflag:s25] =	ssyncset.done $0x0  }
0x7b: {  	p0 =	sne.s32 s26, s12;
	[sflag:s25] =	ssyncadd.s32 $0xFFFFC000  }
.Ltmp1:
0x7c: {  	[bflag:$0x0] =	sbarrier.arrive $0xFFFF;
	(pc) =	sbr.rel @p0 .LBB2_1-.Ltmp1, $4  }
0x7d: {  	[hbm:s11], [sflag:s6] =	dma.local [spmem:s15], $0x2800  }
0x7e: {  	_ =	swait.ge [sflag:s16], $0x2800  }
0x7f: {  	[sflag:s16] =	ssyncset.done $0x0  }
0x80: {  	[sflag:s16] =	ssyncadd.s32 $0xFFFFD800  }
0x81: {  	_ =	sfence.sel $0x180000  }
0x82: {  	[bflag:$0x0] =	sbarrier.arrive $0xFFFF  }
0x83: {  	p0 =	sne.s32 s1, $0x0;
	_ =	strace $0x9000004D  }
0x84: {  	s0 =	sadd.s32 @!p0 $0x100000, s0;
	[bflag:$0x2] =	sbarrier.arrive $0xFFFF  }
0x85: {  	[sflag:s0] =	ssyncadd.tile.s32 @!p0 $0x1;
	_ =	shalt  }
.Lfunc_end2:
_tile_overlayer_lowered:
.L_overlay_start_2:
0x86: {  	(tag) =	ssettag $0x2  }
0x87: {  	s0 =	rddreg [dreg:$0x0];
	s2 =	stileid.u32  }
0x88: {  	s1 =	rddreg [dreg:$0x1];
	p0 =	sne.s32 s2, $0x0  }
0x89: {  	s3 =	rddreg [dreg:$0x2];
	[bflag:$0x3] =	sbarrier.arrive $0xFFFF;
	s2 =	simm.s32 @!p0 $0x1C05  }
0x8a: {  	[timem:s3], [sflag:s2] =	dma.local @!p0 [hbm:s0], s1  }
0x8b: {  	s0 =	simm.s32 @!p0 $0x5  }
0x8c: {  	_ =	swait.ge @!p0 [sflag:s0], s1  }
0x8d: {  	s1 =	ssub.s32 @!p0 $0x0, s1;
	[sflag:s0] =	ssyncset.done @!p0 $0x0  }
0x8e: {  	[sflag:s0] =	ssyncadd.s32 @!p0 s1  }
0x8f: {  	[bflag:$0x3] =	sbarrier.arrive $0xFFFF  }
0x90: {  	_ =	shalt  }

// kernel: kernel.21.cloned.1.call-start
scs
__scs_entry_jumppad:
0x0: {  	(pc) =	sbr.rel $0x88, $3  }
0x1: {  	(tag) =	ssettag $0x0;
	lr =	simm.s32 $0x1  }
0x2: {  	[smem:$0x3F93] =	sst lr;
	_ =	strace $0xD0000000  }
0x3: {  	_ = 	snop  }
0x4: {  	_ = 	snop  }
0x5: {  	_ = 	snop  }
0x6: {  	_ = 	snop  }
0x7: {  	_ = 	snop  }
__scs_overlays_trampoline_lowered:
0x8: {  	[smem:$0x3FA2] =	sst s0  }
0x9: {  	[smem:$0x3FA3] =	sst s1  }
0xa: {  	[smem:$0x3FA4] =	sst s2  }
0xb: {  	[smem:$0x3FA5] =	sst s3  }
0xc: {  	[smem:$0x3FA6] =	sst s4  }
0xd: {  	[smem:$0x3FA7] =	sst s5  }
0xe: {  	[smem:$0x3FA8] =	sst s6  }
0xf: {  	[smem:$0x3FA9] =	sst s7  }
0x10: {  	[smem:$0x3FAA] =	sst s8  }
0x11: {  	[smem:$0x3FAB] =	sst s9;
	s0 =	simm.s32 @!p0 $0x0  }
0x12: {  	s1 =	sld [smem:$0x3F91];
	s0 =	simm.s32 @p0 $0x1  }
0x13: {  	[smem:$0x3FAC] =	sst s0;
	s0 =	simm.s32 @!p1 $0x0  }
0x14: {  	s2 =	sld [smem:$0x3F90];
	s0 =	simm.s32 @p1 $0x1  }
0x15: {  	[smem:$0x3FAD] =	sst s0;
	s0 =	simm.s32 @!p2 $0x0  }
0x16: {  	s3 =	sld [smem:$0x3FDB];
	s0 =	simm.s32 @p2 $0x1  }
0x17: {  	s4 =	simm.s32 $0x1BF5;
	[smem:$0x3FAF] =	sst s0  }
0x18: {  	s0 =	sld [smem:$0x3F92];
	_ =	swait.ge [sflag:s4], $0x0  }
0x19: {  	s7 =	sld [smem:$0x3F93]  }
0x1a: {  	s8 =	sadd.s32 $0xFFFFE003, lr  }
0x1b: {  	s9 =	sadd.s32 $0xFFFFFEF7, lr;
	s5 =	simm.s32 $0xFFFFFFFF;
	p2 =	slt.u32 s8, $0xFFFFF086  }
0x1c: {  	p1 =	slt.u32 s9, $0xF7A;
	s5 =	simm.s32 @!p2 $0x0  }
0x1d: {  	s5 =	simm.s32 @p1 $0x1;
	p0 =	seq.s32 s7, s2  }
0x1e: {  	s7 =	smul.u32 @!p0 $0xF7A, s2;
	p2 =	seq.s32 @!p0 s5, $0x0  }
0x1f: {  	s9 =	smul.u32 $0xF7A, s1;
	s8 =	simm.s32 @!p0 $0x1BF5;
	p2 =	por !p2, p0  }
0x20: {  	[sflag:s8] =	ssyncset.s32 @!p0 $0xFFFFF086;
	s6 =	sadd.s32 @!p0 s3, s7;
	s7 =	simm.s32 @!p0 $0x108  }
0x21: {  	s3 =	sadd.s32 s3, s9;
	s6 =	sadd.s32 @!p0 $0x88, s6;
	s7 =	simm.s32 @p2 $0x1082  }
0x22: {  	[simem:s7], [sflag:s8] =	dma.local @!p0 [hbm:s6], $0xF7A  }
0x23: {  	s9 =	sor.u32 $0xD0000000, s2;
	s6 =	simm.s32 $0x108;
	_ =	swait.ge @!p0 [sflag:s8], $0x0  }
0x24: {  	s3 =	sadd.s32 $0x88, s3;
	s6 =	simm.s32 @!p1 $0x1082;
	[sflag:s4] =	ssyncset.s32 $0xFFFFF086  }
0x25: {  	[simem:s6], [sflag:s4] =	dma.local [hbm:s3], $0xF7A  }
0x26: {  	[smem:$0x3F93] =	sst s1;
	(tag) =	ssettag s2;
	_ =	strace s9  }
0x27: {  	s1 =	sld [smem:$0x3FA3]  }
0x28: {  	s2 =	sld [smem:$0x3FA4]  }
0x29: {  	s4 =	sld [smem:$0x3FA6]  }
0x2a: {  	p0 =	seq.s32 s5, $0x0;
	s5 =	sld [smem:$0x3FA7]  }
0x2b: {  	s6 =	sld [smem:$0x3FA8]  }
0x2c: {  	s7 =	sld [smem:$0x3FA9]  }
0x2d: {  	s3 =	simm.s32 $0x108;
	s8 =	sld [smem:$0x3FAA]  }
0x2e: {  	s3 =	simm.s32 @!p0 $0x1082;
	s9 =	sld [smem:$0x3FAB]  }
0x2f: {  	lr =	sadd.s32 s0, s3;
	s0 =	sld [smem:$0x3FA2]  }
0x30: {  	s3 =	sld [smem:$0x3FA5]  }
0x31: {  	[smem:$0x3FAE] =	sst s10  }
0x32: {  	s10 =	sld [smem:$0x3FAC];
	_ =	sdelay $0x3  }
0x33: {  	p0 =	seq.s32 s10, $0x1;
	s10 =	sld [smem:$0x3FAE];
	_ =	sdelay $0x3  }
0x34: {  	[smem:$0x3FAE] =	sst s10  }
0x35: {  	s10 =	sld [smem:$0x3FAD];
	_ =	sdelay $0x3  }
0x36: {  	p1 =	seq.s32 s10, $0x1;
	s10 =	sld [smem:$0x3FAE];
	_ =	sdelay $0x3  }
0x37: {  	[smem:$0x3FAE] =	sst s10  }
0x38: {  	s10 =	sld [smem:$0x3FAF]  }
0x39: {  	_ = 	snop;
	(pc) =	sbr.ind lr, $3  }
0x3a: {  	_ = 	snop  }
0x3b: {  	_ = 	snop  }
0x3c: {  	p2 =	seq.s32 s10, $0x1;
	s10 =	sld [smem:$0x3FAE]  }
0x3d: {  	_ =	shalt  }
0x3e: {  	_ =	shalt  }
0x3f: {  	_ =	shalt  }
0x40: {  	_ =	shalt  }
0x41: {  	_ =	shalt  }
0x42: {  	_ =	shalt  }
0x43: {  	_ =	shalt  }
0x44: {  	_ =	shalt  }
0x45: {  	_ =	shalt  }
0x46: {  	_ =	shalt  }
0x47: {  	_ =	shalt  }
0x48: {  	_ =	shalt  }
0x49: {  	_ =	shalt  }
0x4a: {  	_ =	shalt  }
0x4b: {  	_ =	shalt  }
0x4c: {  	_ =	shalt  }
0x4d: {  	_ =	shalt  }
0x4e: {  	_ =	shalt  }
0x4f: {  	_ =	shalt  }
0x50: {  	_ =	shalt  }
0x51: {  	_ =	shalt  }
0x52: {  	_ =	shalt  }
0x53: {  	_ =	shalt  }
0x54: {  	_ =	shalt  }
0x55: {  	_ =	shalt  }
0x56: {  	_ =	shalt  }
0x57: {  	_ =	shalt  }
0x58: {  	_ =	shalt  }
0x59: {  	_ =	shalt  }
0x5a: {  	_ =	shalt  }
0x5b: {  	_ =	shalt  }
0x5c: {  	_ =	shalt  }
0x5d: {  	_ =	shalt  }
0x5e: {  	_ =	shalt  }
0x5f: {  	_ =	shalt  }
0x60: {  	_ =	shalt  }
0x61: {  	_ =	shalt  }
0x62: {  	_ =	shalt  }
0x63: {  	_ =	shalt  }
0x64: {  	_ =	shalt  }
0x65: {  	_ =	shalt  }
0x66: {  	_ =	shalt  }
0x67: {  	_ =	shalt  }
0x68: {  	_ =	shalt  }
0x69: {  	_ =	shalt  }
0x6a: {  	_ =	shalt  }
0x6b: {  	_ =	shalt  }
0x6c: {  	_ =	shalt  }
0x6d: {  	_ =	shalt  }
0x6e: {  	_ =	shalt  }
0x6f: {  	_ =	shalt  }
0x70: {  	_ =	shalt  }
0x71: {  	_ =	shalt  }
0x72: {  	_ =	shalt  }
0x73: {  	_ =	shalt  }
0x74: {  	_ =	shalt  }
0x75: {  	_ =	shalt  }
0x76: {  	_ =	shalt  }
0x77: {  	_ =	shalt  }
0x78: {  	_ =	shalt  }
0x79: {  	_ =	shalt  }
0x7a: {  	_ =	shalt  }
0x7b: {  	_ =	shalt  }
0x7c: {  	_ =	shalt  }
0x7d: {  	_ =	shalt  }
0x7e: {  	_ =	shalt  }
0x7f: {  	_ =	shalt  }
0x80: {  	_ =	shalt  }
0x81: {  	_ =	shalt  }
0x82: {  	_ =	shalt  }
0x83: {  	_ =	shalt  }
0x84: {  	_ =	shalt  }
0x85: {  	_ =	shalt  }
0x86: {  	_ =	shalt  }
0x87: {  	_ =	shalt  }
.Lfunc_end0:
.L_simem_size_0:
called_computation.3_lowered:
.L_overlay_start_0:
0x88: {  	s2 =	sld [smem:$0x3FD9]  }
0x89: {  	s3 =	sld [smem:$0x3FFE];
	_ =	sdelay $0x1  }
0x8a: {  	s1 =	srdreg.scid  }
0x8b: {  	s0 =	sand.u32 $0x1, s1  }
0x8c: {  	s17 =	sshll.u32 s0, $0xA;
	s2 =	sadd.s32 s3, s2  }
0x8d: {  	s2 =	sadd.s32 s2, s17  }
0x8e: {  	[smem:$0x3FBA] =	sst s2  }
0x8f: {  	_ = 	snop  }
0x90: {  	s2 =	sld [smem:$0x3FD0];
	(tm) =	ssettm $0x1  }
0x91: {  	s18 =	sld [smem:$0x3FFB];
	_ =	sdelay $0x3  }
0x92: {  	_ =	strace s18  }
0x93: {  	s3 =	sld [smem:$0x3FFC];
	_ =	sdelay $0x3  }
0x94: {  	_ =	strace s3  }
0x95: {  	s3 =	sld [smem:$0x3FFD];
	_ =	sdelay $0x3  }
0x96: {  	_ =	strace s3  }
0x97: {  	_ =	strace $0x8FFFFFFF  }
0x98: {  	s19 =	sld [smem:$0x3FDB];
	_ =	sdelay $0x1  }
0x99: {  	s4 =	simm.s32 $_scs_section_size  }
0x9a: {  	s5 =	simm.s32 $_size__tile_overlayer_lowered;
	s6 =	simm.s32 $_tile_overlayer_lowered  }
0x9b: {  	s22 =	simm.s32 $0x1BFF;
	s21 =	sshll.u32 s6, $0x1;
	s3 =	sadd.s32 s4, s19  }
0x9c: {  	s7 =	simm.s32 $0x0;
	s20 =	sshll.u32 s5, $0x1;
	s5 =	sadd.s32 s21, s3  }
0x9d: {  	[timem:s7], [sflag:s22] =	dma.local [hbm:s5], s20  }
0x9e: {  	_ =	swait.ge [sflag:s22], s20  }
0x9f: {  	s4 =	ssub.s32 $0x0, s20;
	[sflag:s22] =	ssyncset.done $0x0  }
0xa0: {  	[sflag:s22] =	ssyncadd.s32 s4;
	_ =	sdelay $0x1  }
0xa1: {  	s23 =	simm.s32 $0x1B8B  }
0xa2: {  	_ =	swait.ge [sflag:s23], $0x1  }
0xa3: {  	[sflag:s23] =	ssyncset.done $0x0  }
0xa4: {  	s25 =	simm.s32 $0x1B8E;
	s24 =	sld [smem:$0x3FFE];
	[sflag:s23] =	ssyncadd.s32 $0xFFFFFFFF  }
0xa5: {  	s26 =	simm.s32 $execute0_lowered;
	[smem:$0x3FD2] =	sst s25  }
0xa6: {  	s5 =	sshll.u32 s26, $0x1;
	_ =	strace $0x8000004F;
	[dreg:$0x1] =	wrdreg $0xFFFFFFFF  }
0xa7: {  	s28 =	simm.s32 $_size_execute0_lowered;
	s3 =	sadd.s32 s3, s5;
	[dreg:$0x0] =	wrdreg $0x0  }
0xa8: {  	s5 =	sshll.u32 s28, $0x1;
	[dreg:$0x2] =	wrdreg s3  }
0xa9: {  	[dreg:$0x3] =	wrdreg s5  }
0xaa: {  	[dreg:$0x4] =	wrdreg $0xC0  }
0xab: {  	_ =	task [dreg:s7], $0x5FFFF  }
0xac: {  	[dreg:$0x1] =	wrdreg $0xFFFFFFFF  }
0xad: {  	[dreg:$0x0] =	wrdreg $0x60  }
0xae: {  	[dreg:$0x2] =	wrdreg s2  }
0xaf: {  	[dreg:$0x3] =	wrdreg s24  }
0xb0: {  	[dreg:$0x4] =	wrdreg $0x82000  }
0xb1: {  	[dreg:$0x5] =	wrdreg $0x9  }
0xb2: {  	_ =	task.clear_ibuf [dreg:s7], $0x6FFFF;
	_ =	strace $0x9000004F  }
0xb3: {  	s29 =	simm.s32 $0x9;
	_ =	strace $0x80000051  }
0xb4: {  	_ =	swait.ge [sflag:s29], $0x1  }
0xb5: {  	[sflag:s29] =	ssyncadd.s32 $0xFFFFFFFF  }
0xb6: {  	_ =	strace $0x90000051  }
0xb7: {  	_ =	sfence  }
0xb8: {  	s30 =	sld [smem:$0x0];
	_ =	sdelay $0x2  }
0xb9: {  	s31 =	sshll.u32 s1, $0xD;
	s1 =	sshrl.u32 s1, $0x2  }
0xba: {  	s3 =	sand.u32 $0x4000, s31;
	s1 =	sadd.s32 s1, s30  }
0xbb: {  	s0 =	sor.u32 s3, s0;
	s1 =	sshll.u32 s1, $0x11  }
0xbc: {  	s0 =	sor.u32 s1, s0  }
0xbd: {  	s0 =	sadd.s32 $0x8F2B, s0  }
0xbe: {  	[sflag:s0] =	ssyncadd.remote.s32 $0x1  }
0xbf: {  	_ =	sfence.sel $0xFFFF  }
0xc0: {  	[dreg:$0x0] =	wrdreg $0xFFFFFFFF;
	(pc) =	sbr.abs _section_cstart, $3  }
0xc1: {  	[dreg:$0x1] =	wrdreg $0xFFFFFFFF  }
0xc2: {  	_ =	task.clear_ibuf [dreg:s7], $0x2FFFF;
	_ =	strace $0x9FFFFFFF  }
0xc3: {  	(tm) =	ssettm $0x7FFFFFFF  }
tec
execute0_lowered:
.L_overlay_start_1:
0x0: {  	(tag) =	ssettag $0x1  }
0x1: {  	s12 =	rddreg [dreg:$0x0]  }
0x2: {  	s5 =	rddreg [dreg:$0x1]  }
0x3: {  	s2 =	rddreg [dreg:$0x2]  }
0x4: {  	s0 =	rddreg [dreg:$0x3];
	s3 =	simm.s32 $0x0;
	s1 =	stileid.u32  }
0x5: {  	s4 =	srdreg.scid;
	s19 =	simm.s32 $0x100;
	s20 =	simm.s32 $0x180  }
0x6: {  	s21 =	simm.s32 $0x4200;
	s22 =	simm.s32 $0x1;
	s23 =	simm.s32 $0x3  }
0x7: {  	[smem:$0x7FF] =	sst s3;
	s6 =	smul.u32 $0x2800, s1;
	s9 =	sand.u32 $0x1, s4  }
0x8: {  	s13 =	sadd.s32 $0x6800, s5;
	s4 =	sadd.s32 $0x38800, s5;
	s10 =	smul.u32 $0x50000, s1  }
0x9: {  	s29 =	sshll.u32 s1, $0x6;
	s17 =	smul.u32 $0x500, s1;
	_ =	strace $0x80000050  }
0xa: {  	s7 =	smul.u32 $0x28000, s9;
	s24 =	sshll.u32 s9, $0x4;
	s25 =	ssub.s32 $0x2, s9  }
0xb: {  	s31 =	smul.u32 $0x5000, s9;
	s8 =	sadd.s32 s6, s5;
	s26 =	sor.u32 s1, s24  }
0xc: {  	s28 =	sshrl.u32 s25, $0x1;
	s10 =	sshrl.u32 s10, $0x2;
	s24 =	simm.s32 $0x2  }
0xd: {  	s6 =	sadd.s32 s6, s7;
	s14 =	smul.u32 $0x500, s26;
	s15 =	ssub.s32 s25, s28  }
0xe: {  	s16 =	sadd.s32 s10, s2;
	s18 =	sadd.s32 s31, s12;
	s25 =	simm.s32 $0x4  }
0xf: {  	s26 =	simm.s32 $0x0;
	s11 =	sadd.s32 s6, s5;
	s5 =	sadd.s32 $0x10800, s8  }
0x10: {  	s6 =	sor.u32 $0x1C05, s29;
	s7 =	sadd.s32 s12, s14;
	s8 =	sadd.s32 s13, s14  }
0x11: {  	s30 =	sor.u32 $0x10, s14;
	s11 =	sadd.s32 $0x89200, s11;
	s14 =	sadd.s32 s31, s13  }
0x12: {  	s9 =	sadd.s32 s12, s30;
	s10 =	sadd.s32 s13, s30;
	s12 =	smax.u32 s15, $0x1  }
0x13: {  	s13 =	sadd.s32 s17, s18;
	s14 =	sadd.s32 s17, s14;
	s15 =	sshrl.u32 s16, $0x3  }
0x14: {  	s16 =	simm.s32 $0x5;
	s17 =	simm.s32 $0x80;
	s18 =	simm.s32 $0x200  }
.LBB2_1:
0x15: {  	[spmem:s15], [sflag:s6] =	dma.local [hbm:s5], $0x2800  }
0x16: {  	_ =	swait.ge [sflag:s16], $0x2800  }
0x17: {  	[sflag:s16] =	ssyncset.done $0x0  }
0x18: {  	[sflag:s16] =	ssyncadd.s32 $0xFFFFD800  }
0x19: {  	[bflag:$0x0] =	sbarrier.arrive $0xFFFF  }
0x1a: {  	[tilespmem:s3], [sflag:$0x5] =	stream.linear.gather [hbm4b:s7+s3], $0x80, $0x38;
	[tilespmem:$0x1C200] =	vst v63  }
0x1b: {  	_ =	swait.ge [sflag:s16], $0x80  }
0x1c: {  	[sflag:s16] =	ssyncset.done $0x0  }
0x1d: {  	[sflag:s16] =	ssyncadd.s32 $0xFFFFFF80  }
0x1e: {  	[tilespmem:s17], [sflag:$0x5] =	stream.linear.gather [hbm4b:s8+s3], $0x80, $0x38;
	[tilespmem:$0x1C200] =	vst v63  }
0x1f: {  	_ =	swait.ge [sflag:s16], $0x80  }
0x20: {  	[sflag:s16] =	ssyncset.done $0x0  }
0x21: {  	[sflag:s16] =	ssyncadd.s32 $0xFFFFFF80  }
0x22: {  	[tilespmem:s18], [sflag:$0x1] =	stream.indirect.gather [hbm4b:s4+s17], $0x80, s3, s17, $0xb8;
	[tilespmem:$0x1C200] =	vst v63  }
0x23: {  	_ = 	snop  }
0x24: {  	[tilespmem:s19], [sflag:$0x5] =	stream.linear.gather [hbm4b:s9+s3], $0x80, $0x38;
	[tilespmem:$0x1C200] =	vst v63  }
0x25: {  	_ =	swait.ge [sflag:s16], $0x80  }
0x26: {  	[sflag:s16] =	ssyncset.done $0x0  }
0x27: {  	[sflag:s16] =	ssyncadd.s32 $0xFFFFFF80  }
0x28: {  	[tilespmem:s20], [sflag:$0x5] =	stream.linear.gather [hbm4b:s10+s3], $0x80, $0x38;
	[tilespmem:$0x1C200] =	vst v63  }
0x29: {  	_ =	swait.ge [sflag:s16], $0x80  }
0x2a: {  	[sflag:s16] =	ssyncset.done $0x0  }
0x2b: {  	[sflag:s16] =	ssyncadd.s32 $0xFFFFFF80  }
0x2c: {  	[tilespmem:s21], [sflag:$0x2] =	stream.indirect.gather [hbm4b:s4+s17], $0x80, s19, s17, $0xb8;
	[tilespmem:$0x1C200] =	vst v63  }
0x2d: {  	_ =	swait.ge [sflag:s22], $0x4000  }
0x2e: {  	[sflag:s22] =	ssyncset.done $0x0  }
0x2f: {  	[sflag:s22] =	ssyncadd.s32 $0xFFFFC000  }
0x30: {  	[spmem:s2] =	stream.indirect.scatter.add.f32 [tilespmem:s18], [sflag:$0x3], $0x80, s17, s17, $0xb8;
	[tilespmem:$0x1C200] =	vst v63  }
0x31: {  	_ =	swait.ge [sflag:s23], $0x4000  }
0x32: {  	s28 =	sadd.s32 $0x0, s13;
	[sflag:s23] =	ssyncset.done $0x0  }
0x33: {  	s29 =	sadd.s32 $0x20, s28;
	[sflag:s23] =	ssyncadd.s32 $0xFFFFC000  }
0x34: {  	[tilespmem:s3], [sflag:$0x5] =	stream.linear.gather [hbm4b:s29+s3], $0x80, $0x38;
	[tilespmem:$0x1C200] =	vst v63  }
0x35: {  	_ =	swait.ge [sflag:s16], $0x80  }
0x36: {  	s31 =	sadd.s32 $0x0, s14;
	[sflag:s16] =	ssyncset.done $0x0  }
0x37: {  	s30 =	sadd.s32 $0x20, s31;
	[sflag:s16] =	ssyncadd.s32 $0xFFFFFF80  }
0x38: {  	[tilespmem:s17], [sflag:$0x5] =	stream.linear.gather [hbm4b:s30+s3], $0x80, $0x38;
	[tilespmem:$0x1C200] =	vst v63  }
0x39: {  	_ =	swait.ge [sflag:s16], $0x80  }
0x3a: {  	[sflag:s16] =	ssyncset.done $0x0  }
0x3b: {  	[sflag:s16] =	ssyncadd.s32 $0xFFFFFF80  }
0x3c: {  	[tilespmem:s18], [sflag:$0x1] =	stream.indirect.gather [hbm4b:s4+s17], $0x80, s3, s17, $0xb8;
	[tilespmem:$0x1C200] =	vst v63  }
0x3d: {  	_ =	swait.ge [sflag:s24], $0x4000  }
0x3e: {  	[sflag:s24] =	ssyncset.done $0x0  }
0x3f: {  	[sflag:s24] =	ssyncadd.s32 $0xFFFFC000  }
0x40: {  	[spmem:s2] =	stream.indirect.scatter.add.f32 [tilespmem:s21], [sflag:$0x4], $0x80, s20, s17, $0xb8;
	[tilespmem:$0x1C200] =	vst v63  }
0x41: {  	_ =	swait.ge [sflag:s25], $0x4000  }
0x42: {  	[sflag:s25] =	ssyncset.done $0x0  }
0x43: {  	s28 =	sadd.s32 $0x30, s28;
	[sflag:s25] =	ssyncadd.s32 $0xFFFFC000  }
0x44: {  	[tilespmem:s19], [sflag:$0x5] =	stream.linear.gather [hbm4b:s28+s3], $0x80, $0x38;
	[tilespmem:$0x1C200] =	vst v63  }
0x45: {  	_ =	swait.ge [sflag:s16], $0x80  }
0x46: {  	[sflag:s16] =	ssyncset.done $0x0  }
0x47: {  	s28 =	sadd.s32 $0x30, s31;
	[sflag:s16] =	ssyncadd.s32 $0xFFFFFF80  }
0x48: {  	[tilespmem:s20], [sflag:$0x5] =	stream.linear.gather [hbm4b:s28+s3], $0x80, $0x38;
	[tilespmem:$0x1C200] =	vst v63  }
0x49: {  	_ =	swait.ge [sflag:s16], $0x80  }
0x4a: {  	[sflag:s16] =	ssyncset.done $0x0  }
0x4b: {  	s28 =	simm.s32 $0x20;
	[sflag:s16] =	ssyncadd.s32 $0xFFFFFF80  }
.LBB2_2:
0x4c: {  	[tilespmem:s21], [sflag:$0x2] =	stream.indirect.gather [hbm4b:s4+s17], $0x80, s19, s17, $0xb8;
	[tilespmem:$0x1C200] =	vst v63  }
0x4d: {  	s29 =	smov.u32 s28  }
0x4e: {  	p0 =	sne.s32 s28, $0x4C0;
	s28 =	sadd.s32 $0x20, s28;
	_ =	swait.ge [sflag:s22], $0x4000  }
0x4f: {  	[sflag:s22] =	ssyncset.done $0x0  }
0x50: {  	[sflag:s22] =	ssyncadd.s32 $0xFFFFC000  }
0x51: {  	[spmem:s2] =	stream.indirect.scatter.add.f32 [tilespmem:s18], [sflag:$0x3], $0x80, s17, s17, $0xb8;
	[tilespmem:$0x1C200] =	vst v63  }
0x52: {  	_ =	swait.ge [sflag:s23], $0x4000  }
0x53: {  	s30 =	sadd.s32 s29, s13;
	[sflag:s23] =	ssyncset.done $0x0  }
0x54: {  	s31 =	sadd.s32 $0x20, s30;
	[sflag:s23] =	ssyncadd.s32 $0xFFFFC000  }
0x55: {  	[tilespmem:s3], [sflag:$0x5] =	stream.linear.gather [hbm4b:s31+s3], $0x80, $0x38;
	[tilespmem:$0x1C200] =	vst v63  }
0x56: {  	_ =	swait.ge [sflag:s16], $0x80  }
0x57: {  	s29 =	sadd.s32 s29, s14;
	[sflag:s16] =	ssyncset.done $0x0  }
0x58: {  	s31 =	sadd.s32 $0x20, s29;
	[sflag:s16] =	ssyncadd.s32 $0xFFFFFF80  }
0x59: {  	[tilespmem:s17], [sflag:$0x5] =	stream.linear.gather [hbm4b:s31+s3], $0x80, $0x38;
	[tilespmem:$0x1C200] =	vst v63  }
0x5a: {  	_ =	swait.ge [sflag:s16], $0x80  }
0x5b: {  	[sflag:s16] =	ssyncset.done $0x0  }
0x5c: {  	[sflag:s16] =	ssyncadd.s32 $0xFFFFFF80  }
0x5d: {  	[tilespmem:s18], [sflag:$0x1] =	stream.indirect.gather [hbm4b:s4+s17], $0x80, s3, s17, $0xb8;
	[tilespmem:$0x1C200] =	vst v63  }
0x5e: {  	_ =	swait.ge [sflag:s24], $0x4000  }
0x5f: {  	[sflag:s24] =	ssyncset.done $0x0  }
0x60: {  	[sflag:s24] =	ssyncadd.s32 $0xFFFFC000  }
0x61: {  	[spmem:s2] =	stream.indirect.scatter.add.f32 [tilespmem:s21], [sflag:$0x4], $0x80, s20, s17, $0xb8;
	[tilespmem:$0x1C200] =	vst v63  }
0x62: {  	_ =	swait.ge [sflag:s25], $0x4000  }
0x63: {  	[sflag:s25] =	ssyncset.done $0x0  }
0x64: {  	s30 =	sadd.s32 $0x30, s30;
	[sflag:s25] =	ssyncadd.s32 $0xFFFFC000  }
0x65: {  	[tilespmem:s19], [sflag:$0x5] =	stream.linear.gather [hbm4b:s30+s3], $0x80, $0x38;
	[tilespmem:$0x1C200] =	vst v63  }
0x66: {  	_ =	swait.ge [sflag:s16], $0x80  }
0x67: {  	[sflag:s16] =	ssyncset.done $0x0  }
.Ltmp0:
0x68: {  	s29 =	sadd.s32 $0x30, s29;
	[sflag:s16] =	ssyncadd.s32 $0xFFFFFF80;
	(pc) =	sbr.rel @p0 .LBB2_2-.Ltmp0, $4  }
0x69: {  	[tilespmem:s20], [sflag:$0x5] =	stream.linear.gather [hbm4b:s29+s3], $0x80, $0x38;
	[tilespmem:$0x1C200] =	vst v63  }
0x6a: {  	_ =	swait.ge [sflag:s16], $0x80  }
0x6b: {  	[sflag:s16] =	ssyncset.done $0x0  }
0x6c: {  	[sflag:s16] =	ssyncadd.s32 $0xFFFFFF80  }
0x6d: {  	[tilespmem:s21], [sflag:$0x2] =	stream.indirect.gather [hbm4b:s4+s17], $0x80, s19, s17, $0xb8;
	[tilespmem:$0x1C200] =	vst v63  }
0x6e: {  	_ =	swait.ge [sflag:s22], $0x4000  }
0x6f: {  	[sflag:s22] =	ssyncset.done $0x0  }
0x70: {  	[sflag:s22] =	ssyncadd.s32 $0xFFFFC000  }
0x71: {  	[spmem:s2] =	stream.indirect.scatter.add.f32 [tilespmem:s18], [sflag:$0x3], $0x80, s17, s17, $0xb8;
	[tilespmem:$0x1C200] =	vst v63  }
0x72: {  	_ =	swait.ge [sflag:s24], $0x4000  }
0x73: {  	[sflag:s24] =	ssyncset.done $0x0  }
0x74: {  	[sflag:s24] =	ssyncadd.s32 $0xFFFFC000  }
0x75: {  	[spmem:s2] =	stream.indirect.scatter.add.f32 [tilespmem:s21], [sflag:$0x4], $0x80, s20, s17, $0xb8;
	[tilespmem:$0x1C200] =	vst v63  }
0x76: {  	_ =	swait.ge [sflag:s23], $0x4000  }
0x77: {  	[sflag:s23] =	ssyncset.done $0x0  }
0x78: {  	[sflag:s23] =	ssyncadd.s32 $0xFFFFC000  }
0x79: {  	_ =	swait.ge [sflag:s25], $0x4000  }
0x7a: {  	s26 =	sadd.s32 $0x1, s26;
	[sflag:s25] =	ssyncset.done $0x0  }
0x7b: {  	p0 =	sne.s32 s26, s12;
	[sflag:s25] =	ssyncadd.s32 $0xFFFFC000  }
.Ltmp1:
0x7c: {  	[bflag:$0x0] =	sbarrier.arrive $0xFFFF;
	(pc) =	sbr.rel @p0 .LBB2_1-.Ltmp1, $4  }
0x7d: {  	[hbm:s11], [sflag:s6] =	dma.local [spmem:s15], $0x2800  }
0x7e: {  	_ =	swait.ge [sflag:s16], $0x2800  }
0x7f: {  	[sflag:s16] =	ssyncset.done $0x0  }
0x80: {  	[sflag:s16] =	ssyncadd.s32 $0xFFFFD800  }
0x81: {  	_ =	sfence.sel $0x180000  }
0x82: {  	[bflag:$0x0] =	sbarrier.arrive $0xFFFF  }
0x83: {  	p0 =	sne.s32 s1, $0x0;
	_ =	strace $0x90000050  }
0x84: {  	s0 =	sadd.s32 @!p0 $0x100000, s0;
	[bflag:$0x2] =	sbarrier.arrive $0xFFFF  }
0x85: {  	[sflag:s0] =	ssyncadd.tile.s32 @!p0 $0x1;
	_ =	shalt  }
.Lfunc_end2:
_tile_overlayer_lowered:
.L_overlay_start_2:
0x86: {  	(tag) =	ssettag $0x2  }
0x87: {  	s0 =	rddreg [dreg:$0x0];
	s2 =	stileid.u32  }
0x88: {  	s1 =	rddreg [dreg:$0x1];
	p0 =	sne.s32 s2, $0x0  }
0x89: {  	s3 =	rddreg [dreg:$0x2];
	[bflag:$0x3] =	sbarrier.arrive $0xFFFF;
	s2 =	simm.s32 @!p0 $0x1C05  }
0x8a: {  	[timem:s3], [sflag:s2] =	dma.local @!p0 [hbm:s0], s1  }
0x8b: {  	s0 =	simm.s32 @!p0 $0x5  }
0x8c: {  	_ =	swait.ge @!p0 [sflag:s0], s1  }
0x8d: {  	s1 =	ssub.s32 @!p0 $0x0, s1;
	[sflag:s0] =	ssyncset.done @!p0 $0x0  }
0x8e: {  	[sflag:s0] =	ssyncadd.s32 @!p0 s1  }
0x8f: {  	[bflag:$0x3] =	sbarrier.arrive $0xFFFF  }
0x90: {  	_ =	shalt  }

// kernel: kernel.24.cloned.1.call-start
scs
__scs_entry_jumppad:
0x0: {  	(pc) =	sbr.rel $0x88, $3  }
0x1: {  	(tag) =	ssettag $0x0;
	lr =	simm.s32 $0x1  }
0x2: {  	[smem:$0x3F93] =	sst lr;
	_ =	strace $0xD0000000  }
0x3: {  	_ = 	snop  }
0x4: {  	_ = 	snop  }
0x5: {  	_ = 	snop  }
0x6: {  	_ = 	snop  }
0x7: {  	_ = 	snop  }
__scs_overlays_trampoline_lowered:
0x8: {  	[smem:$0x3FA2] =	sst s0  }
0x9: {  	[smem:$0x3FA3] =	sst s1  }
0xa: {  	[smem:$0x3FA4] =	sst s2  }
0xb: {  	[smem:$0x3FA5] =	sst s3  }
0xc: {  	[smem:$0x3FA6] =	sst s4  }
0xd: {  	[smem:$0x3FA7] =	sst s5  }
0xe: {  	[smem:$0x3FA8] =	sst s6  }
0xf: {  	[smem:$0x3FA9] =	sst s7  }
0x10: {  	[smem:$0x3FAA] =	sst s8  }
0x11: {  	[smem:$0x3FAB] =	sst s9;
	s0 =	simm.s32 @!p0 $0x0  }
0x12: {  	s1 =	sld [smem:$0x3F91];
	s0 =	simm.s32 @p0 $0x1  }
0x13: {  	[smem:$0x3FAC] =	sst s0;
	s0 =	simm.s32 @!p1 $0x0  }
0x14: {  	s2 =	sld [smem:$0x3F90];
	s0 =	simm.s32 @p1 $0x1  }
0x15: {  	[smem:$0x3FAD] =	sst s0;
	s0 =	simm.s32 @!p2 $0x0  }
0x16: {  	s3 =	sld [smem:$0x3FDB];
	s0 =	simm.s32 @p2 $0x1  }
0x17: {  	s4 =	simm.s32 $0x1BF5;
	[smem:$0x3FAF] =	sst s0  }
0x18: {  	s0 =	sld [smem:$0x3F92];
	_ =	swait.ge [sflag:s4], $0x0  }
0x19: {  	s7 =	sld [smem:$0x3F93]  }
0x1a: {  	s8 =	sadd.s32 $0xFFFFE003, lr  }
0x1b: {  	s9 =	sadd.s32 $0xFFFFFEF7, lr;
	s5 =	simm.s32 $0xFFFFFFFF;
	p2 =	slt.u32 s8, $0xFFFFF086  }
0x1c: {  	p1 =	slt.u32 s9, $0xF7A;
	s5 =	simm.s32 @!p2 $0x0  }
0x1d: {  	s5 =	simm.s32 @p1 $0x1;
	p0 =	seq.s32 s7, s2  }
0x1e: {  	s7 =	smul.u32 @!p0 $0xF7A, s2;
	p2 =	seq.s32 @!p0 s5, $0x0  }
0x1f: {  	s9 =	smul.u32 $0xF7A, s1;
	s8 =	simm.s32 @!p0 $0x1BF5;
	p2 =	por !p2, p0  }
0x20: {  	[sflag:s8] =	ssyncset.s32 @!p0 $0xFFFFF086;
	s6 =	sadd.s32 @!p0 s3, s7;
	s7 =	simm.s32 @!p0 $0x108  }
0x21: {  	s3 =	sadd.s32 s3, s9;
	s6 =	sadd.s32 @!p0 $0x88, s6;
	s7 =	simm.s32 @p2 $0x1082  }
0x22: {  	[simem:s7], [sflag:s8] =	dma.local @!p0 [hbm:s6], $0xF7A  }
0x23: {  	s9 =	sor.u32 $0xD0000000, s2;
	s6 =	simm.s32 $0x108;
	_ =	swait.ge @!p0 [sflag:s8], $0x0  }
0x24: {  	s3 =	sadd.s32 $0x88, s3;
	s6 =	simm.s32 @!p1 $0x1082;
	[sflag:s4] =	ssyncset.s32 $0xFFFFF086  }
0x25: {  	[simem:s6], [sflag:s4] =	dma.local [hbm:s3], $0xF7A  }
0x26: {  	[smem:$0x3F93] =	sst s1;
	(tag) =	ssettag s2;
	_ =	strace s9  }
0x27: {  	s1 =	sld [smem:$0x3FA3]  }
0x28: {  	s2 =	sld [smem:$0x3FA4]  }
0x29: {  	s4 =	sld [smem:$0x3FA6]  }
0x2a: {  	p0 =	seq.s32 s5, $0x0;
	s5 =	sld [smem:$0x3FA7]  }
0x2b: {  	s6 =	sld [smem:$0x3FA8]  }
0x2c: {  	s7 =	sld [smem:$0x3FA9]  }
0x2d: {  	s3 =	simm.s32 $0x108;
	s8 =	sld [smem:$0x3FAA]  }
0x2e: {  	s3 =	simm.s32 @!p0 $0x1082;
	s9 =	sld [smem:$0x3FAB]  }
0x2f: {  	lr =	sadd.s32 s0, s3;
	s0 =	sld [smem:$0x3FA2]  }
0x30: {  	s3 =	sld [smem:$0x3FA5]  }
0x31: {  	[smem:$0x3FAE] =	sst s10  }
0x32: {  	s10 =	sld [smem:$0x3FAC];
	_ =	sdelay $0x3  }
0x33: {  	p0 =	seq.s32 s10, $0x1;
	s10 =	sld [smem:$0x3FAE];
	_ =	sdelay $0x3  }
0x34: {  	[smem:$0x3FAE] =	sst s10  }
0x35: {  	s10 =	sld [smem:$0x3FAD];
	_ =	sdelay $0x3  }
0x36: {  	p1 =	seq.s32 s10, $0x1;
	s10 =	sld [smem:$0x3FAE];
	_ =	sdelay $0x3  }
0x37: {  	[smem:$0x3FAE] =	sst s10  }
0x38: {  	s10 =	sld [smem:$0x3FAF]  }
0x39: {  	_ = 	snop;
	(pc) =	sbr.ind lr, $3  }
0x3a: {  	_ = 	snop  }
0x3b: {  	_ = 	snop  }
0x3c: {  	p2 =	seq.s32 s10, $0x1;
	s10 =	sld [smem:$0x3FAE]  }
0x3d: {  	_ =	shalt  }
0x3e: {  	_ =	shalt  }
0x3f: {  	_ =	shalt  }
0x40: {  	_ =	shalt  }
0x41: {  	_ =	shalt  }
0x42: {  	_ =	shalt  }
0x43: {  	_ =	shalt  }
0x44: {  	_ =	shalt  }
0x45: {  	_ =	shalt  }
0x46: {  	_ =	shalt  }
0x47: {  	_ =	shalt  }
0x48: {  	_ =	shalt  }
0x49: {  	_ =	shalt  }
0x4a: {  	_ =	shalt  }
0x4b: {  	_ =	shalt  }
0x4c: {  	_ =	shalt  }
0x4d: {  	_ =	shalt  }
0x4e: {  	_ =	shalt  }
0x4f: {  	_ =	shalt  }
0x50: {  	_ =	shalt  }
0x51: {  	_ =	shalt  }
0x52: {  	_ =	shalt  }
0x53: {  	_ =	shalt  }
0x54: {  	_ =	shalt  }
0x55: {  	_ =	shalt  }
0x56: {  	_ =	shalt  }
0x57: {  	_ =	shalt  }
0x58: {  	_ =	shalt  }
0x59: {  	_ =	shalt  }
0x5a: {  	_ =	shalt  }
0x5b: {  	_ =	shalt  }
0x5c: {  	_ =	shalt  }
0x5d: {  	_ =	shalt  }
0x5e: {  	_ =	shalt  }
0x5f: {  	_ =	shalt  }
0x60: {  	_ =	shalt  }
0x61: {  	_ =	shalt  }
0x62: {  	_ =	shalt  }
0x63: {  	_ =	shalt  }
0x64: {  	_ =	shalt  }
0x65: {  	_ =	shalt  }
0x66: {  	_ =	shalt  }
0x67: {  	_ =	shalt  }
0x68: {  	_ =	shalt  }
0x69: {  	_ =	shalt  }
0x6a: {  	_ =	shalt  }
0x6b: {  	_ =	shalt  }
0x6c: {  	_ =	shalt  }
0x6d: {  	_ =	shalt  }
0x6e: {  	_ =	shalt  }
0x6f: {  	_ =	shalt  }
0x70: {  	_ =	shalt  }
0x71: {  	_ =	shalt  }
0x72: {  	_ =	shalt  }
0x73: {  	_ =	shalt  }
0x74: {  	_ =	shalt  }
0x75: {  	_ =	shalt  }
0x76: {  	_ =	shalt  }
0x77: {  	_ =	shalt  }
0x78: {  	_ =	shalt  }
0x79: {  	_ =	shalt  }
0x7a: {  	_ =	shalt  }
0x7b: {  	_ =	shalt  }
0x7c: {  	_ =	shalt  }
0x7d: {  	_ =	shalt  }
0x7e: {  	_ =	shalt  }
0x7f: {  	_ =	shalt  }
0x80: {  	_ =	shalt  }
0x81: {  	_ =	shalt  }
0x82: {  	_ =	shalt  }
0x83: {  	_ =	shalt  }
0x84: {  	_ =	shalt  }
0x85: {  	_ =	shalt  }
0x86: {  	_ =	shalt  }
0x87: {  	_ =	shalt  }
.Lfunc_end0:
.L_simem_size_0:
called_computation.4_lowered:
.L_overlay_start_0:
0x88: {  	s2 =	sld [smem:$0x3FD9]  }
0x89: {  	s3 =	sld [smem:$0x3FFE];
	_ =	sdelay $0x1  }
0x8a: {  	s1 =	srdreg.scid  }
0x8b: {  	s0 =	sand.u32 $0x1, s1  }
0x8c: {  	s17 =	sshll.u32 s0, $0xA;
	s2 =	sadd.s32 s3, s2  }
0x8d: {  	s2 =	sadd.s32 s2, s17  }
0x8e: {  	[smem:$0x3FBA] =	sst s2  }
0x8f: {  	_ = 	snop  }
0x90: {  	s2 =	sld [smem:$0x3FD0];
	(tm) =	ssettm $0x1  }
0x91: {  	s18 =	sld [smem:$0x3FFB];
	_ =	sdelay $0x3  }
0x92: {  	_ =	strace s18  }
0x93: {  	s3 =	sld [smem:$0x3FFC];
	_ =	sdelay $0x3  }
0x94: {  	_ =	strace s3  }
0x95: {  	s3 =	sld [smem:$0x3FFD];
	_ =	sdelay $0x3  }
0x96: {  	_ =	strace s3  }
0x97: {  	_ =	strace $0x8FFFFFFF  }
0x98: {  	s19 =	sld [smem:$0x3FDB];
	_ =	sdelay $0x1  }
0x99: {  	s4 =	simm.s32 $_scs_section_size  }
0x9a: {  	s5 =	simm.s32 $_size__tile_overlayer_lowered;
	s6 =	simm.s32 $_tile_overlayer_lowered  }
0x9b: {  	s22 =	simm.s32 $0x1BFF;
	s21 =	sshll.u32 s6, $0x1;
	s3 =	sadd.s32 s4, s19  }
0x9c: {  	s7 =	simm.s32 $0x0;
	s20 =	sshll.u32 s5, $0x1;
	s5 =	sadd.s32 s21, s3  }
0x9d: {  	[timem:s7], [sflag:s22] =	dma.local [hbm:s5], s20  }
0x9e: {  	_ =	swait.ge [sflag:s22], s20  }
0x9f: {  	s4 =	ssub.s32 $0x0, s20;
	[sflag:s22] =	ssyncset.done $0x0  }
0xa0: {  	[sflag:s22] =	ssyncadd.s32 s4;
	_ =	sdelay $0x1  }
0xa1: {  	s23 =	simm.s32 $0x1B8B  }
0xa2: {  	_ =	swait.ge [sflag:s23], $0x1  }
0xa3: {  	[sflag:s23] =	ssyncset.done $0x0  }
0xa4: {  	s25 =	simm.s32 $0x1B8E;
	s24 =	sld [smem:$0x3FFE];
	[sflag:s23] =	ssyncadd.s32 $0xFFFFFFFF  }
0xa5: {  	s26 =	simm.s32 $execute0_lowered;
	[smem:$0x3FD2] =	sst s25  }
0xa6: {  	s5 =	sshll.u32 s26, $0x1;
	_ =	strace $0x80000052;
	[dreg:$0x1] =	wrdreg $0xFFFFFFFF  }
0xa7: {  	s28 =	simm.s32 $_size_execute0_lowered;
	s3 =	sadd.s32 s3, s5;
	[dreg:$0x0] =	wrdreg $0x0  }
0xa8: {  	s5 =	sshll.u32 s28, $0x1;
	[dreg:$0x2] =	wrdreg s3  }
0xa9: {  	[dreg:$0x3] =	wrdreg s5  }
0xaa: {  	[dreg:$0x4] =	wrdreg $0xC0  }
0xab: {  	_ =	task [dreg:s7], $0x5FFFF  }
0xac: {  	[dreg:$0x1] =	wrdreg $0xFFFFFFFF  }
0xad: {  	[dreg:$0x0] =	wrdreg $0x60  }
0xae: {  	[dreg:$0x2] =	wrdreg s2  }
0xaf: {  	[dreg:$0x3] =	wrdreg s24  }
0xb0: {  	[dreg:$0x4] =	wrdreg $0x82000  }
0xb1: {  	[dreg:$0x5] =	wrdreg $0x9  }
0xb2: {  	_ =	task.clear_ibuf [dreg:s7], $0x6FFFF;
	_ =	strace $0x90000052  }
0xb3: {  	s29 =	simm.s32 $0x9;
	_ =	strace $0x80000054  }
0xb4: {  	_ =	swait.ge [sflag:s29], $0x1  }
0xb5: {  	[sflag:s29] =	ssyncadd.s32 $0xFFFFFFFF  }
0xb6: {  	_ =	strace $0x90000054  }
0xb7: {  	_ =	sfence  }
0xb8: {  	s30 =	sld [smem:$0x0];
	_ =	sdelay $0x2  }
0xb9: {  	s31 =	sshll.u32 s1, $0xD;
	s1 =	sshrl.u32 s1, $0x2  }
0xba: {  	s3 =	sand.u32 $0x4000, s31;
	s1 =	sadd.s32 s1, s30  }
0xbb: {  	s0 =	sor.u32 s3, s0;
	s1 =	sshll.u32 s1, $0x11  }
0xbc: {  	s0 =	sor.u32 s1, s0  }
0xbd: {  	s0 =	sadd.s32 $0x8F2B, s0  }
0xbe: {  	[sflag:s0] =	ssyncadd.remote.s32 $0x1  }
0xbf: {  	_ =	sfence.sel $0xFFFF  }
0xc0: {  	[dreg:$0x0] =	wrdreg $0xFFFFFFFF;
	(pc) =	sbr.abs _section_cstart, $3  }
0xc1: {  	[dreg:$0x1] =	wrdreg $0xFFFFFFFF  }
0xc2: {  	_ =	task.clear_ibuf [dreg:s7], $0x2FFFF;
	_ =	strace $0x9FFFFFFF  }
0xc3: {  	(tm) =	ssettm $0x7FFFFFFF  }
tec
execute0_lowered:
.L_overlay_start_1:
0x0: {  	(tag) =	ssettag $0x1  }
0x1: {  	s12 =	rddreg [dreg:$0x0]  }
0x2: {  	s5 =	rddreg [dreg:$0x1]  }
0x3: {  	s2 =	rddreg [dreg:$0x2]  }
0x4: {  	s0 =	rddreg [dreg:$0x3];
	s3 =	simm.s32 $0x0;
	s1 =	stileid.u32  }
0x5: {  	s4 =	srdreg.scid;
	s19 =	simm.s32 $0x100;
	s20 =	simm.s32 $0x180  }
0x6: {  	s21 =	simm.s32 $0x4200;
	s22 =	simm.s32 $0x1;
	s23 =	simm.s32 $0x3  }
0x7: {  	[smem:$0x7FF] =	sst s3;
	s6 =	smul.u32 $0x2800, s1;
	s9 =	sand.u32 $0x1, s4  }
0x8: {  	s13 =	sadd.s32 $0x6800, s5;
	s4 =	sadd.s32 $0x38800, s5;
	s10 =	smul.u32 $0x50000, s1  }
0x9: {  	s29 =	sshll.u32 s1, $0x6;
	s17 =	smul.u32 $0x500, s1;
	_ =	strace $0x80000053  }
0xa: {  	s7 =	smul.u32 $0x28000, s9;
	s24 =	sshll.u32 s9, $0x4;
	s25 =	ssub.s32 $0x2, s9  }
0xb: {  	s31 =	smul.u32 $0x5000, s9;
	s8 =	sadd.s32 s6, s5;
	s26 =	sor.u32 s1, s24  }
0xc: {  	s28 =	sshrl.u32 s25, $0x1;
	s10 =	sshrl.u32 s10, $0x2;
	s24 =	simm.s32 $0x2  }
0xd: {  	s6 =	sadd.s32 s6, s7;
	s14 =	smul.u32 $0x500, s26;
	s15 =	ssub.s32 s25, s28  }
0xe: {  	s16 =	sadd.s32 s10, s2;
	s18 =	sadd.s32 s31, s12;
	s25 =	simm.s32 $0x4  }
0xf: {  	s26 =	simm.s32 $0x0;
	s11 =	sadd.s32 s6, s5;
	s5 =	sadd.s32 $0x10800, s8  }
0x10: {  	s6 =	sor.u32 $0x1C05, s29;
	s7 =	sadd.s32 s12, s14;
	s8 =	sadd.s32 s13, s14  }
0x11: {  	s30 =	sor.u32 $0x10, s14;
	s11 =	sadd.s32 $0x89200, s11;
	s14 =	sadd.s32 s31, s13  }
0x12: {  	s9 =	sadd.s32 s12, s30;
	s10 =	sadd.s32 s13, s30;
	s12 =	smax.u32 s15, $0x1  }
0x13: {  	s13 =	sadd.s32 s17, s18;
	s14 =	sadd.s32 s17, s14;
	s15 =	sshrl.u32 s16, $0x3  }
0x14: {  	s16 =	simm.s32 $0x5;
	s17 =	simm.s32 $0x80;
	s18 =	simm.s32 $0x200  }
.LBB2_1:
0x15: {  	[spmem:s15], [sflag:s6] =	dma.local [hbm:s5], $0x2800  }
0x16: {  	_ =	swait.ge [sflag:s16], $0x2800  }
0x17: {  	[sflag:s16] =	ssyncset.done $0x0  }
0x18: {  	[sflag:s16] =	ssyncadd.s32 $0xFFFFD800  }
0x19: {  	[bflag:$0x0] =	sbarrier.arrive $0xFFFF  }
0x1a: {  	[tilespmem:s3], [sflag:$0x5] =	stream.linear.gather [hbm4b:s7+s3], $0x80, $0x38;
	[tilespmem:$0x1C200] =	vst v63  }
0x1b: {  	_ =	swait.ge [sflag:s16], $0x80  }
0x1c: {  	[sflag:s16] =	ssyncset.done $0x0  }
0x1d: {  	[sflag:s16] =	ssyncadd.s32 $0xFFFFFF80  }
0x1e: {  	[tilespmem:s17], [sflag:$0x5] =	stream.linear.gather [hbm4b:s8+s3], $0x80, $0x38;
	[tilespmem:$0x1C200] =	vst v63  }
0x1f: {  	_ =	swait.ge [sflag:s16], $0x80  }
0x20: {  	[sflag:s16] =	ssyncset.done $0x0  }
0x21: {  	[sflag:s16] =	ssyncadd.s32 $0xFFFFFF80  }
0x22: {  	[tilespmem:s18], [sflag:$0x1] =	stream.indirect.gather [hbm4b:s4+s17], $0x80, s3, s17, $0xb8;
	[tilespmem:$0x1C200] =	vst v63  }
0x23: {  	_ = 	snop  }
0x24: {  	[tilespmem:s19], [sflag:$0x5] =	stream.linear.gather [hbm4b:s9+s3], $0x80, $0x38;
	[tilespmem:$0x1C200] =	vst v63  }
0x25: {  	_ =	swait.ge [sflag:s16], $0x80  }
0x26: {  	[sflag:s16] =	ssyncset.done $0x0  }
0x27: {  	[sflag:s16] =	ssyncadd.s32 $0xFFFFFF80  }
0x28: {  	[tilespmem:s20], [sflag:$0x5] =	stream.linear.gather [hbm4b:s10+s3], $0x80, $0x38;
	[tilespmem:$0x1C200] =	vst v63  }
0x29: {  	_ =	swait.ge [sflag:s16], $0x80  }
0x2a: {  	[sflag:s16] =	ssyncset.done $0x0  }
0x2b: {  	[sflag:s16] =	ssyncadd.s32 $0xFFFFFF80  }
0x2c: {  	[tilespmem:s21], [sflag:$0x2] =	stream.indirect.gather [hbm4b:s4+s17], $0x80, s19, s17, $0xb8;
	[tilespmem:$0x1C200] =	vst v63  }
0x2d: {  	_ =	swait.ge [sflag:s22], $0x4000  }
0x2e: {  	[sflag:s22] =	ssyncset.done $0x0  }
0x2f: {  	[sflag:s22] =	ssyncadd.s32 $0xFFFFC000  }
0x30: {  	[spmem:s2] =	stream.indirect.scatter.add.f32 [tilespmem:s18], [sflag:$0x3], $0x80, s17, s17, $0xb8;
	[tilespmem:$0x1C200] =	vst v63  }
0x31: {  	_ =	swait.ge [sflag:s23], $0x4000  }
0x32: {  	s28 =	sadd.s32 $0x0, s13;
	[sflag:s23] =	ssyncset.done $0x0  }
0x33: {  	s29 =	sadd.s32 $0x20, s28;
	[sflag:s23] =	ssyncadd.s32 $0xFFFFC000  }
0x34: {  	[tilespmem:s3], [sflag:$0x5] =	stream.linear.gather [hbm4b:s29+s3], $0x80, $0x38;
	[tilespmem:$0x1C200] =	vst v63  }
0x35: {  	_ =	swait.ge [sflag:s16], $0x80  }
0x36: {  	s31 =	sadd.s32 $0x0, s14;
	[sflag:s16] =	ssyncset.done $0x0  }
0x37: {  	s30 =	sadd.s32 $0x20, s31;
	[sflag:s16] =	ssyncadd.s32 $0xFFFFFF80  }
0x38: {  	[tilespmem:s17], [sflag:$0x5] =	stream.linear.gather [hbm4b:s30+s3], $0x80, $0x38;
	[tilespmem:$0x1C200] =	vst v63  }
0x39: {  	_ =	swait.ge [sflag:s16], $0x80  }
0x3a: {  	[sflag:s16] =	ssyncset.done $0x0  }
0x3b: {  	[sflag:s16] =	ssyncadd.s32 $0xFFFFFF80  }
0x3c: {  	[tilespmem:s18], [sflag:$0x1] =	stream.indirect.gather [hbm4b:s4+s17], $0x80, s3, s17, $0xb8;
	[tilespmem:$0x1C200] =	vst v63  }
0x3d: {  	_ =	swait.ge [sflag:s24], $0x4000  }
0x3e: {  	[sflag:s24] =	ssyncset.done $0x0  }
0x3f: {  	[sflag:s24] =	ssyncadd.s32 $0xFFFFC000  }
0x40: {  	[spmem:s2] =	stream.indirect.scatter.add.f32 [tilespmem:s21], [sflag:$0x4], $0x80, s20, s17, $0xb8;
	[tilespmem:$0x1C200] =	vst v63  }
0x41: {  	_ =	swait.ge [sflag:s25], $0x4000  }
0x42: {  	[sflag:s25] =	ssyncset.done $0x0  }
0x43: {  	s28 =	sadd.s32 $0x30, s28;
	[sflag:s25] =	ssyncadd.s32 $0xFFFFC000  }
0x44: {  	[tilespmem:s19], [sflag:$0x5] =	stream.linear.gather [hbm4b:s28+s3], $0x80, $0x38;
	[tilespmem:$0x1C200] =	vst v63  }
0x45: {  	_ =	swait.ge [sflag:s16], $0x80  }
0x46: {  	[sflag:s16] =	ssyncset.done $0x0  }
0x47: {  	s28 =	sadd.s32 $0x30, s31;
	[sflag:s16] =	ssyncadd.s32 $0xFFFFFF80  }
0x48: {  	[tilespmem:s20], [sflag:$0x5] =	stream.linear.gather [hbm4b:s28+s3], $0x80, $0x38;
	[tilespmem:$0x1C200] =	vst v63  }
0x49: {  	_ =	swait.ge [sflag:s16], $0x80  }
0x4a: {  	[sflag:s16] =	ssyncset.done $0x0  }
0x4b: {  	s28 =	simm.s32 $0x20;
	[sflag:s16] =	ssyncadd.s32 $0xFFFFFF80  }
.LBB2_2:
0x4c: {  	[tilespmem:s21], [sflag:$0x2] =	stream.indirect.gather [hbm4b:s4+s17], $0x80, s19, s17, $0xb8;
	[tilespmem:$0x1C200] =	vst v63  }
0x4d: {  	s29 =	smov.u32 s28  }
0x4e: {  	p0 =	sne.s32 s28, $0x4C0;
	s28 =	sadd.s32 $0x20, s28;
	_ =	swait.ge [sflag:s22], $0x4000  }
0x4f: {  	[sflag:s22] =	ssyncset.done $0x0  }
0x50: {  	[sflag:s22] =	ssyncadd.s32 $0xFFFFC000  }
0x51: {  	[spmem:s2] =	stream.indirect.scatter.add.f32 [tilespmem:s18], [sflag:$0x3], $0x80, s17, s17, $0xb8;
	[tilespmem:$0x1C200] =	vst v63  }
0x52: {  	_ =	swait.ge [sflag:s23], $0x4000  }
0x53: {  	s30 =	sadd.s32 s29, s13;
	[sflag:s23] =	ssyncset.done $0x0  }
0x54: {  	s31 =	sadd.s32 $0x20, s30;
	[sflag:s23] =	ssyncadd.s32 $0xFFFFC000  }
0x55: {  	[tilespmem:s3], [sflag:$0x5] =	stream.linear.gather [hbm4b:s31+s3], $0x80, $0x38;
	[tilespmem:$0x1C200] =	vst v63  }
0x56: {  	_ =	swait.ge [sflag:s16], $0x80  }
0x57: {  	s29 =	sadd.s32 s29, s14;
	[sflag:s16] =	ssyncset.done $0x0  }
0x58: {  	s31 =	sadd.s32 $0x20, s29;
	[sflag:s16] =	ssyncadd.s32 $0xFFFFFF80  }
0x59: {  	[tilespmem:s17], [sflag:$0x5] =	stream.linear.gather [hbm4b:s31+s3], $0x80, $0x38;
	[tilespmem:$0x1C200] =	vst v63  }
0x5a: {  	_ =	swait.ge [sflag:s16], $0x80  }
0x5b: {  	[sflag:s16] =	ssyncset.done $0x0  }
0x5c: {  	[sflag:s16] =	ssyncadd.s32 $0xFFFFFF80  }
0x5d: {  	[tilespmem:s18], [sflag:$0x1] =	stream.indirect.gather [hbm4b:s4+s17], $0x80, s3, s17, $0xb8;
	[tilespmem:$0x1C200] =	vst v63  }
0x5e: {  	_ =	swait.ge [sflag:s24], $0x4000  }
0x5f: {  	[sflag:s24] =	ssyncset.done $0x0  }
0x60: {  	[sflag:s24] =	ssyncadd.s32 $0xFFFFC000  }
0x61: {  	[spmem:s2] =	stream.indirect.scatter.add.f32 [tilespmem:s21], [sflag:$0x4], $0x80, s20, s17, $0xb8;
	[tilespmem:$0x1C200] =	vst v63  }
0x62: {  	_ =	swait.ge [sflag:s25], $0x4000  }
0x63: {  	[sflag:s25] =	ssyncset.done $0x0  }
0x64: {  	s30 =	sadd.s32 $0x30, s30;
	[sflag:s25] =	ssyncadd.s32 $0xFFFFC000  }
0x65: {  	[tilespmem:s19], [sflag:$0x5] =	stream.linear.gather [hbm4b:s30+s3], $0x80, $0x38;
	[tilespmem:$0x1C200] =	vst v63  }
0x66: {  	_ =	swait.ge [sflag:s16], $0x80  }
0x67: {  	[sflag:s16] =	ssyncset.done $0x0  }
.Ltmp0:
0x68: {  	s29 =	sadd.s32 $0x30, s29;
	[sflag:s16] =	ssyncadd.s32 $0xFFFFFF80;
	(pc) =	sbr.rel @p0 .LBB2_2-.Ltmp0, $4  }
0x69: {  	[tilespmem:s20], [sflag:$0x5] =	stream.linear.gather [hbm4b:s29+s3], $0x80, $0x38;
	[tilespmem:$0x1C200] =	vst v63  }
0x6a: {  	_ =	swait.ge [sflag:s16], $0x80  }
0x6b: {  	[sflag:s16] =	ssyncset.done $0x0  }
0x6c: {  	[sflag:s16] =	ssyncadd.s32 $0xFFFFFF80  }
0x6d: {  	[tilespmem:s21], [sflag:$0x2] =	stream.indirect.gather [hbm4b:s4+s17], $0x80, s19, s17, $0xb8;
	[tilespmem:$0x1C200] =	vst v63  }
0x6e: {  	_ =	swait.ge [sflag:s22], $0x4000  }
0x6f: {  	[sflag:s22] =	ssyncset.done $0x0  }
0x70: {  	[sflag:s22] =	ssyncadd.s32 $0xFFFFC000  }
0x71: {  	[spmem:s2] =	stream.indirect.scatter.add.f32 [tilespmem:s18], [sflag:$0x3], $0x80, s17, s17, $0xb8;
	[tilespmem:$0x1C200] =	vst v63  }
0x72: {  	_ =	swait.ge [sflag:s24], $0x4000  }
0x73: {  	[sflag:s24] =	ssyncset.done $0x0  }
0x74: {  	[sflag:s24] =	ssyncadd.s32 $0xFFFFC000  }
0x75: {  	[spmem:s2] =	stream.indirect.scatter.add.f32 [tilespmem:s21], [sflag:$0x4], $0x80, s20, s17, $0xb8;
	[tilespmem:$0x1C200] =	vst v63  }
0x76: {  	_ =	swait.ge [sflag:s23], $0x4000  }
0x77: {  	[sflag:s23] =	ssyncset.done $0x0  }
0x78: {  	[sflag:s23] =	ssyncadd.s32 $0xFFFFC000  }
0x79: {  	_ =	swait.ge [sflag:s25], $0x4000  }
0x7a: {  	s26 =	sadd.s32 $0x1, s26;
	[sflag:s25] =	ssyncset.done $0x0  }
0x7b: {  	p0 =	sne.s32 s26, s12;
	[sflag:s25] =	ssyncadd.s32 $0xFFFFC000  }
.Ltmp1:
0x7c: {  	[bflag:$0x0] =	sbarrier.arrive $0xFFFF;
	(pc) =	sbr.rel @p0 .LBB2_1-.Ltmp1, $4  }
0x7d: {  	[hbm:s11], [sflag:s6] =	dma.local [spmem:s15], $0x2800  }
0x7e: {  	_ =	swait.ge [sflag:s16], $0x2800  }
0x7f: {  	[sflag:s16] =	ssyncset.done $0x0  }
0x80: {  	[sflag:s16] =	ssyncadd.s32 $0xFFFFD800  }
0x81: {  	_ =	sfence.sel $0x180000  }
0x82: {  	[bflag:$0x0] =	sbarrier.arrive $0xFFFF  }
0x83: {  	p0 =	sne.s32 s1, $0x0;
	_ =	strace $0x90000053  }
0x84: {  	s0 =	sadd.s32 @!p0 $0x100000, s0;
	[bflag:$0x2] =	sbarrier.arrive $0xFFFF  }
0x85: {  	[sflag:s0] =	ssyncadd.tile.s32 @!p0 $0x1;
	_ =	shalt  }
.Lfunc_end2:
_tile_overlayer_lowered:
.L_overlay_start_2:
0x86: {  	(tag) =	ssettag $0x2  }
0x87: {  	s0 =	rddreg [dreg:$0x0];
	s2 =	stileid.u32  }
0x88: {  	s1 =	rddreg [dreg:$0x1];
	p0 =	sne.s32 s2, $0x0  }
0x89: {  	s3 =	rddreg [dreg:$0x2];
	[bflag:$0x3] =	sbarrier.arrive $0xFFFF;
	s2 =	simm.s32 @!p0 $0x1C05  }
0x8a: {  	[timem:s3], [sflag:s2] =	dma.local @!p0 [hbm:s0], s1  }
0x8b: {  	s0 =	simm.s32 @!p0 $0x5  }
0x8c: {  	_ =	swait.ge @!p0 [sflag:s0], s1  }
0x8d: {  	s1 =	ssub.s32 @!p0 $0x0, s1;
	[sflag:s0] =	ssyncset.done @!p0 $0x0  }
0x8e: {  	[sflag:s0] =	ssyncadd.s32 @!p0 s1  }
0x8f: {  	[bflag:$0x3] =	sbarrier.arrive $0xFFFF  }
0x90: {  	_ =	shalt  }

</sc_bundles>
